<compile_context>
chip_gen: v7x
topology: tpu7x:2x2x1
jax: 0.10.2.dev20260603
libtpu: 0.0.44.dev20260713+nightly
codegen_flags: <defaults>
</compile_context>

<pallas_src>
import functools
import jax
import jax.numpy as jnp
from jax import lax
from jax.experimental import pallas as pl
from jax.experimental.pallas import tpu as pltpu
from jax.experimental.pallas import tpu_sc as plsc

N = 100000
E = 1600000
SD = 32
VD = 8
HD = 64

NPAD = 100352
EPAD = 1605632
BN = 1024
BE = 2048
NG = EPAD // 128
ROWS_T = NPAD // 16


def _silu(x):
    return x * jax.nn.sigmoid(x)


def _stage_a_body(h, vx, vy, px, py, th, pW1, pb1, pW2, pb2, pW3, pb3,
                  ts_ref, tr_ref):
    hb = h[...]
    x = _silu(jnp.dot(hb, pW1[...], preferred_element_type=jnp.float32) + pb1[...])
    x = _silu(jnp.dot(x, pW2[...], preferred_element_type=jnp.float32) + pb2[...])
    psi = jnp.dot(x, pW3[...], preferred_element_type=jnp.float32) + pb3[...]
    c = jnp.cos(th[...])
    s = jnp.sin(th[...])
    vxb = vx[...]
    vyb = vy[...]
    ts_ref[:, 0:32] = hb
    ts_ref[:, 32:40] = c * vxb - s * vyb
    ts_ref[:, 40:48] = s * vxb + c * vyb
    ts_ref[:, 48:56] = psi
    ts_ref[:, 56:64] = jnp.sqrt(vxb * vxb + vyb * vyb)
    ts_ref[:, 64:65] = px[...]
    ts_ref[:, 65:66] = py[...]
    ts_ref[:, 66:67] = c
    ts_ref[:, 67:68] = s
    ts_ref[:, 68:80] = jnp.zeros_like(ts_ref[:, 68:80])
    tr_ref[:, 0:32] = hb
    tr_ref[:, 32:33] = px[...]
    tr_ref[:, 33:34] = py[...]
    tr_ref[:, 34:35] = c
    tr_ref[:, 35:36] = s
    tr_ref[:, 36:48] = jnp.zeros_like(tr_ref[:, 36:48])


def _stage_a(h, vx, vy, px, py, th, pW1, pb1, pW2, pb2, pW3, pb3):
    nblk = NPAD // BN
    row = lambda i: (i, 0)
    fix = lambda i: (0, 0)
    return pl.pallas_call(
        _stage_a_body,
        grid=(nblk,),
        in_specs=[
            pl.BlockSpec((BN, SD), row),
            pl.BlockSpec((BN, VD), row),
            pl.BlockSpec((BN, VD), row),
            pl.BlockSpec((BN, 1), row),
            pl.BlockSpec((BN, 1), row),
            pl.BlockSpec((BN, 1), row),
            pl.BlockSpec((SD, HD), fix),
            pl.BlockSpec((1, HD), fix),
            pl.BlockSpec((HD, HD), fix),
            pl.BlockSpec((1, HD), fix),
            pl.BlockSpec((HD, VD), fix),
            pl.BlockSpec((1, VD), fix),
        ],
        out_specs=[
            pl.BlockSpec((BN, 80), row),
            pl.BlockSpec((BN, 48), row),
        ],
        out_shape=[
            jax.ShapeDtypeStruct((NPAD, 80), jnp.float32),
            jax.ShapeDtypeStruct((NPAD, 48), jnp.float32),
        ],
    )(h, vx, vy, px, py, th, pW1, pb1, pW2, pb2, pW3, pb3)


def _stage_b_body(ts_hbm, tr_hbm, sidx_hbm, ridx_hbm, gs_hbm, gr_hbm,
                  sidx_v, ridx_v, gs_v, gr_v):
    cid = lax.axis_index("c")
    sid = lax.axis_index("s")
    wid = cid * 16 + sid
    nbatch = NG // 128
    per_w = NG // (4 * 32)

    def body(i, _):
        b0 = wid * per_w + i
        g0 = b0 * 4
        pltpu.sync_copy(sidx_hbm.at[pl.ds(g0, 4)], sidx_v)
        pltpu.sync_copy(ridx_hbm.at[pl.ds(g0, 4)], ridx_v)
        for j in range(4):
            pltpu.sync_copy(ts_hbm.at[sidx_v.at[j]], gs_v.at[pl.ds(j * 128, 128)])
            pltpu.sync_copy(tr_hbm.at[ridx_v.at[j]], gr_v.at[pl.ds(j * 128, 128)])
        e0 = g0 * 128
        pltpu.sync_copy(gs_v, gs_hbm.at[pl.ds(e0, 512)])
        pltpu.sync_copy(gr_v, gr_hbm.at[pl.ds(e0, 512)])
        return ()

    lax.fori_loop(0, per_w, body, (), unroll=False)


def _stage_b(ts, tr, sidx2d, ridx2d):
    mesh = plsc.VectorSubcoreMesh(core_axis_name="c", subcore_axis_name="s")
    f = pl.kernel(
        _stage_b_body,
        out_type=[
            jax.ShapeDtypeStruct((EPAD, 80), jnp.float32),
            jax.ShapeDtypeStruct((EPAD, 48), jnp.float32),
        ],
        mesh=mesh,
        scratch_types=[
            pltpu.VMEM((4, 128), jnp.int32),
            pltpu.VMEM((4, 128), jnp.int32),
            pltpu.VMEM((512, 80), jnp.float32),
            pltpu.VMEM((512, 48), jnp.float32),
        ],
        compiler_params=pltpu.CompilerParams(use_tc_tiling_on_sc=False),
    )
    return f(ts, tr, sidx2d, ridx2d)


def _stage_c_body(gs, gr, W1s, W1r, Wr, Wc, Ws, Wvn, Wvd, b1,
                  W2, b2, W3, b3, msga_ref, msgb_ref, msgc_ref):
    gsb = gs[...]
    grb = gr[...]
    hs = gsb[:, 0:32]
    wsx = gsb[:, 32:40]
    wsy = gsb[:, 40:48]
    psis = gsb[:, 48:56]
    vns = gsb[:, 56:64]
    hr = grb[:, 0:32]
    dx = gsb[:, 64:65] - grb[:, 32:33]
    dy = gsb[:, 65:66] - grb[:, 33:34]
    r = jnp.sqrt(dx * dx + dy * dy)
    inv = 1.0 / (r + 1e-8)
    ux = dx * inv
    uy = dy * inv
    cs = gsb[:, 66:67]
    ss = gsb[:, 67:68]
    cr = grb[:, 34:35]
    sr = grb[:, 35:36]
    cd = cs * cr + ss * sr
    sd = ss * cr - cs * sr
    vd = wsx * ux + wsy * uy
    x1 = (jnp.dot(hs, W1s[...], preferred_element_type=jnp.float32)
          + jnp.dot(hr, W1r[...], preferred_element_type=jnp.float32))
    pre1 = (x1 + r * Wr[...] + cd * Wc[...] + sd * Ws[...]
            + jnp.dot(vns, Wvn[...], preferred_element_type=jnp.float32)
            + jnp.dot(vd, Wvd[...], preferred_element_type=jnp.float32)
            + b1[...])
    h1 = _silu(pre1)
    h2 = _silu(jnp.dot(h1, W2[...], preferred_element_type=jnp.float32) + b2[...])
    o3 = jnp.dot(h2, W3[...], preferred_element_type=jnp.float32) + b3[...]
    a = o3[:, 0:8]
    b_ = o3[:, 8:16]
    c_ = o3[:, 16:24]
    coef = b_ + c_ * psis
    msga_ref[...] = o3[:, 24:40]
    msgb_ref[...] = o3[:, 40:56]
    msgc_ref[:, 0:8] = a * wsx + coef * ux
    msgc_ref[:, 8:16] = a * wsy + coef * uy


def _stage_c(gs, gr, W1s, W1r, Wr, Wc, Ws, Wvn, Wvd, b1, W2, b2, W3, b3):
    nblk = EPAD // BE
    row = lambda i: (i, 0)
    fix = lambda i: (0, 0)
    return pl.pallas_call(
        _stage_c_body,
        grid=(nblk,),
        in_specs=[
            pl.BlockSpec((BE, 80), row),
            pl.BlockSpec((BE, 48), row),
            pl.BlockSpec((SD, 128), fix),
            pl.BlockSpec((SD, 128), fix),
            pl.BlockSpec((1, 128), fix),
            pl.BlockSpec((1, 128), fix),
            pl.BlockSpec((1, 128), fix),
            pl.BlockSpec((VD, 128), fix),
            pl.BlockSpec((VD, 128), fix),
            pl.BlockSpec((1, 128), fix),
            pl.BlockSpec((128, 128), fix),
            pl.BlockSpec((1, 128), fix),
            pl.BlockSpec((128, 56), fix),
            pl.BlockSpec((1, 56), fix),
        ],
        out_specs=[
            pl.BlockSpec((BE, 16), row),
            pl.BlockSpec((BE, 16), row),
            pl.BlockSpec((BE, 16), row),
        ],
        out_shape=[
            jax.ShapeDtypeStruct((EPAD, 16), jnp.float32),
            jax.ShapeDtypeStruct((EPAD, 16), jnp.float32),
            jax.ShapeDtypeStruct((EPAD, 16), jnp.float32),
        ],
    )(gs, gr, W1s, W1r, Wr, Wc, Ws, Wvn, Wvd, b1, W2, b2, W3, b3)


def _scatter_pass(msg_hbm, ridx_hbm, zer_hbm, out_hbm, acc, ibuf, vbuf,
                  sid, g_base, groups_per_tile):
    rows = pl.ds(sid * ROWS_T, ROWS_T)
    pltpu.sync_copy(zer_hbm.at[rows], acc.at[rows])
    plsc.subcore_barrier()
    nbatch = groups_per_tile // 4

    def body(i, _):
        g0 = g_base + sid * groups_per_tile + i * 4
        pltpu.sync_copy(ridx_hbm.at[pl.ds(g0, 4)], ibuf)
        pltpu.sync_copy(msg_hbm.at[pl.ds(g0 * 128, 512)], vbuf)
        for j in range(4):
            pltpu.sync_copy(vbuf.at[pl.ds(j * 128, 128)],
                            acc.at[ibuf.at[j]], add=True)
        return ()

    lax.fori_loop(0, nbatch, body, (), unroll=False)
    plsc.subcore_barrier()
    pltpu.sync_copy(acc.at[rows], out_hbm.at[rows])
    plsc.subcore_barrier()


def _stage_d_body(msga_hbm, msgb_hbm, msgc_hbm, ridx_hbm, zer_hbm,
                  a0_hbm, a1_hbm, a2a_hbm, a2b_hbm, acc, ibuf, vbuf):
    cid = lax.axis_index("c")
    sid = lax.axis_index("s")
    half = NG // 2

    @pl.when(cid == 0)
    def _():
        _scatter_pass(msga_hbm, ridx_hbm, zer_hbm, a0_hbm, acc, ibuf, vbuf,
                      sid, 0, NG // 16)
        _scatter_pass(msgc_hbm, ridx_hbm, zer_hbm, a2a_hbm, acc, ibuf, vbuf,
                      sid, 0, half // 16)

    @pl.when(cid == 1)
    def _():
        _scatter_pass(msgb_hbm, ridx_hbm, zer_hbm, a1_hbm, acc, ibuf, vbuf,
                      sid, 0, NG // 16)
        _scatter_pass(msgc_hbm, ridx_hbm, zer_hbm, a2b_hbm, acc, ibuf, vbuf,
                      sid, half, half // 16)


def _stage_d(msga, msgb, msgc, ridx2d, zer):
    mesh = plsc.VectorSubcoreMesh(core_axis_name="c", subcore_axis_name="s")
    f = pl.kernel(
        _stage_d_body,
        out_type=[
            jax.ShapeDtypeStruct((NPAD, 16), jnp.float32),
            jax.ShapeDtypeStruct((NPAD, 16), jnp.float32),
            jax.ShapeDtypeStruct((NPAD, 16), jnp.float32),
            jax.ShapeDtypeStruct((NPAD, 16), jnp.float32),
        ],
        mesh=mesh,
        scratch_types=[
            pltpu.VMEM_SHARED((NPAD, 16), jnp.float32),
            pltpu.VMEM((4, 128), jnp.int32),
            pltpu.VMEM((512, 16), jnp.float32),
        ],
        compiler_params=pltpu.CompilerParams(use_tc_tiling_on_sc=False),
    )
    return f(msga, msgb, msgc, ridx2d, zer)


def _stage_e_body(h, vx, vy, th, a0, a1, a2a, a2b, hn_ref, vxn_ref, vyn_ref):
    hn_ref[:, 0:16] = h[:, 0:16] + a0[...]
    hn_ref[:, 16:32] = h[:, 16:32] + a1[...]
    m = a2a[...] + a2b[...]
    mx = m[:, 0:8]
    my = m[:, 8:16]
    c = jnp.cos(th[...])
    s = jnp.sin(th[...])
    vxn_ref[...] = vx[...] + c * mx + s * my
    vyn_ref[...] = vy[...] - s * mx + c * my


def _stage_e(h, vx, vy, th, a0, a1, a2a, a2b):
    nblk = NPAD // BN
    row = lambda i: (i, 0)
    return pl.pallas_call(
        _stage_e_body,
        grid=(nblk,),
        in_specs=[
            pl.BlockSpec((BN, SD), row),
            pl.BlockSpec((BN, VD), row),
            pl.BlockSpec((BN, VD), row),
            pl.BlockSpec((BN, 1), row),
            pl.BlockSpec((BN, 16), row),
            pl.BlockSpec((BN, 16), row),
            pl.BlockSpec((BN, 16), row),
            pl.BlockSpec((BN, 16), row),
        ],
        out_specs=[
            pl.BlockSpec((BN, SD), row),
            pl.BlockSpec((BN, VD), row),
            pl.BlockSpec((BN, VD), row),
        ],
        out_shape=[
            jax.ShapeDtypeStruct((NPAD, SD), jnp.float32),
            jax.ShapeDtypeStruct((NPAD, VD), jnp.float32),
            jax.ShapeDtypeStruct((NPAD, VD), jnp.float32),
        ],
    )(h, vx, vy, th, a0, a1, a2a, a2b)


def kernel(h, v, midpoint_pos, midpoint_theta, senders, receivers,
           gW1, gb1, gW2, gb2, gW3, gb3, pW1, pb1, pW2, pb2, pW3, pb3,
           sW1, sb1, sW2, sb2, sW3, sb3):
    f32 = jnp.float32
    padn = NPAD - N
    hp = jnp.pad(h, ((0, padn), (0, 0)))
    vxp = jnp.pad(v[:, :, 0], ((0, padn), (0, 0)))
    vyp = jnp.pad(v[:, :, 1], ((0, padn), (0, 0)))
    pxp = jnp.pad(midpoint_pos[:, 0:1], ((0, padn), (0, 0)))
    pyp = jnp.pad(midpoint_pos[:, 1:2], ((0, padn), (0, 0)))
    thp = jnp.pad(midpoint_theta[:, None], ((0, padn), (0, 0)))

    pade = EPAD - E
    sidx = jnp.pad(senders.astype(jnp.int32), (0, pade)).reshape(NG, 128)
    ridx = jnp.pad(receivers.astype(jnp.int32), (0, pade),
                   constant_values=N).reshape(NG, 128)

    W1s = jnp.concatenate([gW1[0:32], sW1[0:32]], axis=1)
    W1r = jnp.concatenate([gW1[32:64], sW1[32:64]], axis=1)
    Wr = jnp.concatenate([gW1[64:65], sW1[64:65]], axis=1)
    Wc = jnp.concatenate([gW1[65:66], sW1[65:66]], axis=1)
    Ws = jnp.concatenate([gW1[66:67], sW1[66:67]], axis=1)
    z864 = jnp.zeros((8, 64), f32)
    Wvn = jnp.concatenate([z864, sW1[67:75]], axis=1)
    Wvd = jnp.concatenate([z864, sW1[75:83]], axis=1)
    b1c = jnp.concatenate([gb1, sb1])[None, :]
    W2b = jnp.zeros((128, 128), f32).at[0:64, 0:64].set(gW2).at[64:128, 64:128].set(sW2)
    b2c = jnp.concatenate([gb2, sb2])[None, :]
    W3b = jnp.zeros((128, 56), f32).at[0:64, 0:24].set(gW3).at[64:128, 24:56].set(sW3)
    b3c = jnp.concatenate([gb3, sb3])[None, :]

    ts, tr = _stage_a(hp, vxp, vyp, pxp, pyp, thp,
                      pW1, pb1[None, :], pW2, pb2[None, :], pW3, pb3[None, :])
    gs, gr = _stage_b(ts, tr, sidx, ridx)
    msga, msgb, msgc = _stage_c(gs, gr, W1s, W1r, Wr, Wc, Ws, Wvn, Wvd,
                                b1c, W2b, b2c, W3b, b3c)
    zer = jnp.zeros((NPAD, 16), f32)
    a0, a1, a2a, a2b = _stage_d(msga, msgb, msgc, ridx, zer)
    hn, vxn, vyn = _stage_e(hp, vxp, vyp, thp, a0, a1, a2a, a2b)
    h_new = hn[:N]
    v_new = jnp.stack([vxn[:N], vyn[:N]], axis=-1)
    return (h_new, v_new)

# --- scband reference (transcript-rebuilt; emitter-appended) ---
"""Pipeline reference for scband-edge-midpoint-egnnlayer-6502580486287 (READ-ONLY COPY).

The authoritative reference and input builder live on the scoring server;
editing this copy changes nothing except your own understanding.
"""

import jax, jax.numpy as jnp
import numpy as np

N = 100000
E = 1600000
SD = 32
VD = 8
HD = 64

def _lin_init(key, din, dout):
    return jax.random.normal(key, (din, dout), jnp.float32) / np.sqrt(din)

def setup_inputs(seed: int = 0):
    key = jax.random.key(seed)
    ks = jax.random.split(key, 16)
    inp = {}
    inp["h"] = jax.random.normal(ks[0], (N, SD), jnp.float32)
    inp["v"] = jax.random.normal(ks[1], (N, VD, 2), jnp.float32)
    inp["midpoint_pos"] = jax.random.normal(ks[2], (N, 2), jnp.float32)
    inp["midpoint_theta"] = jax.random.normal(ks[3], (N,), jnp.float32)
    inp["senders"] = jax.random.randint(ks[4], (E,), 0, N)
    inp["receivers"] = jax.random.randint(ks[5], (E,), 0, N)
    gate_in = 2 * SD + 3
    scal_in = 2 * SD + 2 + 2 * VD + 1
    dims = {"g": (gate_in, 3 * VD), "p": (SD, VD), "s": (scal_in, SD)}
    i = 6
    for name, (din, dout) in dims.items():
        inp[name + "W1"] = _lin_init(ks[i], din, HD)
        inp[name + "b1"] = jnp.zeros((HD,), jnp.float32)
        inp[name + "W2"] = _lin_init(ks[i + 1], HD, HD)
        inp[name + "b2"] = jnp.zeros((HD,), jnp.float32)
        inp[name + "W3"] = _lin_init(ks[i + 2], HD, dout)
        inp[name + "b3"] = jnp.zeros((dout,), jnp.float32)
        i += 3
    return inp

def _mlp(x, W1, b1, W2, b2, W3, b3):
    x = jax.nn.silu(x @ W1 + b1)
    x = jax.nn.silu(x @ W2 + b2)
    return x @ W3 + b3

def _rotate(vectors, theta):
    cos = jnp.cos(theta)
    sin = jnp.sin(theta)
    rotT = jnp.stack([jnp.stack([cos, sin], -1), jnp.stack([-sin, cos], -1)], -2)
    return jnp.einsum('ekd,edm->ekm', vectors, rotT)

def reference(h, v, midpoint_pos, midpoint_theta, senders, receivers, gW1, gb1, gW2, gb2, gW3, gb3, pW1, pb1, pW2, pb2, pW3, pb3, sW1, sb1, sW2, sb2, sW3, sb3):
    d = midpoint_pos[senders] - midpoint_pos[receivers]
    r = jnp.linalg.norm(d, axis=-1, keepdims=True)
    u = d / (r + 1e-08)
    theta_j = midpoint_theta[receivers]
    theta_i = midpoint_theta[senders]
    dth = theta_i - theta_j
    u_rf = _rotate(u[:, None, :], -theta_j)[:, 0, :]
    v_i = v[senders]
    v_itoj = _rotate(v_i, dth)
    gate_inputs = jnp.concatenate([h[senders], h[receivers], r, jnp.cos(dth)[:, None], jnp.sin(dth)[:, None]], axis=-1)
    gates = _mlp(gate_inputs, gW1, gb1, gW2, gb2, gW3, gb3)
    a, b, c = jnp.split(gates, 3, axis=-1)
    psi_h = _mlp(h[senders], pW1, pb1, pW2, pb2, pW3, pb3)
    vec_msg = a[..., None] * v_itoj + b[..., None] * u_rf[:, None, :] + c[..., None] * psi_h[..., None] * u_rf[:, None, :]
    v_new = v + jnp.zeros_like(v).at[receivers].add(vec_msg)
    v_norm = jnp.linalg.norm(v_itoj, axis=-1)
    v_dot = (v_itoj * u_rf[:, None, :]).sum(axis=-1)
    scalar_inputs = jnp.concatenate([h[senders], h[receivers], r, jnp.cos(dth)[:, None], jnp.sin(dth)[:, None], v_norm, v_dot], axis=-1)
    delta_h = _mlp(scalar_inputs, sW1, sb1, sW2, sb2, sW3, sb3)
    h_new = h + jnp.zeros_like(h).at[receivers].add(delta_h)
    return (h_new, v_new)

if __name__ == "__main__":
    import jax
    _d = setup_inputs()
    print(jax.jit(kernel)(*tuple(_d.values())))

</pallas_src>

<mosaic_0001>
#map = affine_map<(d0, d1) -> (0, 0)>
module attributes {stable_mosaic.version = 14 : i64} {
  func.func @_stage_b_body(%arg0: i32, %arg1: i32, %arg2: memref<100352x80xf32, #tpu.memory_space<hbm>>, %arg3: memref<100352x48xf32, #tpu.memory_space<hbm>>, %arg4: memref<12544x128xi32, #tpu.memory_space<hbm>>, %arg5: memref<12544x128xi32, #tpu.memory_space<hbm>>, %arg6: memref<1605632x80xf32, #tpu.memory_space<hbm>>, %arg7: memref<1605632x48xf32, #tpu.memory_space<hbm>>, %arg8: memref<4x128xi32, #tpu.memory_space<vmem>>, %arg9: memref<4x128xi32, #tpu.memory_space<vmem>>, %arg10: memref<512x80xf32, #tpu.memory_space<vmem>>, %arg11: memref<512x48xf32, #tpu.memory_space<vmem>>) attributes {dimension_semantics = [#tpu.dimension_semantics<core_parallel>, #tpu.dimension_semantics<subcore_parallel>], iteration_bounds = array<i64: 2, 16>, scalar_prefetch = 0 : i64, scratch_operands = 4 : i64, tpu.core_type = #tpu.core_type<sc_vector_subcore>, window_params = [{transform_indices = #map}, {transform_indices = #map}, {transform_indices = #map}, {transform_indices = #map}, {transform_indices = #map}, {transform_indices = #map}]} {
    %mul3A = arith.constant 16 : i32
    %mul3A_0 = arith.muli %arg0, %mul3A : i32
    %add3A = arith.addi %mul3A_0, %arg1 : i32
    %scan3A = arith.constant 0 : i32
    %scan3A_1 = arith.constant 98 : i32
    %scan3A_2 = arith.addi %scan3A, %scan3A_1 : i32
    %scan3A_3 = arith.constant 1 : i32
    scf.for %scan3A_5 = %scan3A to %scan3A_2 step %scan3A_3  : i32 {
      %mul3A_6 = arith.constant 98 : i32
      %mul3A_7 = arith.muli %add3A, %mul3A_6 : i32
      %add3A_8 = arith.addi %mul3A_7, %scan3A_5 : i32
      %mul3A_9 = arith.constant 4 : i32
      %mul3A_10 = arith.muli %add3A_8, %mul3A_9 : i32
      "tpu.region"() ({
        %run_scoped3A_20 = tpu.sem_alloc : memref<!tpu.dma_semaphore, #tpu.memory_space<semaphore_mem>>
        %dma_start3A = arith.constant 0 : i32
        %dma_start3A_21 = tpu.memref_slice %arg4[%mul3A_10, %dma_start3A] : memref<12544x128xi32, #tpu.memory_space<hbm>> -> memref<4x128xi32, #tpu.memory_space<hbm>>
        %dma_start3A_22 = arith.constant 0 : i32
        %dma_start3A_23 = tpu.memref_slice %arg4[%mul3A_10, %dma_start3A_22] : memref<12544x128xi32, #tpu.memory_space<hbm>> -> memref<4x128xi32, #tpu.memory_space<hbm>>
        tpu.enqueue_dma source(%dma_start3A_23 : memref<4x128xi32, #tpu.memory_space<hbm>>) target(%arg8 : memref<4x128xi32, #tpu.memory_space<vmem>>) target_semaphore(%run_scoped3A_20 : memref<!tpu.dma_semaphore, #tpu.memory_space<semaphore_mem>>)
        %dma_wait3A = arith.constant 0 : i32
        %dma_wait3A_24 = tpu.memref_slice %arg4[%mul3A_10, %dma_wait3A] : memref<12544x128xi32, #tpu.memory_space<hbm>> -> memref<4x128xi32, #tpu.memory_space<hbm>>
        %dma_wait3A_25 = arith.constant 0 : i32
        %dma_wait3A_26 = tpu.memref_slice %arg4[%mul3A_10, %dma_wait3A_25] : memref<12544x128xi32, #tpu.memory_space<hbm>> -> memref<4x128xi32, #tpu.memory_space<hbm>>
        tpu.wait_dma2 semaphore(%run_scoped3A_20 : memref<!tpu.dma_semaphore, #tpu.memory_space<semaphore_mem>>) src(%dma_wait3A_26 : memref<4x128xi32, #tpu.memory_space<hbm>>) dst(%arg8 : memref<4x128xi32, #tpu.memory_space<vmem>>)
        tpu.yield
      }) : () -> ()
      "tpu.region"() ({
        %run_scoped3A_20 = tpu.sem_alloc : memref<!tpu.dma_semaphore, #tpu.memory_space<semaphore_mem>>
        %dma_start3A = arith.constant 0 : i32
        %dma_start3A_21 = tpu.memref_slice %arg5[%mul3A_10, %dma_start3A] : memref<12544x128xi32, #tpu.memory_space<hbm>> -> memref<4x128xi32, #tpu.memory_space<hbm>>
        %dma_start3A_22 = arith.constant 0 : i32
        %dma_start3A_23 = tpu.memref_slice %arg5[%mul3A_10, %dma_start3A_22] : memref<12544x128xi32, #tpu.memory_space<hbm>> -> memref<4x128xi32, #tpu.memory_space<hbm>>
        tpu.enqueue_dma source(%dma_start3A_23 : memref<4x128xi32, #tpu.memory_space<hbm>>) target(%arg9 : memref<4x128xi32, #tpu.memory_space<vmem>>) target_semaphore(%run_scoped3A_20 : memref<!tpu.dma_semaphore, #tpu.memory_space<semaphore_mem>>)
        %dma_wait3A = arith.constant 0 : i32
        %dma_wait3A_24 = tpu.memref_slice %arg5[%mul3A_10, %dma_wait3A] : memref<12544x128xi32, #tpu.memory_space<hbm>> -> memref<4x128xi32, #tpu.memory_space<hbm>>
        %dma_wait3A_25 = arith.constant 0 : i32
        %dma_wait3A_26 = tpu.memref_slice %arg5[%mul3A_10, %dma_wait3A_25] : memref<12544x128xi32, #tpu.memory_space<hbm>> -> memref<4x128xi32, #tpu.memory_space<hbm>>
        tpu.wait_dma2 semaphore(%run_scoped3A_20 : memref<!tpu.dma_semaphore, #tpu.memory_space<semaphore_mem>>) src(%dma_wait3A_26 : memref<4x128xi32, #tpu.memory_space<hbm>>) dst(%arg9 : memref<4x128xi32, #tpu.memory_space<vmem>>)
        tpu.yield
      }) : () -> ()
      %run_scoped3A = arith.constant 0 : i32
      "tpu.region"() ({
        %run_scoped3A_20 = tpu.sem_alloc : memref<!tpu.dma_semaphore, #tpu.memory_space<semaphore_mem>>
        %dma_start3A = arith.constant 0 : i32
        %dma_start3A_21 = arith.constant 0 : i32
        %dma_start3A_22 = tpu.memref_slice %arg10[%dma_start3A, %dma_start3A_21] : memref<512x80xf32, #tpu.memory_space<vmem>> -> memref<128x80xf32, #tpu.memory_space<vmem>>
        %dma_start3A_23 = arith.constant 0 : i32
        %dma_start3A_24 = tpu.memref_slice %arg8[%run_scoped3A, %dma_start3A_23] : memref<4x128xi32, #tpu.memory_space<vmem>> -> memref<1x128xi32, #tpu.memory_space<vmem>>
        %dma_start3A_25 = tpu.memref_squeeze %dma_start3A_24 : memref<1x128xi32, #tpu.memory_space<vmem>> -> memref<128xi32, #tpu.memory_space<vmem>>
        %dma_start3A_26 = arith.constant 0 : i32
        %dma_start3A_27 = arith.constant 0 : i32
        %dma_start3A_28 = tpu.memref_slice %arg2[%dma_start3A_26, %dma_start3A_27] : memref<100352x80xf32, #tpu.memory_space<hbm>> -> memref<100352x80xf32, #tpu.memory_space<hbm>>
        tpu.enqueue_indirect_dma source(%dma_start3A_28 : memref<100352x80xf32, #tpu.memory_space<hbm>>) target(%dma_start3A_22 : memref<128x80xf32, #tpu.memory_space<vmem>>) offsets(%dma_start3A_25 : memref<128xi32, #tpu.memory_space<vmem>>) semaphore(%run_scoped3A_20 : memref<!tpu.dma_semaphore, #tpu.memory_space<semaphore_mem>>)
        %dma_wait3A = arith.constant 0 : i32
        %dma_wait3A_29 = arith.constant 0 : i32
        %dma_wait3A_30 = tpu.memref_slice %arg10[%dma_wait3A, %dma_wait3A_29] : memref<512x80xf32, #tpu.memory_space<vmem>> -> memref<128x80xf32, #tpu.memory_space<vmem>>
        %dma_wait3A_31 = arith.constant 0 : i32
        %dma_wait3A_32 = tpu.memref_slice %arg8[%run_scoped3A, %dma_wait3A_31] : memref<4x128xi32, #tpu.memory_space<vmem>> -> memref<1x128xi32, #tpu.memory_space<vmem>>
        %dma_wait3A_33 = tpu.memref_squeeze %dma_wait3A_32 : memref<1x128xi32, #tpu.memory_space<vmem>> -> memref<128xi32, #tpu.memory_space<vmem>>
        %dma_wait3A_34 = arith.constant 0 : i32
        %dma_wait3A_35 = arith.constant 0 : i32
        %dma_wait3A_36 = tpu.memref_slice %arg2[%dma_wait3A_34, %dma_wait3A_35] : memref<100352x80xf32, #tpu.memory_space<hbm>> -> memref<100352x80xf32, #tpu.memory_space<hbm>>
        tpu.wait_indirect_dma semaphore(%run_scoped3A_20 : memref<!tpu.dma_semaphore, #tpu.memory_space<semaphore_mem>>) src(%dma_wait3A_36 : memref<100352x80xf32, #tpu.memory_space<hbm>>) dst(%dma_wait3A_30 : memref<128x80xf32, #tpu.memory_space<vmem>>)
        tpu.yield
      }) : () -> ()
      %run_scoped3A_11 = arith.constant 0 : i32
      "tpu.region"() ({
        %run_scoped3A_20 = tpu.sem_alloc : memref<!tpu.dma_semaphore, #tpu.memory_space<semaphore_mem>>
        %dma_start3A = arith.constant 0 : i32
        %dma_start3A_21 = arith.constant 0 : i32
        %dma_start3A_22 = tpu.memref_slice %arg11[%dma_start3A, %dma_start3A_21] : memref<512x48xf32, #tpu.memory_space<vmem>> -> memref<128x48xf32, #tpu.memory_space<vmem>>
        %dma_start3A_23 = arith.constant 0 : i32
        %dma_start3A_24 = tpu.memref_slice %arg9[%run_scoped3A_11, %dma_start3A_23] : memref<4x128xi32, #tpu.memory_space<vmem>> -> memref<1x128xi32, #tpu.memory_space<vmem>>
        %dma_start3A_25 = tpu.memref_squeeze %dma_start3A_24 : memref<1x128xi32, #tpu.memory_space<vmem>> -> memref<128xi32, #tpu.memory_space<vmem>>
        %dma_start3A_26 = arith.constant 0 : i32
        %dma_start3A_27 = arith.constant 0 : i32
        %dma_start3A_28 = tpu.memref_slice %arg3[%dma_start3A_26, %dma_start3A_27] : memref<100352x48xf32, #tpu.memory_space<hbm>> -> memref<100352x48xf32, #tpu.memory_space<hbm>>
        tpu.enqueue_indirect_dma source(%dma_start3A_28 : memref<100352x48xf32, #tpu.memory_space<hbm>>) target(%dma_start3A_22 : memref<128x48xf32, #tpu.memory_space<vmem>>) offsets(%dma_start3A_25 : memref<128xi32, #tpu.memory_space<vmem>>) semaphore(%run_scoped3A_20 : memref<!tpu.dma_semaphore, #tpu.memory_space<semaphore_mem>>)
        %dma_wait3A = arith.constant 0 : i32
        %dma_wait3A_29 = arith.constant 0 : i32
        %dma_wait3A_30 = tpu.memref_slice %arg11[%dma_wait3A, %dma_wait3A_29] : memref<512x48xf32, #tpu.memory_space<vmem>> -> memref<128x48xf32, #tpu.memory_space<vmem>>
        %dma_wait3A_31 = arith.constant 0 : i32
        %dma_wait3A_32 = tpu.memref_slice %arg9[%run_scoped3A_11, %dma_wait3A_31] : memref<4x128xi32, #tpu.memory_space<vmem>> -> memref<1x128xi32, #tpu.memory_space<vmem>>
        %dma_wait3A_33 = tpu.memref_squeeze %dma_wait3A_32 : memref<1x128xi32, #tpu.memory_space<vmem>> -> memref<128xi32, #tpu.memory_space<vmem>>
        %dma_wait3A_34 = arith.constant 0 : i32
        %dma_wait3A_35 = arith.constant 0 : i32
        %dma_wait3A_36 = tpu.memref_slice %arg3[%dma_wait3A_34, %dma_wait3A_35] : memref<100352x48xf32, #tpu.memory_space<hbm>> -> memref<100352x48xf32, #tpu.memory_space<hbm>>
        tpu.wait_indirect_dma semaphore(%run_scoped3A_20 : memref<!tpu.dma_semaphore, #tpu.memory_space<semaphore_mem>>) src(%dma_wait3A_36 : memref<100352x48xf32, #tpu.memory_space<hbm>>) dst(%dma_wait3A_30 : memref<128x48xf32, #tpu.memory_space<vmem>>)
        tpu.yield
      }) : () -> ()
      %run_scoped3A_12 = arith.constant 1 : i32
      "tpu.region"() ({
        %run_scoped3A_20 = tpu.sem_alloc : memref<!tpu.dma_semaphore, #tpu.memory_space<semaphore_mem>>
        %dma_start3A = arith.constant 128 : i32
        %dma_start3A_21 = arith.constant 0 : i32
        %dma_start3A_22 = tpu.memref_slice %arg10[%dma_start3A, %dma_start3A_21] : memref<512x80xf32, #tpu.memory_space<vmem>> -> memref<128x80xf32, #tpu.memory_space<vmem>>
        %dma_start3A_23 = arith.constant 0 : i32
        %dma_start3A_24 = tpu.memref_slice %arg8[%run_scoped3A_12, %dma_start3A_23] : memref<4x128xi32, #tpu.memory_space<vmem>> -> memref<1x128xi32, #tpu.memory_space<vmem>>
        %dma_start3A_25 = tpu.memref_squeeze %dma_start3A_24 : memref<1x128xi32, #tpu.memory_space<vmem>> -> memref<128xi32, #tpu.memory_space<vmem>>
        %dma_start3A_26 = arith.constant 0 : i32
        %dma_start3A_27 = arith.constant 0 : i32
        %dma_start3A_28 = tpu.memref_slice %arg2[%dma_start3A_26, %dma_start3A_27] : memref<100352x80xf32, #tpu.memory_space<hbm>> -> memref<100352x80xf32, #tpu.memory_space<hbm>>
        tpu.enqueue_indirect_dma source(%dma_start3A_28 : memref<100352x80xf32, #tpu.memory_space<hbm>>) target(%dma_start3A_22 : memref<128x80xf32, #tpu.memory_space<vmem>>) offsets(%dma_start3A_25 : memref<128xi32, #tpu.memory_space<vmem>>) semaphore(%run_scoped3A_20 : memref<!tpu.dma_semaphore, #tpu.memory_space<semaphore_mem>>)
        %dma_wait3A = arith.constant 128 : i32
        %dma_wait3A_29 = arith.constant 0 : i32
        %dma_wait3A_30 = tpu.memref_slice %arg10[%dma_wait3A, %dma_wait3A_29] : memref<512x80xf32, #tpu.memory_space<vmem>> -> memref<128x80xf32, #tpu.memory_space<vmem>>
        %dma_wait3A_31 = arith.constant 0 : i32
        %dma_wait3A_32 = tpu.memref_slice %arg8[%run_scoped3A_12, %dma_wait3A_31] : memref<4x128xi32, #tpu.memory_space<vmem>> -> memref<1x128xi32, #tpu.memory_space<vmem>>
        %dma_wait3A_33 = tpu.memref_squeeze %dma_wait3A_32 : memref<1x128xi32, #tpu.memory_space<vmem>> -> memref<128xi32, #tpu.memory_space<vmem>>
        %dma_wait3A_34 = arith.constant 0 : i32
        %dma_wait3A_35 = arith.constant 0 : i32
        %dma_wait3A_36 = tpu.memref_slice %arg2[%dma_wait3A_34, %dma_wait3A_35] : memref<100352x80xf32, #tpu.memory_space<hbm>> -> memref<100352x80xf32, #tpu.memory_space<hbm>>
        tpu.wait_indirect_dma semaphore(%run_scoped3A_20 : memref<!tpu.dma_semaphore, #tpu.memory_space<semaphore_mem>>) src(%dma_wait3A_36 : memref<100352x80xf32, #tpu.memory_space<hbm>>) dst(%dma_wait3A_30 : memref<128x80xf32, #tpu.memory_space<vmem>>)
        tpu.yield
      }) : () -> ()
      %run_scoped3A_13 = arith.constant 1 : i32
      "tpu.region"() ({
        %run_scoped3A_20 = tpu.sem_alloc : memref<!tpu.dma_semaphore, #tpu.memory_space<semaphore_mem>>
        %dma_start3A = arith.constant 128 : i32
        %dma_start3A_21 = arith.constant 0 : i32
        %dma_start3A_22 = tpu.memref_slice %arg11[%dma_start3A, %dma_start3A_21] : memref<512x48xf32, #tpu.memory_space<vmem>> -> memref<128x48xf32, #tpu.memory_space<vmem>>
        %dma_start3A_23 = arith.constant 0 : i32
        %dma_start3A_24 = tpu.memref_slice %arg9[%run_scoped3A_13, %dma_start3A_23] : memref<4x128xi32, #tpu.memory_space<vmem>> -> memref<1x128xi32, #tpu.memory_space<vmem>>
        %dma_start3A_25 = tpu.memref_squeeze %dma_start3A_24 : memref<1x128xi32, #tpu.memory_space<vmem>> -> memref<128xi32, #tpu.memory_space<vmem>>
        %dma_start3A_26 = arith.constant 0 : i32
        %dma_start3A_27 = arith.constant 0 : i32
        %dma_start3A_28 = tpu.memref_slice %arg3[%dma_start3A_26, %dma_start3A_27] : memref<100352x48xf32, #tpu.memory_space<hbm>> -> memref<100352x48xf32, #tpu.memory_space<hbm>>
        tpu.enqueue_indirect_dma source(%dma_start3A_28 : memref<100352x48xf32, #tpu.memory_space<hbm>>) target(%dma_start3A_22 : memref<128x48xf32, #tpu.memory_space<vmem>>) offsets(%dma_start3A_25 : memref<128xi32, #tpu.memory_space<vmem>>) semaphore(%run_scoped3A_20 : memref<!tpu.dma_semaphore, #tpu.memory_space<semaphore_mem>>)
        %dma_wait3A = arith.constant 128 : i32
        %dma_wait3A_29 = arith.constant 0 : i32
        %dma_wait3A_30 = tpu.memref_slice %arg11[%dma_wait3A, %dma_wait3A_29] : memref<512x48xf32, #tpu.memory_space<vmem>> -> memref<128x48xf32, #tpu.memory_space<vmem>>
        %dma_wait3A_31 = arith.constant 0 : i32
        %dma_wait3A_32 = tpu.memref_slice %arg9[%run_scoped3A_13, %dma_wait3A_31] : memref<4x128xi32, #tpu.memory_space<vmem>> -> memref<1x128xi32, #tpu.memory_space<vmem>>
        %dma_wait3A_33 = tpu.memref_squeeze %dma_wait3A_32 : memref<1x128xi32, #tpu.memory_space<vmem>> -> memref<128xi32, #tpu.memory_space<vmem>>
        %dma_wait3A_34 = arith.constant 0 : i32
        %dma_wait3A_35 = arith.constant 0 : i32
        %dma_wait3A_36 = tpu.memref_slice %arg3[%dma_wait3A_34, %dma_wait3A_35] : memref<100352x48xf32, #tpu.memory_space<hbm>> -> memref<100352x48xf32, #tpu.memory_space<hbm>>
        tpu.wait_indirect_dma semaphore(%run_scoped3A_20 : memref<!tpu.dma_semaphore, #tpu.memory_space<semaphore_mem>>) src(%dma_wait3A_36 : memref<100352x48xf32, #tpu.memory_space<hbm>>) dst(%dma_wait3A_30 : memref<128x48xf32, #tpu.memory_space<vmem>>)
        tpu.yield
      }) : () -> ()
      %run_scoped3A_14 = arith.constant 2 : i32
      "tpu.region"() ({
        %run_scoped3A_20 = tpu.sem_alloc : memref<!tpu.dma_semaphore, #tpu.memory_space<semaphore_mem>>
        %dma_start3A = arith.constant 256 : i32
        %dma_start3A_21 = arith.constant 0 : i32
        %dma_start3A_22 = tpu.memref_slice %arg10[%dma_start3A, %dma_start3A_21] : memref<512x80xf32, #tpu.memory_space<vmem>> -> memref<128x80xf32, #tpu.memory_space<vmem>>
        %dma_start3A_23 = arith.constant 0 : i32
        %dma_start3A_24 = tpu.memref_slice %arg8[%run_scoped3A_14, %dma_start3A_23] : memref<4x128xi32, #tpu.memory_space<vmem>> -> memref<1x128xi32, #tpu.memory_space<vmem>>
        %dma_start3A_25 = tpu.memref_squeeze %dma_start3A_24 : memref<1x128xi32, #tpu.memory_space<vmem>> -> memref<128xi32, #tpu.memory_space<vmem>>
        %dma_start3A_26 = arith.constant 0 : i32
        %dma_start3A_27 = arith.constant 0 : i32
        %dma_start3A_28 = tpu.memref_slice %arg2[%dma_start3A_26, %dma_start3A_27] : memref<100352x80xf32, #tpu.memory_space<hbm>> -> memref<100352x80xf32, #tpu.memory_space<hbm>>
        tpu.enqueue_indirect_dma source(%dma_start3A_28 : memref<100352x80xf32, #tpu.memory_space<hbm>>) target(%dma_start3A_22 : memref<128x80xf32, #tpu.memory_space<vmem>>) offsets(%dma_start3A_25 : memref<128xi32, #tpu.memory_space<vmem>>) semaphore(%run_scoped3A_20 : memref<!tpu.dma_semaphore, #tpu.memory_space<semaphore_mem>>)
        %dma_wait3A = arith.constant 256 : i32
        %dma_wait3A_29 = arith.constant 0 : i32
        %dma_wait3A_30 = tpu.memref_slice %arg10[%dma_wait3A, %dma_wait3A_29] : memref<512x80xf32, #tpu.memory_space<vmem>> -> memref<128x80xf32, #tpu.memory_space<vmem>>
        %dma_wait3A_31 = arith.constant 0 : i32
        %dma_wait3A_32 = tpu.memref_slice %arg8[%run_scoped3A_14, %dma_wait3A_31] : memref<4x128xi32, #tpu.memory_space<vmem>> -> memref<1x128xi32, #tpu.memory_space<vmem>>
        %dma_wait3A_33 = tpu.memref_squeeze %dma_wait3A_32 : memref<1x128xi32, #tpu.memory_space<vmem>> -> memref<128xi32, #tpu.memory_space<vmem>>
        %dma_wait3A_34 = arith.constant 0 : i32
        %dma_wait3A_35 = arith.constant 0 : i32
        %dma_wait3A_36 = tpu.memref_slice %arg2[%dma_wait3A_34, %dma_wait3A_35] : memref<100352x80xf32, #tpu.memory_space<hbm>> -> memref<100352x80xf32, #tpu.memory_space<hbm>>
        tpu.wait_indirect_dma semaphore(%run_scoped3A_20 : memref<!tpu.dma_semaphore, #tpu.memory_space<semaphore_mem>>) src(%dma_wait3A_36 : memref<100352x80xf32, #tpu.memory_space<hbm>>) dst(%dma_wait3A_30 : memref<128x80xf32, #tpu.memory_space<vmem>>)
        tpu.yield
      }) : () -> ()
      %run_scoped3A_15 = arith.constant 2 : i32
      "tpu.region"() ({
        %run_scoped3A_20 = tpu.sem_alloc : memref<!tpu.dma_semaphore, #tpu.memory_space<semaphore_mem>>
        %dma_start3A = arith.constant 256 : i32
        %dma_start3A_21 = arith.constant 0 : i32
        %dma_start3A_22 = tpu.memref_slice %arg11[%dma_start3A, %dma_start3A_21] : memref<512x48xf32, #tpu.memory_space<vmem>> -> memref<128x48xf32, #tpu.memory_space<vmem>>
        %dma_start3A_23 = arith.constant 0 : i32
        %dma_start3A_24 = tpu.memref_slice %arg9[%run_scoped3A_15, %dma_start3A_23] : memref<4x128xi32, #tpu.memory_space<vmem>> -> memref<1x128xi32, #tpu.memory_space<vmem>>
        %dma_start3A_25 = tpu.memref_squeeze %dma_start3A_24 : memref<1x128xi32, #tpu.memory_space<vmem>> -> memref<128xi32, #tpu.memory_space<vmem>>
        %dma_start3A_26 = arith.constant 0 : i32
        %dma_start3A_27 = arith.constant 0 : i32
        %dma_start3A_28 = tpu.memref_slice %arg3[%dma_start3A_26, %dma_start3A_27] : memref<100352x48xf32, #tpu.memory_space<hbm>> -> memref<100352x48xf32, #tpu.memory_space<hbm>>
        tpu.enqueue_indirect_dma source(%dma_start3A_28 : memref<100352x48xf32, #tpu.memory_space<hbm>>) target(%dma_start3A_22 : memref<128x48xf32, #tpu.memory_space<vmem>>) offsets(%dma_start3A_25 : memref<128xi32, #tpu.memory_space<vmem>>) semaphore(%run_scoped3A_20 : memref<!tpu.dma_semaphore, #tpu.memory_space<semaphore_mem>>)
        %dma_wait3A = arith.constant 256 : i32
        %dma_wait3A_29 = arith.constant 0 : i32
        %dma_wait3A_30 = tpu.memref_slice %arg11[%dma_wait3A, %dma_wait3A_29] : memref<512x48xf32, #tpu.memory_space<vmem>> -> memref<128x48xf32, #tpu.memory_space<vmem>>
        %dma_wait3A_31 = arith.constant 0 : i32
        %dma_wait3A_32 = tpu.memref_slice %arg9[%run_scoped3A_15, %dma_wait3A_31] : memref<4x128xi32, #tpu.memory_space<vmem>> -> memref<1x128xi32, #tpu.memory_space<vmem>>
        %dma_wait3A_33 = tpu.memref_squeeze %dma_wait3A_32 : memref<1x128xi32, #tpu.memory_space<vmem>> -> memref<128xi32, #tpu.memory_space<vmem>>
        %dma_wait3A_34 = arith.constant 0 : i32
        %dma_wait3A_35 = arith.constant 0 : i32
        %dma_wait3A_36 = tpu.memref_slice %arg3[%dma_wait3A_34, %dma_wait3A_35] : memref<100352x48xf32, #tpu.memory_space<hbm>> -> memref<100352x48xf32, #tpu.memory_space<hbm>>
        tpu.wait_indirect_dma semaphore(%run_scoped3A_20 : memref<!tpu.dma_semaphore, #tpu.memory_space<semaphore_mem>>) src(%dma_wait3A_36 : memref<100352x48xf32, #tpu.memory_space<hbm>>) dst(%dma_wait3A_30 : memref<128x48xf32, #tpu.memory_space<vmem>>)
        tpu.yield
      }) : () -> ()
      %run_scoped3A_16 = arith.constant 3 : i32
      "tpu.region"() ({
        %run_scoped3A_20 = tpu.sem_alloc : memref<!tpu.dma_semaphore, #tpu.memory_space<semaphore_mem>>
        %dma_start3A = arith.constant 384 : i32
        %dma_start3A_21 = arith.constant 0 : i32
        %dma_start3A_22 = tpu.memref_slice %arg10[%dma_start3A, %dma_start3A_21] : memref<512x80xf32, #tpu.memory_space<vmem>> -> memref<128x80xf32, #tpu.memory_space<vmem>>
        %dma_start3A_23 = arith.constant 0 : i32
        %dma_start3A_24 = tpu.memref_slice %arg8[%run_scoped3A_16, %dma_start3A_23] : memref<4x128xi32, #tpu.memory_space<vmem>> -> memref<1x128xi32, #tpu.memory_space<vmem>>
        %dma_start3A_25 = tpu.memref_squeeze %dma_start3A_24 : memref<1x128xi32, #tpu.memory_space<vmem>> -> memref<128xi32, #tpu.memory_space<vmem>>
        %dma_start3A_26 = arith.constant 0 : i32
        %dma_start3A_27 = arith.constant 0 : i32
        %dma_start3A_28 = tpu.memref_slice %arg2[%dma_start3A_26, %dma_start3A_27] : memref<100352x80xf32, #tpu.memory_space<hbm>> -> memref<100352x80xf32, #tpu.memory_space<hbm>>
        tpu.enqueue_indirect_dma source(%dma_start3A_28 : memref<100352x80xf32, #tpu.memory_space<hbm>>) target(%dma_start3A_22 : memref<128x80xf32, #tpu.memory_space<vmem>>) offsets(%dma_start3A_25 : memref<128xi32, #tpu.memory_space<vmem>>) semaphore(%run_scoped3A_20 : memref<!tpu.dma_semaphore, #tpu.memory_space<semaphore_mem>>)
        %dma_wait3A = arith.constant 384 : i32
        %dma_wait3A_29 = arith.constant 0 : i32
        %dma_wait3A_30 = tpu.memref_slice %arg10[%dma_wait3A, %dma_wait3A_29] : memref<512x80xf32, #tpu.memory_space<vmem>> -> memref<128x80xf32, #tpu.memory_space<vmem>>
        %dma_wait3A_31 = arith.constant 0 : i32
        %dma_wait3A_32 = tpu.memref_slice %arg8[%run_scoped3A_16, %dma_wait3A_31] : memref<4x128xi32, #tpu.memory_space<vmem>> -> memref<1x128xi32, #tpu.memory_space<vmem>>
        %dma_wait3A_33 = tpu.memref_squeeze %dma_wait3A_32 : memref<1x128xi32, #tpu.memory_space<vmem>> -> memref<128xi32, #tpu.memory_space<vmem>>
        %dma_wait3A_34 = arith.constant 0 : i32
        %dma_wait3A_35 = arith.constant 0 : i32
        %dma_wait3A_36 = tpu.memref_slice %arg2[%dma_wait3A_34, %dma_wait3A_35] : memref<100352x80xf32, #tpu.memory_space<hbm>> -> memref<100352x80xf32, #tpu.memory_space<hbm>>
        tpu.wait_indirect_dma semaphore(%run_scoped3A_20 : memref<!tpu.dma_semaphore, #tpu.memory_space<semaphore_mem>>) src(%dma_wait3A_36 : memref<100352x80xf32, #tpu.memory_space<hbm>>) dst(%dma_wait3A_30 : memref<128x80xf32, #tpu.memory_space<vmem>>)
        tpu.yield
      }) : () -> ()
      %run_scoped3A_17 = arith.constant 3 : i32
      "tpu.region"() ({
        %run_scoped3A_20 = tpu.sem_alloc : memref<!tpu.dma_semaphore, #tpu.memory_space<semaphore_mem>>
        %dma_start3A = arith.constant 384 : i32
        %dma_start3A_21 = arith.constant 0 : i32
        %dma_start3A_22 = tpu.memref_slice %arg11[%dma_start3A, %dma_start3A_21] : memref<512x48xf32, #tpu.memory_space<vmem>> -> memref<128x48xf32, #tpu.memory_space<vmem>>
        %dma_start3A_23 = arith.constant 0 : i32
        %dma_start3A_24 = tpu.memref_slice %arg9[%run_scoped3A_17, %dma_start3A_23] : memref<4x128xi32, #tpu.memory_space<vmem>> -> memref<1x128xi32, #tpu.memory_space<vmem>>
        %dma_start3A_25 = tpu.memref_squeeze %dma_start3A_24 : memref<1x128xi32, #tpu.memory_space<vmem>> -> memref<128xi32, #tpu.memory_space<vmem>>
        %dma_start3A_26 = arith.constant 0 : i32
        %dma_start3A_27 = arith.constant 0 : i32
        %dma_start3A_28 = tpu.memref_slice %arg3[%dma_start3A_26, %dma_start3A_27] : memref<100352x48xf32, #tpu.memory_space<hbm>> -> memref<100352x48xf32, #tpu.memory_space<hbm>>
        tpu.enqueue_indirect_dma source(%dma_start3A_28 : memref<100352x48xf32, #tpu.memory_space<hbm>>) target(%dma_start3A_22 : memref<128x48xf32, #tpu.memory_space<vmem>>) offsets(%dma_start3A_25 : memref<128xi32, #tpu.memory_space<vmem>>) semaphore(%run_scoped3A_20 : memref<!tpu.dma_semaphore, #tpu.memory_space<semaphore_mem>>)
        %dma_wait3A = arith.constant 384 : i32
        %dma_wait3A_29 = arith.constant 0 : i32
        %dma_wait3A_30 = tpu.memref_slice %arg11[%dma_wait3A, %dma_wait3A_29] : memref<512x48xf32, #tpu.memory_space<vmem>> -> memref<128x48xf32, #tpu.memory_space<vmem>>
        %dma_wait3A_31 = arith.constant 0 : i32
        %dma_wait3A_32 = tpu.memref_slice %arg9[%run_scoped3A_17, %dma_wait3A_31] : memref<4x128xi32, #tpu.memory_space<vmem>> -> memref<1x128xi32, #tpu.memory_space<vmem>>
        %dma_wait3A_33 = tpu.memref_squeeze %dma_wait3A_32 : memref<1x128xi32, #tpu.memory_space<vmem>> -> memref<128xi32, #tpu.memory_space<vmem>>
        %dma_wait3A_34 = arith.constant 0 : i32
        %dma_wait3A_35 = arith.constant 0 : i32
        %dma_wait3A_36 = tpu.memref_slice %arg3[%dma_wait3A_34, %dma_wait3A_35] : memref<100352x48xf32, #tpu.memory_space<hbm>> -> memref<100352x48xf32, #tpu.memory_space<hbm>>
        tpu.wait_indirect_dma semaphore(%run_scoped3A_20 : memref<!tpu.dma_semaphore, #tpu.memory_space<semaphore_mem>>) src(%dma_wait3A_36 : memref<100352x48xf32, #tpu.memory_space<hbm>>) dst(%dma_wait3A_30 : memref<128x48xf32, #tpu.memory_space<vmem>>)
        tpu.yield
      }) : () -> ()
      %mul3A_18 = arith.constant 128 : i32
      %mul3A_19 = arith.muli %mul3A_10, %mul3A_18 : i32
      "tpu.region"() ({
        %run_scoped3A_20 = tpu.sem_alloc : memref<!tpu.dma_semaphore, #tpu.memory_space<semaphore_mem>>
        %dma_start3A = arith.constant 0 : i32
        %dma_start3A_21 = tpu.memref_slice %arg6[%mul3A_19, %dma_start3A] : memref<1605632x80xf32, #tpu.memory_space<hbm>> -> memref<512x80xf32, #tpu.memory_space<hbm>>
        %dma_start3A_22 = arith.constant 0 : i32
        %dma_start3A_23 = tpu.memref_slice %arg6[%mul3A_19, %dma_start3A_22] : memref<1605632x80xf32, #tpu.memory_space<hbm>> -> memref<512x80xf32, #tpu.memory_space<hbm>>
        tpu.enqueue_dma source(%arg10 : memref<512x80xf32, #tpu.memory_space<vmem>>) target(%dma_start3A_23 : memref<512x80xf32, #tpu.memory_space<hbm>>) target_semaphore(%run_scoped3A_20 : memref<!tpu.dma_semaphore, #tpu.memory_space<semaphore_mem>>)
        %dma_wait3A = arith.constant 0 : i32
        %dma_wait3A_24 = tpu.memref_slice %arg6[%mul3A_19, %dma_wait3A] : memref<1605632x80xf32, #tpu.memory_space<hbm>> -> memref<512x80xf32, #tpu.memory_space<hbm>>
        %dma_wait3A_25 = arith.constant 0 : i32
        %dma_wait3A_26 = tpu.memref_slice %arg6[%mul3A_19, %dma_wait3A_25] : memref<1605632x80xf32, #tpu.memory_space<hbm>> -> memref<512x80xf32, #tpu.memory_space<hbm>>
        tpu.wait_dma2 semaphore(%run_scoped3A_20 : memref<!tpu.dma_semaphore, #tpu.memory_space<semaphore_mem>>) src(%arg10 : memref<512x80xf32, #tpu.memory_space<vmem>>) dst(%dma_wait3A_26 : memref<512x80xf32, #tpu.memory_space<hbm>>)
        tpu.yield
      }) : () -> ()
      "tpu.region"() ({
        %run_scoped3A_20 = tpu.sem_alloc : memref<!tpu.dma_semaphore, #tpu.memory_space<semaphore_mem>>
        %dma_start3A = arith.constant 0 : i32
        %dma_start3A_21 = tpu.memref_slice %arg7[%mul3A_19, %dma_start3A] : memref<1605632x48xf32, #tpu.memory_space<hbm>> -> memref<512x48xf32, #tpu.memory_space<hbm>>
        %dma_start3A_22 = arith.constant 0 : i32
        %dma_start3A_23 = tpu.memref_slice %arg7[%mul3A_19, %dma_start3A_22] : memref<1605632x48xf32, #tpu.memory_space<hbm>> -> memref<512x48xf32, #tpu.memory_space<hbm>>
        tpu.enqueue_dma source(%arg11 : memref<512x48xf32, #tpu.memory_space<vmem>>) target(%dma_start3A_23 : memref<512x48xf32, #tpu.memory_space<hbm>>) target_semaphore(%run_scoped3A_20 : memref<!tpu.dma_semaphore, #tpu.memory_space<semaphore_mem>>)
        %dma_wait3A = arith.constant 0 : i32
        %dma_wait3A_24 = tpu.memref_slice %arg7[%mul3A_19, %dma_wait3A] : memref<1605632x48xf32, #tpu.memory_space<hbm>> -> memref<512x48xf32, #tpu.memory_space<hbm>>
        %dma_wait3A_25 = arith.constant 0 : i32
        %dma_wait3A_26 = tpu.memref_slice %arg7[%mul3A_19, %dma_wait3A_25] : memref<1605632x48xf32, #tpu.memory_space<hbm>> -> memref<512x48xf32, #tpu.memory_space<hbm>>
        tpu.wait_dma2 semaphore(%run_scoped3A_20 : memref<!tpu.dma_semaphore, #tpu.memory_space<semaphore_mem>>) src(%arg11 : memref<512x48xf32, #tpu.memory_space<vmem>>) dst(%dma_wait3A_26 : memref<512x48xf32, #tpu.memory_space<hbm>>)
        tpu.yield
      }) : () -> ()
    }
    %scan3A_4 = arith.constant 98 : i32
    return
  }
}

#map = affine_map<(d0, d1) -> (0, 0)>
module attributes {stable_mosaic.version = 14 : i64} {
  func.func @_stage_d_body(%arg0: i32, %arg1: i32, %arg2: memref<1605632x16xf32, #tpu.memory_space<hbm>>, %arg3: memref<1605632x16xf32, #tpu.memory_space<hbm>>, %arg4: memref<1605632x16xf32, #tpu.memory_space<hbm>>, %arg5: memref<12544x128xi32, #tpu.memory_space<hbm>>, %arg6: memref<100352x16xf32, #tpu.memory_space<hbm>>, %arg7: memref<100352x16xf32, #tpu.memory_space<hbm>>, %arg8: memref<100352x16xf32, #tpu.memory_space<hbm>>, %arg9: memref<100352x16xf32, #tpu.memory_space<hbm>>, %arg10: memref<100352x16xf32, #tpu.memory_space<hbm>>, %arg11: memref<100352x16xf32, #tpu.memory_space<vmem_shared>>, %arg12: memref<4x128xi32, #tpu.memory_space<vmem>>, %arg13: memref<512x16xf32, #tpu.memory_space<vmem>>) attributes {dimension_semantics = [#tpu.dimension_semantics<core_parallel>, #tpu.dimension_semantics<subcore_parallel>], iteration_bounds = array<i64: 2, 16>, scalar_prefetch = 0 : i64, scratch_operands = 3 : i64, tpu.core_type = #tpu.core_type<sc_vector_subcore>, window_params = [{transform_indices = #map}, {transform_indices = #map}, {transform_indices = #map}, {transform_indices = #map}, {transform_indices = #map}, {transform_indices = #map}, {transform_indices = #map}, {transform_indices = #map}, {transform_indices = #map}]} {
    %eq3A = arith.constant 0 : i32
    %eq3A_0 = arith.cmpi eq, %arg0, %eq3A : i32
    %convert_element_type3A = arith.extui %eq3A_0 : i1 to i32
    %cond3A = arith.constant 0 : i32
    %cond3A_1 = arith.cmpi ne, %convert_element_type3A, %cond3A : i32
    scf.if %cond3A_1 {
      %mul3A = arith.constant 6272 : i32
      %mul3A_7 = arith.muli %arg1, %mul3A : i32
      "tpu.region"() ({
        %run_scoped3A = tpu.sem_alloc : memref<!tpu.dma_semaphore, #tpu.memory_space<semaphore_mem>>
        %dma_start3A = arith.constant 0 : i32
        %dma_start3A_24 = tpu.memref_slice %arg11[%mul3A_7, %dma_start3A] : memref<100352x16xf32, #tpu.memory_space<vmem_shared>> -> memref<6272x16xf32, #tpu.memory_space<vmem_shared>>
        %dma_start3A_25 = arith.constant 0 : i32
        %dma_start3A_26 = tpu.memref_slice %arg6[%mul3A_7, %dma_start3A_25] : memref<100352x16xf32, #tpu.memory_space<hbm>> -> memref<6272x16xf32, #tpu.memory_space<hbm>>
        tpu.enqueue_dma source(%dma_start3A_26 : memref<6272x16xf32, #tpu.memory_space<hbm>>) target(%dma_start3A_24 : memref<6272x16xf32, #tpu.memory_space<vmem_shared>>) target_semaphore(%run_scoped3A : memref<!tpu.dma_semaphore, #tpu.memory_space<semaphore_mem>>)
        %dma_wait3A = arith.constant 0 : i32
        %dma_wait3A_27 = tpu.memref_slice %arg11[%mul3A_7, %dma_wait3A] : memref<100352x16xf32, #tpu.memory_space<vmem_shared>> -> memref<6272x16xf32, #tpu.memory_space<vmem_shared>>
        %dma_wait3A_28 = arith.constant 0 : i32
        %dma_wait3A_29 = tpu.memref_slice %arg6[%mul3A_7, %dma_wait3A_28] : memref<100352x16xf32, #tpu.memory_space<hbm>> -> memref<6272x16xf32, #tpu.memory_space<hbm>>
        tpu.wait_dma2 semaphore(%run_scoped3A : memref<!tpu.dma_semaphore, #tpu.memory_space<semaphore_mem>>) src(%dma_wait3A_29 : memref<6272x16xf32, #tpu.memory_space<hbm>>) dst(%dma_wait3A_27 : memref<6272x16xf32, #tpu.memory_space<vmem_shared>>)
        tpu.yield
      }) : () -> ()
      %barrier3A = arith.constant 0 : index
      tpu.barrier barrier_id(%barrier3A)
      %scan3A = arith.constant 0 : i32
      %scan3A_8 = arith.constant 196 : i32
      %scan3A_9 = arith.addi %scan3A, %scan3A_8 : i32
      %scan3A_10 = arith.constant 1 : i32
      scf.for %scan3A_24 = %scan3A to %scan3A_9 step %scan3A_10  : i32 {
        %mul3A_25 = arith.constant 784 : i32
        %mul3A_26 = arith.muli %arg1, %mul3A_25 : i32
        %add3A = arith.constant 0 : i32
        %add3A_27 = arith.addi %add3A, %mul3A_26 : i32
        %mul3A_28 = arith.constant 4 : i32
        %mul3A_29 = arith.muli %scan3A_24, %mul3A_28 : i32
        %add3A_30 = arith.addi %add3A_27, %mul3A_29 : i32
        "tpu.region"() ({
          %run_scoped3A_36 = tpu.sem_alloc : memref<!tpu.dma_semaphore, #tpu.memory_space<semaphore_mem>>
          %dma_start3A = arith.constant 0 : i32
          %dma_start3A_37 = tpu.memref_slice %arg5[%add3A_30, %dma_start3A] : memref<12544x128xi32, #tpu.memory_space<hbm>> -> memref<4x128xi32, #tpu.memory_space<hbm>>
          %dma_start3A_38 = arith.constant 0 : i32
          %dma_start3A_39 = tpu.memref_slice %arg5[%add3A_30, %dma_start3A_38] : memref<12544x128xi32, #tpu.memory_space<hbm>> -> memref<4x128xi32, #tpu.memory_space<hbm>>
          tpu.enqueue_dma source(%dma_start3A_39 : memref<4x128xi32, #tpu.memory_space<hbm>>) target(%arg12 : memref<4x128xi32, #tpu.memory_space<vmem>>) target_semaphore(%run_scoped3A_36 : memref<!tpu.dma_semaphore, #tpu.memory_space<semaphore_mem>>)
          %dma_wait3A = arith.constant 0 : i32
          %dma_wait3A_40 = tpu.memref_slice %arg5[%add3A_30, %dma_wait3A] : memref<12544x128xi32, #tpu.memory_space<hbm>> -> memref<4x128xi32, #tpu.memory_space<hbm>>
          %dma_wait3A_41 = arith.constant 0 : i32
          %dma_wait3A_42 = tpu.memref_slice %arg5[%add3A_30, %dma_wait3A_41] : memref<12544x128xi32, #tpu.memory_space<hbm>> -> memref<4x128xi32, #tpu.memory_space<hbm>>
          tpu.wait_dma2 semaphore(%run_scoped3A_36 : memref<!tpu.dma_semaphore, #tpu.memory_space<semaphore_mem>>) src(%dma_wait3A_42 : memref<4x128xi32, #tpu.memory_space<hbm>>) dst(%arg12 : memref<4x128xi32, #tpu.memory_space<vmem>>)
          tpu.yield
        }) : () -> ()
        %mul3A_31 = arith.constant 128 : i32
        %mul3A_32 = arith.muli %add3A_30, %mul3A_31 : i32
        "tpu.region"() ({
          %run_scoped3A_36 = tpu.sem_alloc : memref<!tpu.dma_semaphore, #tpu.memory_space<semaphore_mem>>
          %dma_start3A = arith.constant 0 : i32
          %dma_start3A_37 = tpu.memref_slice %arg2[%mul3A_32, %dma_start3A] : memref<1605632x16xf32, #tpu.memory_space<hbm>> -> memref<512x16xf32, #tpu.memory_space<hbm>>
          %dma_start3A_38 = arith.constant 0 : i32
          %dma_start3A_39 = tpu.memref_slice %arg2[%mul3A_32, %dma_start3A_38] : memref<1605632x16xf32, #tpu.memory_space<hbm>> -> memref<512x16xf32, #tpu.memory_space<hbm>>
          tpu.enqueue_dma source(%dma_start3A_39 : memref<512x16xf32, #tpu.memory_space<hbm>>) target(%arg13 : memref<512x16xf32, #tpu.memory_space<vmem>>) target_semaphore(%run_scoped3A_36 : memref<!tpu.dma_semaphore, #tpu.memory_space<semaphore_mem>>)
          %dma_wait3A = arith.constant 0 : i32
          %dma_wait3A_40 = tpu.memref_slice %arg2[%mul3A_32, %dma_wait3A] : memref<1605632x16xf32, #tpu.memory_space<hbm>> -> memref<512x16xf32, #tpu.memory_space<hbm>>
          %dma_wait3A_41 = arith.constant 0 : i32
          %dma_wait3A_42 = tpu.memref_slice %arg2[%mul3A_32, %dma_wait3A_41] : memref<1605632x16xf32, #tpu.memory_space<hbm>> -> memref<512x16xf32, #tpu.memory_space<hbm>>
          tpu.wait_dma2 semaphore(%run_scoped3A_36 : memref<!tpu.dma_semaphore, #tpu.memory_space<semaphore_mem>>) src(%dma_wait3A_42 : memref<512x16xf32, #tpu.memory_space<hbm>>) dst(%arg13 : memref<512x16xf32, #tpu.memory_space<vmem>>)
          tpu.yield
        }) : () -> ()
        %run_scoped3A = arith.constant 0 : i32
        "tpu.region"() ({
          %run_scoped3A_36 = tpu.sem_alloc : memref<!tpu.dma_semaphore, #tpu.memory_space<semaphore_mem>>
          %dma_start3A = arith.constant 0 : i32
          %dma_start3A_37 = arith.constant 0 : i32
          %dma_start3A_38 = tpu.memref_slice %arg13[%dma_start3A, %dma_start3A_37] : memref<512x16xf32, #tpu.memory_space<vmem>> -> memref<128x16xf32, #tpu.memory_space<vmem>>
          %dma_start3A_39 = arith.constant 0 : i32
          %dma_start3A_40 = tpu.memref_slice %arg12[%run_scoped3A, %dma_start3A_39] : memref<4x128xi32, #tpu.memory_space<vmem>> -> memref<1x128xi32, #tpu.memory_space<vmem>>
          %dma_start3A_41 = tpu.memref_squeeze %dma_start3A_40 : memref<1x128xi32, #tpu.memory_space<vmem>> -> memref<128xi32, #tpu.memory_space<vmem>>
          %dma_start3A_42 = arith.constant 0 : i32
          %dma_start3A_43 = arith.constant 0 : i32
          %dma_start3A_44 = tpu.memref_slice %arg11[%dma_start3A_42, %dma_start3A_43] : memref<100352x16xf32, #tpu.memory_space<vmem_shared>> -> memref<100352x16xf32, #tpu.memory_space<vmem_shared>>
          tpu.enqueue_indirect_dma source(%dma_start3A_38 : memref<128x16xf32, #tpu.memory_space<vmem>>) target(%dma_start3A_44 : memref<100352x16xf32, #tpu.memory_space<vmem_shared>>) offsets(%dma_start3A_41 : memref<128xi32, #tpu.memory_space<vmem>>) semaphore(%run_scoped3A_36 : memref<!tpu.dma_semaphore, #tpu.memory_space<semaphore_mem>>) {add = true}
          %dma_wait3A = arith.constant 0 : i32
          %dma_wait3A_45 = arith.constant 0 : i32
          %dma_wait3A_46 = tpu.memref_slice %arg13[%dma_wait3A, %dma_wait3A_45] : memref<512x16xf32, #tpu.memory_space<vmem>> -> memref<128x16xf32, #tpu.memory_space<vmem>>
          %dma_wait3A_47 = arith.constant 0 : i32
          %dma_wait3A_48 = tpu.memref_slice %arg12[%run_scoped3A, %dma_wait3A_47] : memref<4x128xi32, #tpu.memory_space<vmem>> -> memref<1x128xi32, #tpu.memory_space<vmem>>
          %dma_wait3A_49 = tpu.memref_squeeze %dma_wait3A_48 : memref<1x128xi32, #tpu.memory_space<vmem>> -> memref<128xi32, #tpu.memory_space<vmem>>
          %dma_wait3A_50 = arith.constant 0 : i32
          %dma_wait3A_51 = arith.constant 0 : i32
          %dma_wait3A_52 = tpu.memref_slice %arg11[%dma_wait3A_50, %dma_wait3A_51] : memref<100352x16xf32, #tpu.memory_space<vmem_shared>> -> memref<100352x16xf32, #tpu.memory_space<vmem_shared>>
          tpu.wait_indirect_dma semaphore(%run_scoped3A_36 : memref<!tpu.dma_semaphore, #tpu.memory_space<semaphore_mem>>) src(%dma_wait3A_46 : memref<128x16xf32, #tpu.memory_space<vmem>>) dst(%dma_wait3A_52 : memref<100352x16xf32, #tpu.memory_space<vmem_shared>>)
          tpu.yield
        }) : () -> ()
        %run_scoped3A_33 = arith.constant 1 : i32
        "tpu.region"() ({
          %run_scoped3A_36 = tpu.sem_alloc : memref<!tpu.dma_semaphore, #tpu.memory_space<semaphore_mem>>
          %dma_start3A = arith.constant 128 : i32
          %dma_start3A_37 = arith.constant 0 : i32
          %dma_start3A_38 = tpu.memref_slice %arg13[%dma_start3A, %dma_start3A_37] : memref<512x16xf32, #tpu.memory_space<vmem>> -> memref<128x16xf32, #tpu.memory_space<vmem>>
          %dma_start3A_39 = arith.constant 0 : i32
          %dma_start3A_40 = tpu.memref_slice %arg12[%run_scoped3A_33, %dma_start3A_39] : memref<4x128xi32, #tpu.memory_space<vmem>> -> memref<1x128xi32, #tpu.memory_space<vmem>>
          %dma_start3A_41 = tpu.memref_squeeze %dma_start3A_40 : memref<1x128xi32, #tpu.memory_space<vmem>> -> memref<128xi32, #tpu.memory_space<vmem>>
          %dma_start3A_42 = arith.constant 0 : i32
          %dma_start3A_43 = arith.constant 0 : i32
          %dma_start3A_44 = tpu.memref_slice %arg11[%dma_start3A_42, %dma_start3A_43] : memref<100352x16xf32, #tpu.memory_space<vmem_shared>> -> memref<100352x16xf32, #tpu.memory_space<vmem_shared>>
          tpu.enqueue_indirect_dma source(%dma_start3A_38 : memref<128x16xf32, #tpu.memory_space<vmem>>) target(%dma_start3A_44 : memref<100352x16xf32, #tpu.memory_space<vmem_shared>>) offsets(%dma_start3A_41 : memref<128xi32, #tpu.memory_space<vmem>>) semaphore(%run_scoped3A_36 : memref<!tpu.dma_semaphore, #tpu.memory_space<semaphore_mem>>) {add = true}
          %dma_wait3A = arith.constant 128 : i32
          %dma_wait3A_45 = arith.constant 0 : i32
          %dma_wait3A_46 = tpu.memref_slice %arg13[%dma_wait3A, %dma_wait3A_45] : memref<512x16xf32, #tpu.memory_space<vmem>> -> memref<128x16xf32, #tpu.memory_space<vmem>>
          %dma_wait3A_47 = arith.constant 0 : i32
          %dma_wait3A_48 = tpu.memref_slice %arg12[%run_scoped3A_33, %dma_wait3A_47] : memref<4x128xi32, #tpu.memory_space<vmem>> -> memref<1x128xi32, #tpu.memory_space<vmem>>
          %dma_wait3A_49 = tpu.memref_squeeze %dma_wait3A_48 : memref<1x128xi32, #tpu.memory_space<vmem>> -> memref<128xi32, #tpu.memory_space<vmem>>
          %dma_wait3A_50 = arith.constant 0 : i32
          %dma_wait3A_51 = arith.constant 0 : i32
          %dma_wait3A_52 = tpu.memref_slice %arg11[%dma_wait3A_50, %dma_wait3A_51] : memref<100352x16xf32, #tpu.memory_space<vmem_shared>> -> memref<100352x16xf32, #tpu.memory_space<vmem_shared>>
          tpu.wait_indirect_dma semaphore(%run_scoped3A_36 : memref<!tpu.dma_semaphore, #tpu.memory_space<semaphore_mem>>) src(%dma_wait3A_46 : memref<128x16xf32, #tpu.memory_space<vmem>>) dst(%dma_wait3A_52 : memref<100352x16xf32, #tpu.memory_space<vmem_shared>>)
          tpu.yield
        }) : () -> ()
        %run_scoped3A_34 = arith.constant 2 : i32
        "tpu.region"() ({
          %run_scoped3A_36 = tpu.sem_alloc : memref<!tpu.dma_semaphore, #tpu.memory_space<semaphore_mem>>
          %dma_start3A = arith.constant 256 : i32
          %dma_start3A_37 = arith.constant 0 : i32
          %dma_start3A_38 = tpu.memref_slice %arg13[%dma_start3A, %dma_start3A_37] : memref<512x16xf32, #tpu.memory_space<vmem>> -> memref<128x16xf32, #tpu.memory_space<vmem>>
          %dma_start3A_39 = arith.constant 0 : i32
          %dma_start3A_40 = tpu.memref_slice %arg12[%run_scoped3A_34, %dma_start3A_39] : memref<4x128xi32, #tpu.memory_space<vmem>> -> memref<1x128xi32, #tpu.memory_space<vmem>>
          %dma_start3A_41 = tpu.memref_squeeze %dma_start3A_40 : memref<1x128xi32, #tpu.memory_space<vmem>> -> memref<128xi32, #tpu.memory_space<vmem>>
          %dma_start3A_42 = arith.constant 0 : i32
          %dma_start3A_43 = arith.constant 0 : i32
          %dma_start3A_44 = tpu.memref_slice %arg11[%dma_start3A_42, %dma_start3A_43] : memref<100352x16xf32, #tpu.memory_space<vmem_shared>> -> memref<100352x16xf32, #tpu.memory_space<vmem_shared>>
          tpu.enqueue_indirect_dma source(%dma_start3A_38 : memref<128x16xf32, #tpu.memory_space<vmem>>) target(%dma_start3A_44 : memref<100352x16xf32, #tpu.memory_space<vmem_shared>>) offsets(%dma_start3A_41 : memref<128xi32, #tpu.memory_space<vmem>>) semaphore(%run_scoped3A_36 : memref<!tpu.dma_semaphore, #tpu.memory_space<semaphore_mem>>) {add = true}
          %dma_wait3A = arith.constant 256 : i32
          %dma_wait3A_45 = arith.constant 0 : i32
          %dma_wait3A_46 = tpu.memref_slice %arg13[%dma_wait3A, %dma_wait3A_45] : memref<512x16xf32, #tpu.memory_space<vmem>> -> memref<128x16xf32, #tpu.memory_space<vmem>>
          %dma_wait3A_47 = arith.constant 0 : i32
          %dma_wait3A_48 = tpu.memref_slice %arg12[%run_scoped3A_34, %dma_wait3A_47] : memref<4x128xi32, #tpu.memory_space<vmem>> -> memref<1x128xi32, #tpu.memory_space<vmem>>
          %dma_wait3A_49 = tpu.memref_squeeze %dma_wait3A_48 : memref<1x128xi32, #tpu.memory_space<vmem>> -> memref<128xi32, #tpu.memory_space<vmem>>
          %dma_wait3A_50 = arith.constant 0 : i32
          %dma_wait3A_51 = arith.constant 0 : i32
          %dma_wait3A_52 = tpu.memref_slice %arg11[%dma_wait3A_50, %dma_wait3A_51] : memref<100352x16xf32, #tpu.memory_space<vmem_shared>> -> memref<100352x16xf32, #tpu.memory_space<vmem_shared>>
          tpu.wait_indirect_dma semaphore(%run_scoped3A_36 : memref<!tpu.dma_semaphore, #tpu.memory_space<semaphore_mem>>) src(%dma_wait3A_46 : memref<128x16xf32, #tpu.memory_space<vmem>>) dst(%dma_wait3A_52 : memref<100352x16xf32, #tpu.memory_space<vmem_shared>>)
          tpu.yield
        }) : () -> ()
        %run_scoped3A_35 = arith.constant 3 : i32
        "tpu.region"() ({
          %run_scoped3A_36 = tpu.sem_alloc : memref<!tpu.dma_semaphore, #tpu.memory_space<semaphore_mem>>
          %dma_start3A = arith.constant 384 : i32
          %dma_start3A_37 = arith.constant 0 : i32
          %dma_start3A_38 = tpu.memref_slice %arg13[%dma_start3A, %dma_start3A_37] : memref<512x16xf32, #tpu.memory_space<vmem>> -> memref<128x16xf32, #tpu.memory_space<vmem>>
          %dma_start3A_39 = arith.constant 0 : i32
          %dma_start3A_40 = tpu.memref_slice %arg12[%run_scoped3A_35, %dma_start3A_39] : memref<4x128xi32, #tpu.memory_space<vmem>> -> memref<1x128xi32, #tpu.memory_space<vmem>>
          %dma_start3A_41 = tpu.memref_squeeze %dma_start3A_40 : memref<1x128xi32, #tpu.memory_space<vmem>> -> memref<128xi32, #tpu.memory_space<vmem>>
          %dma_start3A_42 = arith.constant 0 : i32
          %dma_start3A_43 = arith.constant 0 : i32
          %dma_start3A_44 = tpu.memref_slice %arg11[%dma_start3A_42, %dma_start3A_43] : memref<100352x16xf32, #tpu.memory_space<vmem_shared>> -> memref<100352x16xf32, #tpu.memory_space<vmem_shared>>
          tpu.enqueue_indirect_dma source(%dma_start3A_38 : memref<128x16xf32, #tpu.memory_space<vmem>>) target(%dma_start3A_44 : memref<100352x16xf32, #tpu.memory_space<vmem_shared>>) offsets(%dma_start3A_41 : memref<128xi32, #tpu.memory_space<vmem>>) semaphore(%run_scoped3A_36 : memref<!tpu.dma_semaphore, #tpu.memory_space<semaphore_mem>>) {add = true}
          %dma_wait3A = arith.constant 384 : i32
          %dma_wait3A_45 = arith.constant 0 : i32
          %dma_wait3A_46 = tpu.memref_slice %arg13[%dma_wait3A, %dma_wait3A_45] : memref<512x16xf32, #tpu.memory_space<vmem>> -> memref<128x16xf32, #tpu.memory_space<vmem>>
          %dma_wait3A_47 = arith.constant 0 : i32
          %dma_wait3A_48 = tpu.memref_slice %arg12[%run_scoped3A_35, %dma_wait3A_47] : memref<4x128xi32, #tpu.memory_space<vmem>> -> memref<1x128xi32, #tpu.memory_space<vmem>>
          %dma_wait3A_49 = tpu.memref_squeeze %dma_wait3A_48 : memref<1x128xi32, #tpu.memory_space<vmem>> -> memref<128xi32, #tpu.memory_space<vmem>>
          %dma_wait3A_50 = arith.constant 0 : i32
          %dma_wait3A_51 = arith.constant 0 : i32
          %dma_wait3A_52 = tpu.memref_slice %arg11[%dma_wait3A_50, %dma_wait3A_51] : memref<100352x16xf32, #tpu.memory_space<vmem_shared>> -> memref<100352x16xf32, #tpu.memory_space<vmem_shared>>
          tpu.wait_indirect_dma semaphore(%run_scoped3A_36 : memref<!tpu.dma_semaphore, #tpu.memory_space<semaphore_mem>>) src(%dma_wait3A_46 : memref<128x16xf32, #tpu.memory_space<vmem>>) dst(%dma_wait3A_52 : memref<100352x16xf32, #tpu.memory_space<vmem_shared>>)
          tpu.yield
        }) : () -> ()
      }
      %scan3A_11 = arith.constant 196 : i32
      %barrier3A_12 = arith.constant 0 : index
      tpu.barrier barrier_id(%barrier3A_12)
      "tpu.region"() ({
        %run_scoped3A = tpu.sem_alloc : memref<!tpu.dma_semaphore, #tpu.memory_space<semaphore_mem>>
        %dma_start3A = arith.constant 0 : i32
        %dma_start3A_24 = tpu.memref_slice %arg7[%mul3A_7, %dma_start3A] : memref<100352x16xf32, #tpu.memory_space<hbm>> -> memref<6272x16xf32, #tpu.memory_space<hbm>>
        %dma_start3A_25 = arith.constant 0 : i32
        %dma_start3A_26 = tpu.memref_slice %arg11[%mul3A_7, %dma_start3A_25] : memref<100352x16xf32, #tpu.memory_space<vmem_shared>> -> memref<6272x16xf32, #tpu.memory_space<vmem_shared>>
        tpu.enqueue_dma source(%dma_start3A_26 : memref<6272x16xf32, #tpu.memory_space<vmem_shared>>) target(%dma_start3A_24 : memref<6272x16xf32, #tpu.memory_space<hbm>>) target_semaphore(%run_scoped3A : memref<!tpu.dma_semaphore, #tpu.memory_space<semaphore_mem>>)
        %dma_wait3A = arith.constant 0 : i32
        %dma_wait3A_27 = tpu.memref_slice %arg7[%mul3A_7, %dma_wait3A] : memref<100352x16xf32, #tpu.memory_space<hbm>> -> memref<6272x16xf32, #tpu.memory_space<hbm>>
        %dma_wait3A_28 = arith.constant 0 : i32
        %dma_wait3A_29 = tpu.memref_slice %arg11[%mul3A_7, %dma_wait3A_28] : memref<100352x16xf32, #tpu.memory_space<vmem_shared>> -> memref<6272x16xf32, #tpu.memory_space<vmem_shared>>
        tpu.wait_dma2 semaphore(%run_scoped3A : memref<!tpu.dma_semaphore, #tpu.memory_space<semaphore_mem>>) src(%dma_wait3A_29 : memref<6272x16xf32, #tpu.memory_space<vmem_shared>>) dst(%dma_wait3A_27 : memref<6272x16xf32, #tpu.memory_space<hbm>>)
        tpu.yield
      }) : () -> ()
      %barrier3A_13 = arith.constant 0 : index
      tpu.barrier barrier_id(%barrier3A_13)
      %mul3A_14 = arith.constant 6272 : i32
      %mul3A_15 = arith.muli %arg1, %mul3A_14 : i32
      "tpu.region"() ({
        %run_scoped3A = tpu.sem_alloc : memref<!tpu.dma_semaphore, #tpu.memory_space<semaphore_mem>>
        %dma_start3A = arith.constant 0 : i32
        %dma_start3A_24 = tpu.memref_slice %arg11[%mul3A_15, %dma_start3A] : memref<100352x16xf32, #tpu.memory_space<vmem_shared>> -> memref<6272x16xf32, #tpu.memory_space<vmem_shared>>
        %dma_start3A_25 = arith.constant 0 : i32
        %dma_start3A_26 = tpu.memref_slice %arg6[%mul3A_15, %dma_start3A_25] : memref<100352x16xf32, #tpu.memory_space<hbm>> -> memref<6272x16xf32, #tpu.memory_space<hbm>>
        tpu.enqueue_dma source(%dma_start3A_26 : memref<6272x16xf32, #tpu.memory_space<hbm>>) target(%dma_start3A_24 : memref<6272x16xf32, #tpu.memory_space<vmem_shared>>) target_semaphore(%run_scoped3A : memref<!tpu.dma_semaphore, #tpu.memory_space<semaphore_mem>>)
        %dma_wait3A = arith.constant 0 : i32
        %dma_wait3A_27 = tpu.memref_slice %arg11[%mul3A_15, %dma_wait3A] : memref<100352x16xf32, #tpu.memory_space<vmem_shared>> -> memref<6272x16xf32, #tpu.memory_space<vmem_shared>>
        %dma_wait3A_28 = arith.constant 0 : i32
        %dma_wait3A_29 = tpu.memref_slice %arg6[%mul3A_15, %dma_wait3A_28] : memref<100352x16xf32, #tpu.memory_space<hbm>> -> memref<6272x16xf32, #tpu.memory_space<hbm>>
        tpu.wait_dma2 semaphore(%run_scoped3A : memref<!tpu.dma_semaphore, #tpu.memory_space<semaphore_mem>>) src(%dma_wait3A_29 : memref<6272x16xf32, #tpu.memory_space<hbm>>) dst(%dma_wait3A_27 : memref<6272x16xf32, #tpu.memory_space<vmem_shared>>)
        tpu.yield
      }) : () -> ()
      %barrier3A_16 = arith.constant 0 : index
      tpu.barrier barrier_id(%barrier3A_16)
      %scan3A_17 = arith.constant 0 : i32
      %scan3A_18 = arith.constant 98 : i32
      %scan3A_19 = arith.addi %scan3A_17, %scan3A_18 : i32
      %scan3A_20 = arith.constant 1 : i32
      scf.for %scan3A_24 = %scan3A_17 to %scan3A_19 step %scan3A_20  : i32 {
        %mul3A_25 = arith.constant 392 : i32
        %mul3A_26 = arith.muli %arg1, %mul3A_25 : i32
        %add3A = arith.constant 0 : i32
        %add3A_27 = arith.addi %add3A, %mul3A_26 : i32
        %mul3A_28 = arith.constant 4 : i32
        %mul3A_29 = arith.muli %scan3A_24, %mul3A_28 : i32
        %add3A_30 = arith.addi %add3A_27, %mul3A_29 : i32
        "tpu.region"() ({
          %run_scoped3A_36 = tpu.sem_alloc : memref<!tpu.dma_semaphore, #tpu.memory_space<semaphore_mem>>
          %dma_start3A = arith.constant 0 : i32
          %dma_start3A_37 = tpu.memref_slice %arg5[%add3A_30, %dma_start3A] : memref<12544x128xi32, #tpu.memory_space<hbm>> -> memref<4x128xi32, #tpu.memory_space<hbm>>
          %dma_start3A_38 = arith.constant 0 : i32
          %dma_start3A_39 = tpu.memref_slice %arg5[%add3A_30, %dma_start3A_38] : memref<12544x128xi32, #tpu.memory_space<hbm>> -> memref<4x128xi32, #tpu.memory_space<hbm>>
          tpu.enqueue_dma source(%dma_start3A_39 : memref<4x128xi32, #tpu.memory_space<hbm>>) target(%arg12 : memref<4x128xi32, #tpu.memory_space<vmem>>) target_semaphore(%run_scoped3A_36 : memref<!tpu.dma_semaphore, #tpu.memory_space<semaphore_mem>>)
          %dma_wait3A = arith.constant 0 : i32
          %dma_wait3A_40 = tpu.memref_slice %arg5[%add3A_30, %dma_wait3A] : memref<12544x128xi32, #tpu.memory_space<hbm>> -> memref<4x128xi32, #tpu.memory_space<hbm>>
          %dma_wait3A_41 = arith.constant 0 : i32
          %dma_wait3A_42 = tpu.memref_slice %arg5[%add3A_30, %dma_wait3A_41] : memref<12544x128xi32, #tpu.memory_space<hbm>> -> memref<4x128xi32, #tpu.memory_space<hbm>>
          tpu.wait_dma2 semaphore(%run_scoped3A_36 : memref<!tpu.dma_semaphore, #tpu.memory_space<semaphore_mem>>) src(%dma_wait3A_42 : memref<4x128xi32, #tpu.memory_space<hbm>>) dst(%arg12 : memref<4x128xi32, #tpu.memory_space<vmem>>)
          tpu.yield
        }) : () -> ()
        %mul3A_31 = arith.constant 128 : i32
        %mul3A_32 = arith.muli %add3A_30, %mul3A_31 : i32
        "tpu.region"() ({
          %run_scoped3A_36 = tpu.sem_alloc : memref<!tpu.dma_semaphore, #tpu.memory_space<semaphore_mem>>
          %dma_start3A = arith.constant 0 : i32
          %dma_start3A_37 = tpu.memref_slice %arg4[%mul3A_32, %dma_start3A] : memref<1605632x16xf32, #tpu.memory_space<hbm>> -> memref<512x16xf32, #tpu.memory_space<hbm>>
          %dma_start3A_38 = arith.constant 0 : i32
          %dma_start3A_39 = tpu.memref_slice %arg4[%mul3A_32, %dma_start3A_38] : memref<1605632x16xf32, #tpu.memory_space<hbm>> -> memref<512x16xf32, #tpu.memory_space<hbm>>
          tpu.enqueue_dma source(%dma_start3A_39 : memref<512x16xf32, #tpu.memory_space<hbm>>) target(%arg13 : memref<512x16xf32, #tpu.memory_space<vmem>>) target_semaphore(%run_scoped3A_36 : memref<!tpu.dma_semaphore, #tpu.memory_space<semaphore_mem>>)
          %dma_wait3A = arith.constant 0 : i32
          %dma_wait3A_40 = tpu.memref_slice %arg4[%mul3A_32, %dma_wait3A] : memref<1605632x16xf32, #tpu.memory_space<hbm>> -> memref<512x16xf32, #tpu.memory_space<hbm>>
          %dma_wait3A_41 = arith.constant 0 : i32
          %dma_wait3A_42 = tpu.memref_slice %arg4[%mul3A_32, %dma_wait3A_41] : memref<1605632x16xf32, #tpu.memory_space<hbm>> -> memref<512x16xf32, #tpu.memory_space<hbm>>
          tpu.wait_dma2 semaphore(%run_scoped3A_36 : memref<!tpu.dma_semaphore, #tpu.memory_space<semaphore_mem>>) src(%dma_wait3A_42 : memref<512x16xf32, #tpu.memory_space<hbm>>) dst(%arg13 : memref<512x16xf32, #tpu.memory_space<vmem>>)
          tpu.yield
        }) : () -> ()
        %run_scoped3A = arith.constant 0 : i32
        "tpu.region"() ({
          %run_scoped3A_36 = tpu.sem_alloc : memref<!tpu.dma_semaphore, #tpu.memory_space<semaphore_mem>>
          %dma_start3A = arith.constant 0 : i32
          %dma_start3A_37 = arith.constant 0 : i32
          %dma_start3A_38 = tpu.memref_slice %arg13[%dma_start3A, %dma_start3A_37] : memref<512x16xf32, #tpu.memory_space<vmem>> -> memref<128x16xf32, #tpu.memory_space<vmem>>
          %dma_start3A_39 = arith.constant 0 : i32
          %dma_start3A_40 = tpu.memref_slice %arg12[%run_scoped3A, %dma_start3A_39] : memref<4x128xi32, #tpu.memory_space<vmem>> -> memref<1x128xi32, #tpu.memory_space<vmem>>
          %dma_start3A_41 = tpu.memref_squeeze %dma_start3A_40 : memref<1x128xi32, #tpu.memory_space<vmem>> -> memref<128xi32, #tpu.memory_space<vmem>>
          %dma_start3A_42 = arith.constant 0 : i32
          %dma_start3A_43 = arith.constant 0 : i32
          %dma_start3A_44 = tpu.memref_slice %arg11[%dma_start3A_42, %dma_start3A_43] : memref<100352x16xf32, #tpu.memory_space<vmem_shared>> -> memref<100352x16xf32, #tpu.memory_space<vmem_shared>>
          tpu.enqueue_indirect_dma source(%dma_start3A_38 : memref<128x16xf32, #tpu.memory_space<vmem>>) target(%dma_start3A_44 : memref<100352x16xf32, #tpu.memory_space<vmem_shared>>) offsets(%dma_start3A_41 : memref<128xi32, #tpu.memory_space<vmem>>) semaphore(%run_scoped3A_36 : memref<!tpu.dma_semaphore, #tpu.memory_space<semaphore_mem>>) {add = true}
          %dma_wait3A = arith.constant 0 : i32
          %dma_wait3A_45 = arith.constant 0 : i32
          %dma_wait3A_46 = tpu.memref_slice %arg13[%dma_wait3A, %dma_wait3A_45] : memref<512x16xf32, #tpu.memory_space<vmem>> -> memref<128x16xf32, #tpu.memory_space<vmem>>
          %dma_wait3A_47 = arith.constant 0 : i32
          %dma_wait3A_48 = tpu.memref_slice %arg12[%run_scoped3A, %dma_wait3A_47] : memref<4x128xi32, #tpu.memory_space<vmem>> -> memref<1x128xi32, #tpu.memory_space<vmem>>
          %dma_wait3A_49 = tpu.memref_squeeze %dma_wait3A_48 : memref<1x128xi32, #tpu.memory_space<vmem>> -> memref<128xi32, #tpu.memory_space<vmem>>
          %dma_wait3A_50 = arith.constant 0 : i32
          %dma_wait3A_51 = arith.constant 0 : i32
          %dma_wait3A_52 = tpu.memref_slice %arg11[%dma_wait3A_50, %dma_wait3A_51] : memref<100352x16xf32, #tpu.memory_space<vmem_shared>> -> memref<100352x16xf32, #tpu.memory_space<vmem_shared>>
          tpu.wait_indirect_dma semaphore(%run_scoped3A_36 : memref<!tpu.dma_semaphore, #tpu.memory_space<semaphore_mem>>) src(%dma_wait3A_46 : memref<128x16xf32, #tpu.memory_space<vmem>>) dst(%dma_wait3A_52 : memref<100352x16xf32, #tpu.memory_space<vmem_shared>>)
          tpu.yield
        }) : () -> ()
        %run_scoped3A_33 = arith.constant 1 : i32
        "tpu.region"() ({
          %run_scoped3A_36 = tpu.sem_alloc : memref<!tpu.dma_semaphore, #tpu.memory_space<semaphore_mem>>
          %dma_start3A = arith.constant 128 : i32
          %dma_start3A_37 = arith.constant 0 : i32
          %dma_start3A_38 = tpu.memref_slice %arg13[%dma_start3A, %dma_start3A_37] : memref<512x16xf32, #tpu.memory_space<vmem>> -> memref<128x16xf32, #tpu.memory_space<vmem>>
          %dma_start3A_39 = arith.constant 0 : i32
          %dma_start3A_40 = tpu.memref_slice %arg12[%run_scoped3A_33, %dma_start3A_39] : memref<4x128xi32, #tpu.memory_space<vmem>> -> memref<1x128xi32, #tpu.memory_space<vmem>>
          %dma_start3A_41 = tpu.memref_squeeze %dma_start3A_40 : memref<1x128xi32, #tpu.memory_space<vmem>> -> memref<128xi32, #tpu.memory_space<vmem>>
          %dma_start3A_42 = arith.constant 0 : i32
          %dma_start3A_43 = arith.constant 0 : i32
          %dma_start3A_44 = tpu.memref_slice %arg11[%dma_start3A_42, %dma_start3A_43] : memref<100352x16xf32, #tpu.memory_space<vmem_shared>> -> memref<100352x16xf32, #tpu.memory_space<vmem_shared>>
          tpu.enqueue_indirect_dma source(%dma_start3A_38 : memref<128x16xf32, #tpu.memory_space<vmem>>) target(%dma_start3A_44 : memref<100352x16xf32, #tpu.memory_space<vmem_shared>>) offsets(%dma_start3A_41 : memref<128xi32, #tpu.memory_space<vmem>>) semaphore(%run_scoped3A_36 : memref<!tpu.dma_semaphore, #tpu.memory_space<semaphore_mem>>) {add = true}
          %dma_wait3A = arith.constant 128 : i32
          %dma_wait3A_45 = arith.constant 0 : i32
          %dma_wait3A_46 = tpu.memref_slice %arg13[%dma_wait3A, %dma_wait3A_45] : memref<512x16xf32, #tpu.memory_space<vmem>> -> memref<128x16xf32, #tpu.memory_space<vmem>>
          %dma_wait3A_47 = arith.constant 0 : i32
          %dma_wait3A_48 = tpu.memref_slice %arg12[%run_scoped3A_33, %dma_wait3A_47] : memref<4x128xi32, #tpu.memory_space<vmem>> -> memref<1x128xi32, #tpu.memory_space<vmem>>
          %dma_wait3A_49 = tpu.memref_squeeze %dma_wait3A_48 : memref<1x128xi32, #tpu.memory_space<vmem>> -> memref<128xi32, #tpu.memory_space<vmem>>
          %dma_wait3A_50 = arith.constant 0 : i32
          %dma_wait3A_51 = arith.constant 0 : i32
          %dma_wait3A_52 = tpu.memref_slice %arg11[%dma_wait3A_50, %dma_wait3A_51] : memref<100352x16xf32, #tpu.memory_space<vmem_shared>> -> memref<100352x16xf32, #tpu.memory_space<vmem_shared>>
          tpu.wait_indirect_dma semaphore(%run_scoped3A_36 : memref<!tpu.dma_semaphore, #tpu.memory_space<semaphore_mem>>) src(%dma_wait3A_46 : memref<128x16xf32, #tpu.memory_space<vmem>>) dst(%dma_wait3A_52 : memref<100352x16xf32, #tpu.memory_space<vmem_shared>>)
          tpu.yield
        }) : () -> ()
        %run_scoped3A_34 = arith.constant 2 : i32
        "tpu.region"() ({
          %run_scoped3A_36 = tpu.sem_alloc : memref<!tpu.dma_semaphore, #tpu.memory_space<semaphore_mem>>
          %dma_start3A = arith.constant 256 : i32
          %dma_start3A_37 = arith.constant 0 : i32
          %dma_start3A_38 = tpu.memref_slice %arg13[%dma_start3A, %dma_start3A_37] : memref<512x16xf32, #tpu.memory_space<vmem>> -> memref<128x16xf32, #tpu.memory_space<vmem>>
          %dma_start3A_39 = arith.constant 0 : i32
          %dma_start3A_40 = tpu.memref_slice %arg12[%run_scoped3A_34, %dma_start3A_39] : memref<4x128xi32, #tpu.memory_space<vmem>> -> memref<1x128xi32, #tpu.memory_space<vmem>>
          %dma_start3A_41 = tpu.memref_squeeze %dma_start3A_40 : memref<1x128xi32, #tpu.memory_space<vmem>> -> memref<128xi32, #tpu.memory_space<vmem>>
          %dma_start3A_42 = arith.constant 0 : i32
          %dma_start3A_43 = arith.constant 0 : i32
          %dma_start3A_44 = tpu.memref_slice %arg11[%dma_start3A_42, %dma_start3A_43] : memref<100352x16xf32, #tpu.memory_space<vmem_shared>> -> memref<100352x16xf32, #tpu.memory_space<vmem_shared>>
          tpu.enqueue_indirect_dma source(%dma_start3A_38 : memref<128x16xf32, #tpu.memory_space<vmem>>) target(%dma_start3A_44 : memref<100352x16xf32, #tpu.memory_space<vmem_shared>>) offsets(%dma_start3A_41 : memref<128xi32, #tpu.memory_space<vmem>>) semaphore(%run_scoped3A_36 : memref<!tpu.dma_semaphore, #tpu.memory_space<semaphore_mem>>) {add = true}
          %dma_wait3A = arith.constant 256 : i32
          %dma_wait3A_45 = arith.constant 0 : i32
          %dma_wait3A_46 = tpu.memref_slice %arg13[%dma_wait3A, %dma_wait3A_45] : memref<512x16xf32, #tpu.memory_space<vmem>> -> memref<128x16xf32, #tpu.memory_space<vmem>>
          %dma_wait3A_47 = arith.constant 0 : i32
          %dma_wait3A_48 = tpu.memref_slice %arg12[%run_scoped3A_34, %dma_wait3A_47] : memref<4x128xi32, #tpu.memory_space<vmem>> -> memref<1x128xi32, #tpu.memory_space<vmem>>
          %dma_wait3A_49 = tpu.memref_squeeze %dma_wait3A_48 : memref<1x128xi32, #tpu.memory_space<vmem>> -> memref<128xi32, #tpu.memory_space<vmem>>
          %dma_wait3A_50 = arith.constant 0 : i32
          %dma_wait3A_51 = arith.constant 0 : i32
          %dma_wait3A_52 = tpu.memref_slice %arg11[%dma_wait3A_50, %dma_wait3A_51] : memref<100352x16xf32, #tpu.memory_space<vmem_shared>> -> memref<100352x16xf32, #tpu.memory_space<vmem_shared>>
          tpu.wait_indirect_dma semaphore(%run_scoped3A_36 : memref<!tpu.dma_semaphore, #tpu.memory_space<semaphore_mem>>) src(%dma_wait3A_46 : memref<128x16xf32, #tpu.memory_space<vmem>>) dst(%dma_wait3A_52 : memref<100352x16xf32, #tpu.memory_space<vmem_shared>>)
          tpu.yield
        }) : () -> ()
        %run_scoped3A_35 = arith.constant 3 : i32
        "tpu.region"() ({
          %run_scoped3A_36 = tpu.sem_alloc : memref<!tpu.dma_semaphore, #tpu.memory_space<semaphore_mem>>
          %dma_start3A = arith.constant 384 : i32
          %dma_start3A_37 = arith.constant 0 : i32
          %dma_start3A_38 = tpu.memref_slice %arg13[%dma_start3A, %dma_start3A_37] : memref<512x16xf32, #tpu.memory_space<vmem>> -> memref<128x16xf32, #tpu.memory_space<vmem>>
          %dma_start3A_39 = arith.constant 0 : i32
          %dma_start3A_40 = tpu.memref_slice %arg12[%run_scoped3A_35, %dma_start3A_39] : memref<4x128xi32, #tpu.memory_space<vmem>> -> memref<1x128xi32, #tpu.memory_space<vmem>>
          %dma_start3A_41 = tpu.memref_squeeze %dma_start3A_40 : memref<1x128xi32, #tpu.memory_space<vmem>> -> memref<128xi32, #tpu.memory_space<vmem>>
          %dma_start3A_42 = arith.constant 0 : i32
          %dma_start3A_43 = arith.constant 0 : i32
          %dma_start3A_44 = tpu.memref_slice %arg11[%dma_start3A_42, %dma_start3A_43] : memref<100352x16xf32, #tpu.memory_space<vmem_shared>> -> memref<100352x16xf32, #tpu.memory_space<vmem_shared>>
          tpu.enqueue_indirect_dma source(%dma_start3A_38 : memref<128x16xf32, #tpu.memory_space<vmem>>) target(%dma_start3A_44 : memref<100352x16xf32, #tpu.memory_space<vmem_shared>>) offsets(%dma_start3A_41 : memref<128xi32, #tpu.memory_space<vmem>>) semaphore(%run_scoped3A_36 : memref<!tpu.dma_semaphore, #tpu.memory_space<semaphore_mem>>) {add = true}
          %dma_wait3A = arith.constant 384 : i32
          %dma_wait3A_45 = arith.constant 0 : i32
          %dma_wait3A_46 = tpu.memref_slice %arg13[%dma_wait3A, %dma_wait3A_45] : memref<512x16xf32, #tpu.memory_space<vmem>> -> memref<128x16xf32, #tpu.memory_space<vmem>>
          %dma_wait3A_47 = arith.constant 0 : i32
          %dma_wait3A_48 = tpu.memref_slice %arg12[%run_scoped3A_35, %dma_wait3A_47] : memref<4x128xi32, #tpu.memory_space<vmem>> -> memref<1x128xi32, #tpu.memory_space<vmem>>
          %dma_wait3A_49 = tpu.memref_squeeze %dma_wait3A_48 : memref<1x128xi32, #tpu.memory_space<vmem>> -> memref<128xi32, #tpu.memory_space<vmem>>
          %dma_wait3A_50 = arith.constant 0 : i32
          %dma_wait3A_51 = arith.constant 0 : i32
          %dma_wait3A_52 = tpu.memref_slice %arg11[%dma_wait3A_50, %dma_wait3A_51] : memref<100352x16xf32, #tpu.memory_space<vmem_shared>> -> memref<100352x16xf32, #tpu.memory_space<vmem_shared>>
          tpu.wait_indirect_dma semaphore(%run_scoped3A_36 : memref<!tpu.dma_semaphore, #tpu.memory_space<semaphore_mem>>) src(%dma_wait3A_46 : memref<128x16xf32, #tpu.memory_space<vmem>>) dst(%dma_wait3A_52 : memref<100352x16xf32, #tpu.memory_space<vmem_shared>>)
          tpu.yield
        }) : () -> ()
      }
      %scan3A_21 = arith.constant 98 : i32
      %barrier3A_22 = arith.constant 0 : index
      tpu.barrier barrier_id(%barrier3A_22)
      "tpu.region"() ({
        %run_scoped3A = tpu.sem_alloc : memref<!tpu.dma_semaphore, #tpu.memory_space<semaphore_mem>>
        %dma_start3A = arith.constant 0 : i32
        %dma_start3A_24 = tpu.memref_slice %arg9[%mul3A_15, %dma_start3A] : memref<100352x16xf32, #tpu.memory_space<hbm>> -> memref<6272x16xf32, #tpu.memory_space<hbm>>
        %dma_start3A_25 = arith.constant 0 : i32
        %dma_start3A_26 = tpu.memref_slice %arg11[%mul3A_15, %dma_start3A_25] : memref<100352x16xf32, #tpu.memory_space<vmem_shared>> -> memref<6272x16xf32, #tpu.memory_space<vmem_shared>>
        tpu.enqueue_dma source(%dma_start3A_26 : memref<6272x16xf32, #tpu.memory_space<vmem_shared>>) target(%dma_start3A_24 : memref<6272x16xf32, #tpu.memory_space<hbm>>) target_semaphore(%run_scoped3A : memref<!tpu.dma_semaphore, #tpu.memory_space<semaphore_mem>>)
        %dma_wait3A = arith.constant 0 : i32
        %dma_wait3A_27 = tpu.memref_slice %arg9[%mul3A_15, %dma_wait3A] : memref<100352x16xf32, #tpu.memory_space<hbm>> -> memref<6272x16xf32, #tpu.memory_space<hbm>>
        %dma_wait3A_28 = arith.constant 0 : i32
        %dma_wait3A_29 = tpu.memref_slice %arg11[%mul3A_15, %dma_wait3A_28] : memref<100352x16xf32, #tpu.memory_space<vmem_shared>> -> memref<6272x16xf32, #tpu.memory_space<vmem_shared>>
        tpu.wait_dma2 semaphore(%run_scoped3A : memref<!tpu.dma_semaphore, #tpu.memory_space<semaphore_mem>>) src(%dma_wait3A_29 : memref<6272x16xf32, #tpu.memory_space<vmem_shared>>) dst(%dma_wait3A_27 : memref<6272x16xf32, #tpu.memory_space<hbm>>)
        tpu.yield
      }) : () -> ()
      %barrier3A_23 = arith.constant 0 : index
      tpu.barrier barrier_id(%barrier3A_23)
    } else {
    }
    %eq3A_2 = arith.constant 1 : i32
    %eq3A_3 = arith.cmpi eq, %arg0, %eq3A_2 : i32
    %convert_element_type3A_4 = arith.extui %eq3A_3 : i1 to i32
    %cond3A_5 = arith.constant 0 : i32
    %cond3A_6 = arith.cmpi ne, %convert_element_type3A_4, %cond3A_5 : i32
    scf.if %cond3A_6 {
      %mul3A = arith.constant 6272 : i32
      %mul3A_7 = arith.muli %arg1, %mul3A : i32
      "tpu.region"() ({
        %run_scoped3A = tpu.sem_alloc : memref<!tpu.dma_semaphore, #tpu.memory_space<semaphore_mem>>
        %dma_start3A = arith.constant 0 : i32
        %dma_start3A_24 = tpu.memref_slice %arg11[%mul3A_7, %dma_start3A] : memref<100352x16xf32, #tpu.memory_space<vmem_shared>> -> memref<6272x16xf32, #tpu.memory_space<vmem_shared>>
        %dma_start3A_25 = arith.constant 0 : i32
        %dma_start3A_26 = tpu.memref_slice %arg6[%mul3A_7, %dma_start3A_25] : memref<100352x16xf32, #tpu.memory_space<hbm>> -> memref<6272x16xf32, #tpu.memory_space<hbm>>
        tpu.enqueue_dma source(%dma_start3A_26 : memref<6272x16xf32, #tpu.memory_space<hbm>>) target(%dma_start3A_24 : memref<6272x16xf32, #tpu.memory_space<vmem_shared>>) target_semaphore(%run_scoped3A : memref<!tpu.dma_semaphore, #tpu.memory_space<semaphore_mem>>)
        %dma_wait3A = arith.constant 0 : i32
        %dma_wait3A_27 = tpu.memref_slice %arg11[%mul3A_7, %dma_wait3A] : memref<100352x16xf32, #tpu.memory_space<vmem_shared>> -> memref<6272x16xf32, #tpu.memory_space<vmem_shared>>
        %dma_wait3A_28 = arith.constant 0 : i32
        %dma_wait3A_29 = tpu.memref_slice %arg6[%mul3A_7, %dma_wait3A_28] : memref<100352x16xf32, #tpu.memory_space<hbm>> -> memref<6272x16xf32, #tpu.memory_space<hbm>>
        tpu.wait_dma2 semaphore(%run_scoped3A : memref<!tpu.dma_semaphore, #tpu.memory_space<semaphore_mem>>) src(%dma_wait3A_29 : memref<6272x16xf32, #tpu.memory_space<hbm>>) dst(%dma_wait3A_27 : memref<6272x16xf32, #tpu.memory_space<vmem_shared>>)
        tpu.yield
      }) : () -> ()
      %barrier3A = arith.constant 0 : index
      tpu.barrier barrier_id(%barrier3A)
      %scan3A = arith.constant 0 : i32
      %scan3A_8 = arith.constant 196 : i32
      %scan3A_9 = arith.addi %scan3A, %scan3A_8 : i32
      %scan3A_10 = arith.constant 1 : i32
      scf.for %scan3A_24 = %scan3A to %scan3A_9 step %scan3A_10  : i32 {
        %mul3A_25 = arith.constant 784 : i32
        %mul3A_26 = arith.muli %arg1, %mul3A_25 : i32
        %add3A = arith.constant 0 : i32
        %add3A_27 = arith.addi %add3A, %mul3A_26 : i32
        %mul3A_28 = arith.constant 4 : i32
        %mul3A_29 = arith.muli %scan3A_24, %mul3A_28 : i32
        %add3A_30 = arith.addi %add3A_27, %mul3A_29 : i32
        "tpu.region"() ({
          %run_scoped3A_36 = tpu.sem_alloc : memref<!tpu.dma_semaphore, #tpu.memory_space<semaphore_mem>>
          %dma_start3A = arith.constant 0 : i32
          %dma_start3A_37 = tpu.memref_slice %arg5[%add3A_30, %dma_start3A] : memref<12544x128xi32, #tpu.memory_space<hbm>> -> memref<4x128xi32, #tpu.memory_space<hbm>>
          %dma_start3A_38 = arith.constant 0 : i32
          %dma_start3A_39 = tpu.memref_slice %arg5[%add3A_30, %dma_start3A_38] : memref<12544x128xi32, #tpu.memory_space<hbm>> -> memref<4x128xi32, #tpu.memory_space<hbm>>
          tpu.enqueue_dma source(%dma_start3A_39 : memref<4x128xi32, #tpu.memory_space<hbm>>) target(%arg12 : memref<4x128xi32, #tpu.memory_space<vmem>>) target_semaphore(%run_scoped3A_36 : memref<!tpu.dma_semaphore, #tpu.memory_space<semaphore_mem>>)
          %dma_wait3A = arith.constant 0 : i32
          %dma_wait3A_40 = tpu.memref_slice %arg5[%add3A_30, %dma_wait3A] : memref<12544x128xi32, #tpu.memory_space<hbm>> -> memref<4x128xi32, #tpu.memory_space<hbm>>
          %dma_wait3A_41 = arith.constant 0 : i32
          %dma_wait3A_42 = tpu.memref_slice %arg5[%add3A_30, %dma_wait3A_41] : memref<12544x128xi32, #tpu.memory_space<hbm>> -> memref<4x128xi32, #tpu.memory_space<hbm>>
          tpu.wait_dma2 semaphore(%run_scoped3A_36 : memref<!tpu.dma_semaphore, #tpu.memory_space<semaphore_mem>>) src(%dma_wait3A_42 : memref<4x128xi32, #tpu.memory_space<hbm>>) dst(%arg12 : memref<4x128xi32, #tpu.memory_space<vmem>>)
          tpu.yield
        }) : () -> ()
        %mul3A_31 = arith.constant 128 : i32
        %mul3A_32 = arith.muli %add3A_30, %mul3A_31 : i32
        "tpu.region"() ({
          %run_scoped3A_36 = tpu.sem_alloc : memref<!tpu.dma_semaphore, #tpu.memory_space<semaphore_mem>>
          %dma_start3A = arith.constant 0 : i32
          %dma_start3A_37 = tpu.memref_slice %arg3[%mul3A_32, %dma_start3A] : memref<1605632x16xf32, #tpu.memory_space<hbm>> -> memref<512x16xf32, #tpu.memory_space<hbm>>
          %dma_start3A_38 = arith.constant 0 : i32
          %dma_start3A_39 = tpu.memref_slice %arg3[%mul3A_32, %dma_start3A_38] : memref<1605632x16xf32, #tpu.memory_space<hbm>> -> memref<512x16xf32, #tpu.memory_space<hbm>>
          tpu.enqueue_dma source(%dma_start3A_39 : memref<512x16xf32, #tpu.memory_space<hbm>>) target(%arg13 : memref<512x16xf32, #tpu.memory_space<vmem>>) target_semaphore(%run_scoped3A_36 : memref<!tpu.dma_semaphore, #tpu.memory_space<semaphore_mem>>)
          %dma_wait3A = arith.constant 0 : i32
          %dma_wait3A_40 = tpu.memref_slice %arg3[%mul3A_32, %dma_wait3A] : memref<1605632x16xf32, #tpu.memory_space<hbm>> -> memref<512x16xf32, #tpu.memory_space<hbm>>
          %dma_wait3A_41 = arith.constant 0 : i32
          %dma_wait3A_42 = tpu.memref_slice %arg3[%mul3A_32, %dma_wait3A_41] : memref<1605632x16xf32, #tpu.memory_space<hbm>> -> memref<512x16xf32, #tpu.memory_space<hbm>>
          tpu.wait_dma2 semaphore(%run_scoped3A_36 : memref<!tpu.dma_semaphore, #tpu.memory_space<semaphore_mem>>) src(%dma_wait3A_42 : memref<512x16xf32, #tpu.memory_space<hbm>>) dst(%arg13 : memref<512x16xf32, #tpu.memory_space<vmem>>)
          tpu.yield
        }) : () -> ()
        %run_scoped3A = arith.constant 0 : i32
        "tpu.region"() ({
          %run_scoped3A_36 = tpu.sem_alloc : memref<!tpu.dma_semaphore, #tpu.memory_space<semaphore_mem>>
          %dma_start3A = arith.constant 0 : i32
          %dma_start3A_37 = arith.constant 0 : i32
          %dma_start3A_38 = tpu.memref_slice %arg13[%dma_start3A, %dma_start3A_37] : memref<512x16xf32, #tpu.memory_space<vmem>> -> memref<128x16xf32, #tpu.memory_space<vmem>>
          %dma_start3A_39 = arith.constant 0 : i32
          %dma_start3A_40 = tpu.memref_slice %arg12[%run_scoped3A, %dma_start3A_39] : memref<4x128xi32, #tpu.memory_space<vmem>> -> memref<1x128xi32, #tpu.memory_space<vmem>>
          %dma_start3A_41 = tpu.memref_squeeze %dma_start3A_40 : memref<1x128xi32, #tpu.memory_space<vmem>> -> memref<128xi32, #tpu.memory_space<vmem>>
          %dma_start3A_42 = arith.constant 0 : i32
          %dma_start3A_43 = arith.constant 0 : i32
          %dma_start3A_44 = tpu.memref_slice %arg11[%dma_start3A_42, %dma_start3A_43] : memref<100352x16xf32, #tpu.memory_space<vmem_shared>> -> memref<100352x16xf32, #tpu.memory_space<vmem_shared>>
          tpu.enqueue_indirect_dma source(%dma_start3A_38 : memref<128x16xf32, #tpu.memory_space<vmem>>) target(%dma_start3A_44 : memref<100352x16xf32, #tpu.memory_space<vmem_shared>>) offsets(%dma_start3A_41 : memref<128xi32, #tpu.memory_space<vmem>>) semaphore(%run_scoped3A_36 : memref<!tpu.dma_semaphore, #tpu.memory_space<semaphore_mem>>) {add = true}
          %dma_wait3A = arith.constant 0 : i32
          %dma_wait3A_45 = arith.constant 0 : i32
          %dma_wait3A_46 = tpu.memref_slice %arg13[%dma_wait3A, %dma_wait3A_45] : memref<512x16xf32, #tpu.memory_space<vmem>> -> memref<128x16xf32, #tpu.memory_space<vmem>>
          %dma_wait3A_47 = arith.constant 0 : i32
          %dma_wait3A_48 = tpu.memref_slice %arg12[%run_scoped3A, %dma_wait3A_47] : memref<4x128xi32, #tpu.memory_space<vmem>> -> memref<1x128xi32, #tpu.memory_space<vmem>>
          %dma_wait3A_49 = tpu.memref_squeeze %dma_wait3A_48 : memref<1x128xi32, #tpu.memory_space<vmem>> -> memref<128xi32, #tpu.memory_space<vmem>>
          %dma_wait3A_50 = arith.constant 0 : i32
          %dma_wait3A_51 = arith.constant 0 : i32
          %dma_wait3A_52 = tpu.memref_slice %arg11[%dma_wait3A_50, %dma_wait3A_51] : memref<100352x16xf32, #tpu.memory_space<vmem_shared>> -> memref<100352x16xf32, #tpu.memory_space<vmem_shared>>
          tpu.wait_indirect_dma semaphore(%run_scoped3A_36 : memref<!tpu.dma_semaphore, #tpu.memory_space<semaphore_mem>>) src(%dma_wait3A_46 : memref<128x16xf32, #tpu.memory_space<vmem>>) dst(%dma_wait3A_52 : memref<100352x16xf32, #tpu.memory_space<vmem_shared>>)
          tpu.yield
        }) : () -> ()
        %run_scoped3A_33 = arith.constant 1 : i32
        "tpu.region"() ({
          %run_scoped3A_36 = tpu.sem_alloc : memref<!tpu.dma_semaphore, #tpu.memory_space<semaphore_mem>>
          %dma_start3A = arith.constant 128 : i32
          %dma_start3A_37 = arith.constant 0 : i32
          %dma_start3A_38 = tpu.memref_slice %arg13[%dma_start3A, %dma_start3A_37] : memref<512x16xf32, #tpu.memory_space<vmem>> -> memref<128x16xf32, #tpu.memory_space<vmem>>
          %dma_start3A_39 = arith.constant 0 : i32
          %dma_start3A_40 = tpu.memref_slice %arg12[%run_scoped3A_33, %dma_start3A_39] : memref<4x128xi32, #tpu.memory_space<vmem>> -> memref<1x128xi32, #tpu.memory_space<vmem>>
          %dma_start3A_41 = tpu.memref_squeeze %dma_start3A_40 : memref<1x128xi32, #tpu.memory_space<vmem>> -> memref<128xi32, #tpu.memory_space<vmem>>
          %dma_start3A_42 = arith.constant 0 : i32
          %dma_start3A_43 = arith.constant 0 : i32
          %dma_start3A_44 = tpu.memref_slice %arg11[%dma_start3A_42, %dma_start3A_43] : memref<100352x16xf32, #tpu.memory_space<vmem_shared>> -> memref<100352x16xf32, #tpu.memory_space<vmem_shared>>
          tpu.enqueue_indirect_dma source(%dma_start3A_38 : memref<128x16xf32, #tpu.memory_space<vmem>>) target(%dma_start3A_44 : memref<100352x16xf32, #tpu.memory_space<vmem_shared>>) offsets(%dma_start3A_41 : memref<128xi32, #tpu.memory_space<vmem>>) semaphore(%run_scoped3A_36 : memref<!tpu.dma_semaphore, #tpu.memory_space<semaphore_mem>>) {add = true}
          %dma_wait3A = arith.constant 128 : i32
          %dma_wait3A_45 = arith.constant 0 : i32
          %dma_wait3A_46 = tpu.memref_slice %arg13[%dma_wait3A, %dma_wait3A_45] : memref<512x16xf32, #tpu.memory_space<vmem>> -> memref<128x16xf32, #tpu.memory_space<vmem>>
          %dma_wait3A_47 = arith.constant 0 : i32
          %dma_wait3A_48 = tpu.memref_slice %arg12[%run_scoped3A_33, %dma_wait3A_47] : memref<4x128xi32, #tpu.memory_space<vmem>> -> memref<1x128xi32, #tpu.memory_space<vmem>>
          %dma_wait3A_49 = tpu.memref_squeeze %dma_wait3A_48 : memref<1x128xi32, #tpu.memory_space<vmem>> -> memref<128xi32, #tpu.memory_space<vmem>>
          %dma_wait3A_50 = arith.constant 0 : i32
          %dma_wait3A_51 = arith.constant 0 : i32
          %dma_wait3A_52 = tpu.memref_slice %arg11[%dma_wait3A_50, %dma_wait3A_51] : memref<100352x16xf32, #tpu.memory_space<vmem_shared>> -> memref<100352x16xf32, #tpu.memory_space<vmem_shared>>
          tpu.wait_indirect_dma semaphore(%run_scoped3A_36 : memref<!tpu.dma_semaphore, #tpu.memory_space<semaphore_mem>>) src(%dma_wait3A_46 : memref<128x16xf32, #tpu.memory_space<vmem>>) dst(%dma_wait3A_52 : memref<100352x16xf32, #tpu.memory_space<vmem_shared>>)
          tpu.yield
        }) : () -> ()
        %run_scoped3A_34 = arith.constant 2 : i32
        "tpu.region"() ({
          %run_scoped3A_36 = tpu.sem_alloc : memref<!tpu.dma_semaphore, #tpu.memory_space<semaphore_mem>>
          %dma_start3A = arith.constant 256 : i32
          %dma_start3A_37 = arith.constant 0 : i32
          %dma_start3A_38 = tpu.memref_slice %arg13[%dma_start3A, %dma_start3A_37] : memref<512x16xf32, #tpu.memory_space<vmem>> -> memref<128x16xf32, #tpu.memory_space<vmem>>
          %dma_start3A_39 = arith.constant 0 : i32
          %dma_start3A_40 = tpu.memref_slice %arg12[%run_scoped3A_34, %dma_start3A_39] : memref<4x128xi32, #tpu.memory_space<vmem>> -> memref<1x128xi32, #tpu.memory_space<vmem>>
          %dma_start3A_41 = tpu.memref_squeeze %dma_start3A_40 : memref<1x128xi32, #tpu.memory_space<vmem>> -> memref<128xi32, #tpu.memory_space<vmem>>
          %dma_start3A_42 = arith.constant 0 : i32
          %dma_start3A_43 = arith.constant 0 : i32
          %dma_start3A_44 = tpu.memref_slice %arg11[%dma_start3A_42, %dma_start3A_43] : memref<100352x16xf32, #tpu.memory_space<vmem_shared>> -> memref<100352x16xf32, #tpu.memory_space<vmem_shared>>
          tpu.enqueue_indirect_dma source(%dma_start3A_38 : memref<128x16xf32, #tpu.memory_space<vmem>>) target(%dma_start3A_44 : memref<100352x16xf32, #tpu.memory_space<vmem_shared>>) offsets(%dma_start3A_41 : memref<128xi32, #tpu.memory_space<vmem>>) semaphore(%run_scoped3A_36 : memref<!tpu.dma_semaphore, #tpu.memory_space<semaphore_mem>>) {add = true}
          %dma_wait3A = arith.constant 256 : i32
          %dma_wait3A_45 = arith.constant 0 : i32
          %dma_wait3A_46 = tpu.memref_slice %arg13[%dma_wait3A, %dma_wait3A_45] : memref<512x16xf32, #tpu.memory_space<vmem>> -> memref<128x16xf32, #tpu.memory_space<vmem>>
          %dma_wait3A_47 = arith.constant 0 : i32
          %dma_wait3A_48 = tpu.memref_slice %arg12[%run_scoped3A_34, %dma_wait3A_47] : memref<4x128xi32, #tpu.memory_space<vmem>> -> memref<1x128xi32, #tpu.memory_space<vmem>>
          %dma_wait3A_49 = tpu.memref_squeeze %dma_wait3A_48 : memref<1x128xi32, #tpu.memory_space<vmem>> -> memref<128xi32, #tpu.memory_space<vmem>>
          %dma_wait3A_50 = arith.constant 0 : i32
          %dma_wait3A_51 = arith.constant 0 : i32
          %dma_wait3A_52 = tpu.memref_slice %arg11[%dma_wait3A_50, %dma_wait3A_51] : memref<100352x16xf32, #tpu.memory_space<vmem_shared>> -> memref<100352x16xf32, #tpu.memory_space<vmem_shared>>
          tpu.wait_indirect_dma semaphore(%run_scoped3A_36 : memref<!tpu.dma_semaphore, #tpu.memory_space<semaphore_mem>>) src(%dma_wait3A_46 : memref<128x16xf32, #tpu.memory_space<vmem>>) dst(%dma_wait3A_52 : memref<100352x16xf32, #tpu.memory_space<vmem_shared>>)
          tpu.yield
        }) : () -> ()
        %run_scoped3A_35 = arith.constant 3 : i32
        "tpu.region"() ({
          %run_scoped3A_36 = tpu.sem_alloc : memref<!tpu.dma_semaphore, #tpu.memory_space<semaphore_mem>>
          %dma_start3A = arith.constant 384 : i32
          %dma_start3A_37 = arith.constant 0 : i32
          %dma_start3A_38 = tpu.memref_slice %arg13[%dma_start3A, %dma_start3A_37] : memref<512x16xf32, #tpu.memory_space<vmem>> -> memref<128x16xf32, #tpu.memory_space<vmem>>
          %dma_start3A_39 = arith.constant 0 : i32
          %dma_start3A_40 = tpu.memref_slice %arg12[%run_scoped3A_35, %dma_start3A_39] : memref<4x128xi32, #tpu.memory_space<vmem>> -> memref<1x128xi32, #tpu.memory_space<vmem>>
          %dma_start3A_41 = tpu.memref_squeeze %dma_start3A_40 : memref<1x128xi32, #tpu.memory_space<vmem>> -> memref<128xi32, #tpu.memory_space<vmem>>
          %dma_start3A_42 = arith.constant 0 : i32
          %dma_start3A_43 = arith.constant 0 : i32
          %dma_start3A_44 = tpu.memref_slice %arg11[%dma_start3A_42, %dma_start3A_43] : memref<100352x16xf32, #tpu.memory_space<vmem_shared>> -> memref<100352x16xf32, #tpu.memory_space<vmem_shared>>
          tpu.enqueue_indirect_dma source(%dma_start3A_38 : memref<128x16xf32, #tpu.memory_space<vmem>>) target(%dma_start3A_44 : memref<100352x16xf32, #tpu.memory_space<vmem_shared>>) offsets(%dma_start3A_41 : memref<128xi32, #tpu.memory_space<vmem>>) semaphore(%run_scoped3A_36 : memref<!tpu.dma_semaphore, #tpu.memory_space<semaphore_mem>>) {add = true}
          %dma_wait3A = arith.constant 384 : i32
          %dma_wait3A_45 = arith.constant 0 : i32
          %dma_wait3A_46 = tpu.memref_slice %arg13[%dma_wait3A, %dma_wait3A_45] : memref<512x16xf32, #tpu.memory_space<vmem>> -> memref<128x16xf32, #tpu.memory_space<vmem>>
          %dma_wait3A_47 = arith.constant 0 : i32
          %dma_wait3A_48 = tpu.memref_slice %arg12[%run_scoped3A_35, %dma_wait3A_47] : memref<4x128xi32, #tpu.memory_space<vmem>> -> memref<1x128xi32, #tpu.memory_space<vmem>>
          %dma_wait3A_49 = tpu.memref_squeeze %dma_wait3A_48 : memref<1x128xi32, #tpu.memory_space<vmem>> -> memref<128xi32, #tpu.memory_space<vmem>>
          %dma_wait3A_50 = arith.constant 0 : i32
          %dma_wait3A_51 = arith.constant 0 : i32
          %dma_wait3A_52 = tpu.memref_slice %arg11[%dma_wait3A_50, %dma_wait3A_51] : memref<100352x16xf32, #tpu.memory_space<vmem_shared>> -> memref<100352x16xf32, #tpu.memory_space<vmem_shared>>
          tpu.wait_indirect_dma semaphore(%run_scoped3A_36 : memref<!tpu.dma_semaphore, #tpu.memory_space<semaphore_mem>>) src(%dma_wait3A_46 : memref<128x16xf32, #tpu.memory_space<vmem>>) dst(%dma_wait3A_52 : memref<100352x16xf32, #tpu.memory_space<vmem_shared>>)
          tpu.yield
        }) : () -> ()
      }
      %scan3A_11 = arith.constant 196 : i32
      %barrier3A_12 = arith.constant 0 : index
      tpu.barrier barrier_id(%barrier3A_12)
      "tpu.region"() ({
        %run_scoped3A = tpu.sem_alloc : memref<!tpu.dma_semaphore, #tpu.memory_space<semaphore_mem>>
        %dma_start3A = arith.constant 0 : i32
        %dma_start3A_24 = tpu.memref_slice %arg8[%mul3A_7, %dma_start3A] : memref<100352x16xf32, #tpu.memory_space<hbm>> -> memref<6272x16xf32, #tpu.memory_space<hbm>>
        %dma_start3A_25 = arith.constant 0 : i32
        %dma_start3A_26 = tpu.memref_slice %arg11[%mul3A_7, %dma_start3A_25] : memref<100352x16xf32, #tpu.memory_space<vmem_shared>> -> memref<6272x16xf32, #tpu.memory_space<vmem_shared>>
        tpu.enqueue_dma source(%dma_start3A_26 : memref<6272x16xf32, #tpu.memory_space<vmem_shared>>) target(%dma_start3A_24 : memref<6272x16xf32, #tpu.memory_space<hbm>>) target_semaphore(%run_scoped3A : memref<!tpu.dma_semaphore, #tpu.memory_space<semaphore_mem>>)
        %dma_wait3A = arith.constant 0 : i32
        %dma_wait3A_27 = tpu.memref_slice %arg8[%mul3A_7, %dma_wait3A] : memref<100352x16xf32, #tpu.memory_space<hbm>> -> memref<6272x16xf32, #tpu.memory_space<hbm>>
        %dma_wait3A_28 = arith.constant 0 : i32
        %dma_wait3A_29 = tpu.memref_slice %arg11[%mul3A_7, %dma_wait3A_28] : memref<100352x16xf32, #tpu.memory_space<vmem_shared>> -> memref<6272x16xf32, #tpu.memory_space<vmem_shared>>
        tpu.wait_dma2 semaphore(%run_scoped3A : memref<!tpu.dma_semaphore, #tpu.memory_space<semaphore_mem>>) src(%dma_wait3A_29 : memref<6272x16xf32, #tpu.memory_space<vmem_shared>>) dst(%dma_wait3A_27 : memref<6272x16xf32, #tpu.memory_space<hbm>>)
        tpu.yield
      }) : () -> ()
      %barrier3A_13 = arith.constant 0 : index
      tpu.barrier barrier_id(%barrier3A_13)
      %mul3A_14 = arith.constant 6272 : i32
      %mul3A_15 = arith.muli %arg1, %mul3A_14 : i32
      "tpu.region"() ({
        %run_scoped3A = tpu.sem_alloc : memref<!tpu.dma_semaphore, #tpu.memory_space<semaphore_mem>>
        %dma_start3A = arith.constant 0 : i32
        %dma_start3A_24 = tpu.memref_slice %arg11[%mul3A_15, %dma_start3A] : memref<100352x16xf32, #tpu.memory_space<vmem_shared>> -> memref<6272x16xf32, #tpu.memory_space<vmem_shared>>
        %dma_start3A_25 = arith.constant 0 : i32
        %dma_start3A_26 = tpu.memref_slice %arg6[%mul3A_15, %dma_start3A_25] : memref<100352x16xf32, #tpu.memory_space<hbm>> -> memref<6272x16xf32, #tpu.memory_space<hbm>>
        tpu.enqueue_dma source(%dma_start3A_26 : memref<6272x16xf32, #tpu.memory_space<hbm>>) target(%dma_start3A_24 : memref<6272x16xf32, #tpu.memory_space<vmem_shared>>) target_semaphore(%run_scoped3A : memref<!tpu.dma_semaphore, #tpu.memory_space<semaphore_mem>>)
        %dma_wait3A = arith.constant 0 : i32
        %dma_wait3A_27 = tpu.memref_slice %arg11[%mul3A_15, %dma_wait3A] : memref<100352x16xf32, #tpu.memory_space<vmem_shared>> -> memref<6272x16xf32, #tpu.memory_space<vmem_shared>>
        %dma_wait3A_28 = arith.constant 0 : i32
        %dma_wait3A_29 = tpu.memref_slice %arg6[%mul3A_15, %dma_wait3A_28] : memref<100352x16xf32, #tpu.memory_space<hbm>> -> memref<6272x16xf32, #tpu.memory_space<hbm>>
        tpu.wait_dma2 semaphore(%run_scoped3A : memref<!tpu.dma_semaphore, #tpu.memory_space<semaphore_mem>>) src(%dma_wait3A_29 : memref<6272x16xf32, #tpu.memory_space<hbm>>) dst(%dma_wait3A_27 : memref<6272x16xf32, #tpu.memory_space<vmem_shared>>)
        tpu.yield
      }) : () -> ()
      %barrier3A_16 = arith.constant 0 : index
      tpu.barrier barrier_id(%barrier3A_16)
      %scan3A_17 = arith.constant 0 : i32
      %scan3A_18 = arith.constant 98 : i32
      %scan3A_19 = arith.addi %scan3A_17, %scan3A_18 : i32
      %scan3A_20 = arith.constant 1 : i32
      scf.for %scan3A_24 = %scan3A_17 to %scan3A_19 step %scan3A_20  : i32 {
        %mul3A_25 = arith.constant 392 : i32
        %mul3A_26 = arith.muli %arg1, %mul3A_25 : i32
        %add3A = arith.constant 6272 : i32
        %add3A_27 = arith.addi %add3A, %mul3A_26 : i32
        %mul3A_28 = arith.constant 4 : i32
        %mul3A_29 = arith.muli %scan3A_24, %mul3A_28 : i32
        %add3A_30 = arith.addi %add3A_27, %mul3A_29 : i32
        "tpu.region"() ({
          %run_scoped3A_36 = tpu.sem_alloc : memref<!tpu.dma_semaphore, #tpu.memory_space<semaphore_mem>>
          %dma_start3A = arith.constant 0 : i32
          %dma_start3A_37 = tpu.memref_slice %arg5[%add3A_30, %dma_start3A] : memref<12544x128xi32, #tpu.memory_space<hbm>> -> memref<4x128xi32, #tpu.memory_space<hbm>>
          %dma_start3A_38 = arith.constant 0 : i32
          %dma_start3A_39 = tpu.memref_slice %arg5[%add3A_30, %dma_start3A_38] : memref<12544x128xi32, #tpu.memory_space<hbm>> -> memref<4x128xi32, #tpu.memory_space<hbm>>
          tpu.enqueue_dma source(%dma_start3A_39 : memref<4x128xi32, #tpu.memory_space<hbm>>) target(%arg12 : memref<4x128xi32, #tpu.memory_space<vmem>>) target_semaphore(%run_scoped3A_36 : memref<!tpu.dma_semaphore, #tpu.memory_space<semaphore_mem>>)
          %dma_wait3A = arith.constant 0 : i32
          %dma_wait3A_40 = tpu.memref_slice %arg5[%add3A_30, %dma_wait3A] : memref<12544x128xi32, #tpu.memory_space<hbm>> -> memref<4x128xi32, #tpu.memory_space<hbm>>
          %dma_wait3A_41 = arith.constant 0 : i32
          %dma_wait3A_42 = tpu.memref_slice %arg5[%add3A_30, %dma_wait3A_41] : memref<12544x128xi32, #tpu.memory_space<hbm>> -> memref<4x128xi32, #tpu.memory_space<hbm>>
          tpu.wait_dma2 semaphore(%run_scoped3A_36 : memref<!tpu.dma_semaphore, #tpu.memory_space<semaphore_mem>>) src(%dma_wait3A_42 : memref<4x128xi32, #tpu.memory_space<hbm>>) dst(%arg12 : memref<4x128xi32, #tpu.memory_space<vmem>>)
          tpu.yield
        }) : () -> ()
        %mul3A_31 = arith.constant 128 : i32
        %mul3A_32 = arith.muli %add3A_30, %mul3A_31 : i32
        "tpu.region"() ({
          %run_scoped3A_36 = tpu.sem_alloc : memref<!tpu.dma_semaphore, #tpu.memory_space<semaphore_mem>>
          %dma_start3A = arith.constant 0 : i32
          %dma_start3A_37 = tpu.memref_slice %arg4[%mul3A_32, %dma_start3A] : memref<1605632x16xf32, #tpu.memory_space<hbm>> -> memref<512x16xf32, #tpu.memory_space<hbm>>
          %dma_start3A_38 = arith.constant 0 : i32
          %dma_start3A_39 = tpu.memref_slice %arg4[%mul3A_32, %dma_start3A_38] : memref<1605632x16xf32, #tpu.memory_space<hbm>> -> memref<512x16xf32, #tpu.memory_space<hbm>>
          tpu.enqueue_dma source(%dma_start3A_39 : memref<512x16xf32, #tpu.memory_space<hbm>>) target(%arg13 : memref<512x16xf32, #tpu.memory_space<vmem>>) target_semaphore(%run_scoped3A_36 : memref<!tpu.dma_semaphore, #tpu.memory_space<semaphore_mem>>)
          %dma_wait3A = arith.constant 0 : i32
          %dma_wait3A_40 = tpu.memref_slice %arg4[%mul3A_32, %dma_wait3A] : memref<1605632x16xf32, #tpu.memory_space<hbm>> -> memref<512x16xf32, #tpu.memory_space<hbm>>
          %dma_wait3A_41 = arith.constant 0 : i32
          %dma_wait3A_42 = tpu.memref_slice %arg4[%mul3A_32, %dma_wait3A_41] : memref<1605632x16xf32, #tpu.memory_space<hbm>> -> memref<512x16xf32, #tpu.memory_space<hbm>>
          tpu.wait_dma2 semaphore(%run_scoped3A_36 : memref<!tpu.dma_semaphore, #tpu.memory_space<semaphore_mem>>) src(%dma_wait3A_42 : memref<512x16xf32, #tpu.memory_space<hbm>>) dst(%arg13 : memref<512x16xf32, #tpu.memory_space<vmem>>)
          tpu.yield
        }) : () -> ()
        %run_scoped3A = arith.constant 0 : i32
        "tpu.region"() ({
          %run_scoped3A_36 = tpu.sem_alloc : memref<!tpu.dma_semaphore, #tpu.memory_space<semaphore_mem>>
          %dma_start3A = arith.constant 0 : i32
          %dma_start3A_37 = arith.constant 0 : i32
          %dma_start3A_38 = tpu.memref_slice %arg13[%dma_start3A, %dma_start3A_37] : memref<512x16xf32, #tpu.memory_space<vmem>> -> memref<128x16xf32, #tpu.memory_space<vmem>>
          %dma_start3A_39 = arith.constant 0 : i32
          %dma_start3A_40 = tpu.memref_slice %arg12[%run_scoped3A, %dma_start3A_39] : memref<4x128xi32, #tpu.memory_space<vmem>> -> memref<1x128xi32, #tpu.memory_space<vmem>>
          %dma_start3A_41 = tpu.memref_squeeze %dma_start3A_40 : memref<1x128xi32, #tpu.memory_space<vmem>> -> memref<128xi32, #tpu.memory_space<vmem>>
          %dma_start3A_42 = arith.constant 0 : i32
          %dma_start3A_43 = arith.constant 0 : i32
          %dma_start3A_44 = tpu.memref_slice %arg11[%dma_start3A_42, %dma_start3A_43] : memref<100352x16xf32, #tpu.memory_space<vmem_shared>> -> memref<100352x16xf32, #tpu.memory_space<vmem_shared>>
          tpu.enqueue_indirect_dma source(%dma_start3A_38 : memref<128x16xf32, #tpu.memory_space<vmem>>) target(%dma_start3A_44 : memref<100352x16xf32, #tpu.memory_space<vmem_shared>>) offsets(%dma_start3A_41 : memref<128xi32, #tpu.memory_space<vmem>>) semaphore(%run_scoped3A_36 : memref<!tpu.dma_semaphore, #tpu.memory_space<semaphore_mem>>) {add = true}
          %dma_wait3A = arith.constant 0 : i32
          %dma_wait3A_45 = arith.constant 0 : i32
          %dma_wait3A_46 = tpu.memref_slice %arg13[%dma_wait3A, %dma_wait3A_45] : memref<512x16xf32, #tpu.memory_space<vmem>> -> memref<128x16xf32, #tpu.memory_space<vmem>>
          %dma_wait3A_47 = arith.constant 0 : i32
          %dma_wait3A_48 = tpu.memref_slice %arg12[%run_scoped3A, %dma_wait3A_47] : memref<4x128xi32, #tpu.memory_space<vmem>> -> memref<1x128xi32, #tpu.memory_space<vmem>>
          %dma_wait3A_49 = tpu.memref_squeeze %dma_wait3A_48 : memref<1x128xi32, #tpu.memory_space<vmem>> -> memref<128xi32, #tpu.memory_space<vmem>>
          %dma_wait3A_50 = arith.constant 0 : i32
          %dma_wait3A_51 = arith.constant 0 : i32
          %dma_wait3A_52 = tpu.memref_slice %arg11[%dma_wait3A_50, %dma_wait3A_51] : memref<100352x16xf32, #tpu.memory_space<vmem_shared>> -> memref<100352x16xf32, #tpu.memory_space<vmem_shared>>
          tpu.wait_indirect_dma semaphore(%run_scoped3A_36 : memref<!tpu.dma_semaphore, #tpu.memory_space<semaphore_mem>>) src(%dma_wait3A_46 : memref<128x16xf32, #tpu.memory_space<vmem>>) dst(%dma_wait3A_52 : memref<100352x16xf32, #tpu.memory_space<vmem_shared>>)
          tpu.yield
        }) : () -> ()
        %run_scoped3A_33 = arith.constant 1 : i32
        "tpu.region"() ({
          %run_scoped3A_36 = tpu.sem_alloc : memref<!tpu.dma_semaphore, #tpu.memory_space<semaphore_mem>>
          %dma_start3A = arith.constant 128 : i32
          %dma_start3A_37 = arith.constant 0 : i32
          %dma_start3A_38 = tpu.memref_slice %arg13[%dma_start3A, %dma_start3A_37] : memref<512x16xf32, #tpu.memory_space<vmem>> -> memref<128x16xf32, #tpu.memory_space<vmem>>
          %dma_start3A_39 = arith.constant 0 : i32
          %dma_start3A_40 = tpu.memref_slice %arg12[%run_scoped3A_33, %dma_start3A_39] : memref<4x128xi32, #tpu.memory_space<vmem>> -> memref<1x128xi32, #tpu.memory_space<vmem>>
          %dma_start3A_41 = tpu.memref_squeeze %dma_start3A_40 : memref<1x128xi32, #tpu.memory_space<vmem>> -> memref<128xi32, #tpu.memory_space<vmem>>
          %dma_start3A_42 = arith.constant 0 : i32
          %dma_start3A_43 = arith.constant 0 : i32
          %dma_start3A_44 = tpu.memref_slice %arg11[%dma_start3A_42, %dma_start3A_43] : memref<100352x16xf32, #tpu.memory_space<vmem_shared>> -> memref<100352x16xf32, #tpu.memory_space<vmem_shared>>
          tpu.enqueue_indirect_dma source(%dma_start3A_38 : memref<128x16xf32, #tpu.memory_space<vmem>>) target(%dma_start3A_44 : memref<100352x16xf32, #tpu.memory_space<vmem_shared>>) offsets(%dma_start3A_41 : memref<128xi32, #tpu.memory_space<vmem>>) semaphore(%run_scoped3A_36 : memref<!tpu.dma_semaphore, #tpu.memory_space<semaphore_mem>>) {add = true}
          %dma_wait3A = arith.constant 128 : i32
          %dma_wait3A_45 = arith.constant 0 : i32
          %dma_wait3A_46 = tpu.memref_slice %arg13[%dma_wait3A, %dma_wait3A_45] : memref<512x16xf32, #tpu.memory_space<vmem>> -> memref<128x16xf32, #tpu.memory_space<vmem>>
          %dma_wait3A_47 = arith.constant 0 : i32
          %dma_wait3A_48 = tpu.memref_slice %arg12[%run_scoped3A_33, %dma_wait3A_47] : memref<4x128xi32, #tpu.memory_space<vmem>> -> memref<1x128xi32, #tpu.memory_space<vmem>>
          %dma_wait3A_49 = tpu.memref_squeeze %dma_wait3A_48 : memref<1x128xi32, #tpu.memory_space<vmem>> -> memref<128xi32, #tpu.memory_space<vmem>>
          %dma_wait3A_50 = arith.constant 0 : i32
          %dma_wait3A_51 = arith.constant 0 : i32
          %dma_wait3A_52 = tpu.memref_slice %arg11[%dma_wait3A_50, %dma_wait3A_51] : memref<100352x16xf32, #tpu.memory_space<vmem_shared>> -> memref<100352x16xf32, #tpu.memory_space<vmem_shared>>
          tpu.wait_indirect_dma semaphore(%run_scoped3A_36 : memref<!tpu.dma_semaphore, #tpu.memory_space<semaphore_mem>>) src(%dma_wait3A_46 : memref<128x16xf32, #tpu.memory_space<vmem>>) dst(%dma_wait3A_52 : memref<100352x16xf32, #tpu.memory_space<vmem_shared>>)
          tpu.yield
        }) : () -> ()
        %run_scoped3A_34 = arith.constant 2 : i32
        "tpu.region"() ({
          %run_scoped3A_36 = tpu.sem_alloc : memref<!tpu.dma_semaphore, #tpu.memory_space<semaphore_mem>>
          %dma_start3A = arith.constant 256 : i32
          %dma_start3A_37 = arith.constant 0 : i32
          %dma_start3A_38 = tpu.memref_slice %arg13[%dma_start3A, %dma_start3A_37] : memref<512x16xf32, #tpu.memory_space<vmem>> -> memref<128x16xf32, #tpu.memory_space<vmem>>
          %dma_start3A_39 = arith.constant 0 : i32
          %dma_start3A_40 = tpu.memref_slice %arg12[%run_scoped3A_34, %dma_start3A_39] : memref<4x128xi32, #tpu.memory_space<vmem>> -> memref<1x128xi32, #tpu.memory_space<vmem>>
          %dma_start3A_41 = tpu.memref_squeeze %dma_start3A_40 : memref<1x128xi32, #tpu.memory_space<vmem>> -> memref<128xi32, #tpu.memory_space<vmem>>
          %dma_start3A_42 = arith.constant 0 : i32
          %dma_start3A_43 = arith.constant 0 : i32
          %dma_start3A_44 = tpu.memref_slice %arg11[%dma_start3A_42, %dma_start3A_43] : memref<100352x16xf32, #tpu.memory_space<vmem_shared>> -> memref<100352x16xf32, #tpu.memory_space<vmem_shared>>
          tpu.enqueue_indirect_dma source(%dma_start3A_38 : memref<128x16xf32, #tpu.memory_space<vmem>>) target(%dma_start3A_44 : memref<100352x16xf32, #tpu.memory_space<vmem_shared>>) offsets(%dma_start3A_41 : memref<128xi32, #tpu.memory_space<vmem>>) semaphore(%run_scoped3A_36 : memref<!tpu.dma_semaphore, #tpu.memory_space<semaphore_mem>>) {add = true}
          %dma_wait3A = arith.constant 256 : i32
          %dma_wait3A_45 = arith.constant 0 : i32
          %dma_wait3A_46 = tpu.memref_slice %arg13[%dma_wait3A, %dma_wait3A_45] : memref<512x16xf32, #tpu.memory_space<vmem>> -> memref<128x16xf32, #tpu.memory_space<vmem>>
          %dma_wait3A_47 = arith.constant 0 : i32
          %dma_wait3A_48 = tpu.memref_slice %arg12[%run_scoped3A_34, %dma_wait3A_47] : memref<4x128xi32, #tpu.memory_space<vmem>> -> memref<1x128xi32, #tpu.memory_space<vmem>>
          %dma_wait3A_49 = tpu.memref_squeeze %dma_wait3A_48 : memref<1x128xi32, #tpu.memory_space<vmem>> -> memref<128xi32, #tpu.memory_space<vmem>>
          %dma_wait3A_50 = arith.constant 0 : i32
          %dma_wait3A_51 = arith.constant 0 : i32
          %dma_wait3A_52 = tpu.memref_slice %arg11[%dma_wait3A_50, %dma_wait3A_51] : memref<100352x16xf32, #tpu.memory_space<vmem_shared>> -> memref<100352x16xf32, #tpu.memory_space<vmem_shared>>
          tpu.wait_indirect_dma semaphore(%run_scoped3A_36 : memref<!tpu.dma_semaphore, #tpu.memory_space<semaphore_mem>>) src(%dma_wait3A_46 : memref<128x16xf32, #tpu.memory_space<vmem>>) dst(%dma_wait3A_52 : memref<100352x16xf32, #tpu.memory_space<vmem_shared>>)
          tpu.yield
        }) : () -> ()
        %run_scoped3A_35 = arith.constant 3 : i32
        "tpu.region"() ({
          %run_scoped3A_36 = tpu.sem_alloc : memref<!tpu.dma_semaphore, #tpu.memory_space<semaphore_mem>>
          %dma_start3A = arith.constant 384 : i32
          %dma_start3A_37 = arith.constant 0 : i32
          %dma_start3A_38 = tpu.memref_slice %arg13[%dma_start3A, %dma_start3A_37] : memref<512x16xf32, #tpu.memory_space<vmem>> -> memref<128x16xf32, #tpu.memory_space<vmem>>
          %dma_start3A_39 = arith.constant 0 : i32
          %dma_start3A_40 = tpu.memref_slice %arg12[%run_scoped3A_35, %dma_start3A_39] : memref<4x128xi32, #tpu.memory_space<vmem>> -> memref<1x128xi32, #tpu.memory_space<vmem>>
          %dma_start3A_41 = tpu.memref_squeeze %dma_start3A_40 : memref<1x128xi32, #tpu.memory_space<vmem>> -> memref<128xi32, #tpu.memory_space<vmem>>
          %dma_start3A_42 = arith.constant 0 : i32
          %dma_start3A_43 = arith.constant 0 : i32
          %dma_start3A_44 = tpu.memref_slice %arg11[%dma_start3A_42, %dma_start3A_43] : memref<100352x16xf32, #tpu.memory_space<vmem_shared>> -> memref<100352x16xf32, #tpu.memory_space<vmem_shared>>
          tpu.enqueue_indirect_dma source(%dma_start3A_38 : memref<128x16xf32, #tpu.memory_space<vmem>>) target(%dma_start3A_44 : memref<100352x16xf32, #tpu.memory_space<vmem_shared>>) offsets(%dma_start3A_41 : memref<128xi32, #tpu.memory_space<vmem>>) semaphore(%run_scoped3A_36 : memref<!tpu.dma_semaphore, #tpu.memory_space<semaphore_mem>>) {add = true}
          %dma_wait3A = arith.constant 384 : i32
          %dma_wait3A_45 = arith.constant 0 : i32
          %dma_wait3A_46 = tpu.memref_slice %arg13[%dma_wait3A, %dma_wait3A_45] : memref<512x16xf32, #tpu.memory_space<vmem>> -> memref<128x16xf32, #tpu.memory_space<vmem>>
          %dma_wait3A_47 = arith.constant 0 : i32
          %dma_wait3A_48 = tpu.memref_slice %arg12[%run_scoped3A_35, %dma_wait3A_47] : memref<4x128xi32, #tpu.memory_space<vmem>> -> memref<1x128xi32, #tpu.memory_space<vmem>>
          %dma_wait3A_49 = tpu.memref_squeeze %dma_wait3A_48 : memref<1x128xi32, #tpu.memory_space<vmem>> -> memref<128xi32, #tpu.memory_space<vmem>>
          %dma_wait3A_50 = arith.constant 0 : i32
          %dma_wait3A_51 = arith.constant 0 : i32
          %dma_wait3A_52 = tpu.memref_slice %arg11[%dma_wait3A_50, %dma_wait3A_51] : memref<100352x16xf32, #tpu.memory_space<vmem_shared>> -> memref<100352x16xf32, #tpu.memory_space<vmem_shared>>
          tpu.wait_indirect_dma semaphore(%run_scoped3A_36 : memref<!tpu.dma_semaphore, #tpu.memory_space<semaphore_mem>>) src(%dma_wait3A_46 : memref<128x16xf32, #tpu.memory_space<vmem>>) dst(%dma_wait3A_52 : memref<100352x16xf32, #tpu.memory_space<vmem_shared>>)
          tpu.yield
        }) : () -> ()
      }
      %scan3A_21 = arith.constant 98 : i32
      %barrier3A_22 = arith.constant 0 : index
      tpu.barrier barrier_id(%barrier3A_22)
      "tpu.region"() ({
        %run_scoped3A = tpu.sem_alloc : memref<!tpu.dma_semaphore, #tpu.memory_space<semaphore_mem>>
        %dma_start3A = arith.constant 0 : i32
        %dma_start3A_24 = tpu.memref_slice %arg10[%mul3A_15, %dma_start3A] : memref<100352x16xf32, #tpu.memory_space<hbm>> -> memref<6272x16xf32, #tpu.memory_space<hbm>>
        %dma_start3A_25 = arith.constant 0 : i32
        %dma_start3A_26 = tpu.memref_slice %arg11[%mul3A_15, %dma_start3A_25] : memref<100352x16xf32, #tpu.memory_space<vmem_shared>> -> memref<6272x16xf32, #tpu.memory_space<vmem_shared>>
        tpu.enqueue_dma source(%dma_start3A_26 : memref<6272x16xf32, #tpu.memory_space<vmem_shared>>) target(%dma_start3A_24 : memref<6272x16xf32, #tpu.memory_space<hbm>>) target_semaphore(%run_scoped3A : memref<!tpu.dma_semaphore, #tpu.memory_space<semaphore_mem>>)
        %dma_wait3A = arith.constant 0 : i32
        %dma_wait3A_27 = tpu.memref_slice %arg10[%mul3A_15, %dma_wait3A] : memref<100352x16xf32, #tpu.memory_space<hbm>> -> memref<6272x16xf32, #tpu.memory_space<hbm>>
        %dma_wait3A_28 = arith.constant 0 : i32
        %dma_wait3A_29 = tpu.memref_slice %arg11[%mul3A_15, %dma_wait3A_28] : memref<100352x16xf32, #tpu.memory_space<vmem_shared>> -> memref<6272x16xf32, #tpu.memory_space<vmem_shared>>
        tpu.wait_dma2 semaphore(%run_scoped3A : memref<!tpu.dma_semaphore, #tpu.memory_space<semaphore_mem>>) src(%dma_wait3A_29 : memref<6272x16xf32, #tpu.memory_space<vmem_shared>>) dst(%dma_wait3A_27 : memref<6272x16xf32, #tpu.memory_space<hbm>>)
        tpu.yield
      }) : () -> ()
      %barrier3A_23 = arith.constant 0 : index
      tpu.barrier barrier_id(%barrier3A_23)
    } else {
    }
    return
  }
}

module attributes {stable_mosaic.version = 14 : i64} {
  func.func @_stage_a_body(%arg0: i32, %arg1: memref<1024x32xf32, #tpu.memory_space<vmem>>, %arg2: memref<1024x8xf32, #tpu.memory_space<vmem>>, %arg3: memref<1024x8xf32, #tpu.memory_space<vmem>>, %arg4: memref<1024x1xf32, #tpu.memory_space<vmem>>, %arg5: memref<1024x1xf32, #tpu.memory_space<vmem>>, %arg6: memref<1024x1xf32, #tpu.memory_space<vmem>>, %arg7: memref<32x64xf32, #tpu.memory_space<vmem>>, %arg8: memref<1x64xf32, #tpu.memory_space<vmem>>, %arg9: memref<64x64xf32, #tpu.memory_space<vmem>>, %arg10: memref<1x64xf32, #tpu.memory_space<vmem>>, %arg11: memref<64x8xf32, #tpu.memory_space<vmem>>, %arg12: memref<1x8xf32, #tpu.memory_space<vmem>>, %arg13: memref<1024x80xf32, #tpu.memory_space<vmem>>, %arg14: memref<1024x48xf32, #tpu.memory_space<vmem>>) attributes {dimension_semantics = [#tpu.dimension_semantics<arbitrary>], iteration_bounds = array<i64: 98>, scalar_prefetch = 0 : i64, scratch_operands = 0 : i64, tpu.core_type = #tpu.core_type<tc>, window_params = [{transform_indices = @transform_0, window_bounds = array<i64: 1024, 32>}, {transform_indices = @transform_1, window_bounds = array<i64: 1024, 8>}, {transform_indices = @transform_2, window_bounds = array<i64: 1024, 8>}, {transform_indices = @transform_3, window_bounds = array<i64: 1024, 1>}, {transform_indices = @transform_4, window_bounds = array<i64: 1024, 1>}, {transform_indices = @transform_5, window_bounds = array<i64: 1024, 1>}, {pipeline_mode = #tpu.pipeline_mode<synchronous>, transform_indices = @transform_6, window_bounds = array<i64: 32, 64>}, {pipeline_mode = #tpu.pipeline_mode<synchronous>, transform_indices = @transform_7, window_bounds = array<i64: 1, 64>}, {pipeline_mode = #tpu.pipeline_mode<synchronous>, transform_indices = @transform_8, window_bounds = array<i64: 64, 64>}, {pipeline_mode = #tpu.pipeline_mode<synchronous>, transform_indices = @transform_9, window_bounds = array<i64: 1, 64>}, {pipeline_mode = #tpu.pipeline_mode<synchronous>, transform_indices = @transform_10, window_bounds = array<i64: 64, 8>}, {pipeline_mode = #tpu.pipeline_mode<synchronous>, transform_indices = @transform_11, window_bounds = array<i64: 1, 8>}, {transform_indices = @transform_12, window_bounds = array<i64: 1024, 80>}, {transform_indices = @transform_13, window_bounds = array<i64: 1024, 48>}]} {
    %get3A = arith.constant 0 : index
    %get3A_0 = arith.constant 0 : index
    %get3A_1 = vector.load %arg1[%get3A, %get3A_0] : memref<1024x32xf32, #tpu.memory_space<vmem>>, vector<1024x32xf32>
    %get3A_2 = arith.constant 0 : index
    %get3A_3 = arith.constant 0 : index
    %get3A_4 = vector.load %arg7[%get3A_2, %get3A_3] : memref<32x64xf32, #tpu.memory_space<vmem>>, vector<32x64xf32>
    %dot_general3A = arith.constant dense<0.000000e+00> : vector<1024x64xf32>
    %dot_general3A_5 = tpu.matmul %get3A_1, %get3A_4, %dot_general3A {dimension_numbers = #tpu.dot_dimension_numbers<[1], [0], [0], [1], [0, 0, 1, 1], [], []>, transpose_lhs_hint = false} : vector<1024x32xf32>, vector<32x64xf32>, vector<1024x64xf32> -> vector<1024x64xf32>
    %get3A_6 = arith.constant 0 : index
    %get3A_7 = arith.constant 0 : index
    %get3A_8 = vector.load %arg8[%get3A_6, %get3A_7] : memref<1x64xf32, #tpu.memory_space<vmem>>, vector<1x64xf32>
    %add3A = vector.broadcast %get3A_8 : vector<1x64xf32> to vector<1024x64xf32>
    %add3A_9 = arith.addf %dot_general3A_5, %add3A : vector<1024x64xf32>
    %logistic3A = arith.negf %add3A_9 : vector<1024x64xf32>
    %logistic3A_10 = math.exp %logistic3A : vector<1024x64xf32>
    %logistic3A_11 = arith.constant 1.000000e+00 : f32
    %logistic3A_12 = vector.broadcast %logistic3A_11 : f32 to vector<1024x64xf32>
    %logistic3A_13 = arith.addf %logistic3A_12, %logistic3A_10 : vector<1024x64xf32>
    %logistic3A_14 = arith.divf %logistic3A_12, %logistic3A_13 : vector<1024x64xf32>
    %mul3A = arith.mulf %add3A_9, %logistic3A_14 : vector<1024x64xf32>
    %get3A_15 = arith.constant 0 : index
    %get3A_16 = arith.constant 0 : index
    %get3A_17 = vector.load %arg9[%get3A_15, %get3A_16] : memref<64x64xf32, #tpu.memory_space<vmem>>, vector<64x64xf32>
    %dot_general3A_18 = arith.constant dense<0.000000e+00> : vector<1024x64xf32>
    %dot_general3A_19 = tpu.matmul %mul3A, %get3A_17, %dot_general3A_18 {dimension_numbers = #tpu.dot_dimension_numbers<[1], [0], [0], [1], [0, 0, 1, 1], [], []>, transpose_lhs_hint = false} : vector<1024x64xf32>, vector<64x64xf32>, vector<1024x64xf32> -> vector<1024x64xf32>
    %get3A_20 = arith.constant 0 : index
    %get3A_21 = arith.constant 0 : index
    %get3A_22 = vector.load %arg10[%get3A_20, %get3A_21] : memref<1x64xf32, #tpu.memory_space<vmem>>, vector<1x64xf32>
    %add3A_23 = vector.broadcast %get3A_22 : vector<1x64xf32> to vector<1024x64xf32>
    %add3A_24 = arith.addf %dot_general3A_19, %add3A_23 : vector<1024x64xf32>
    %logistic3A_25 = arith.negf %add3A_24 : vector<1024x64xf32>
    %logistic3A_26 = math.exp %logistic3A_25 : vector<1024x64xf32>
    %logistic3A_27 = arith.constant 1.000000e+00 : f32
    %logistic3A_28 = vector.broadcast %logistic3A_27 : f32 to vector<1024x64xf32>
    %logistic3A_29 = arith.addf %logistic3A_28, %logistic3A_26 : vector<1024x64xf32>
    %logistic3A_30 = arith.divf %logistic3A_28, %logistic3A_29 : vector<1024x64xf32>
    %mul3A_31 = arith.mulf %add3A_24, %logistic3A_30 : vector<1024x64xf32>
    %get3A_32 = arith.constant 0 : index
    %get3A_33 = arith.constant 0 : index
    %get3A_34 = vector.load %arg11[%get3A_32, %get3A_33] : memref<64x8xf32, #tpu.memory_space<vmem>>, vector<64x8xf32>
    %dot_general3A_35 = arith.constant dense<0.000000e+00> : vector<1024x8xf32>
    %dot_general3A_36 = tpu.matmul %mul3A_31, %get3A_34, %dot_general3A_35 {dimension_numbers = #tpu.dot_dimension_numbers<[1], [0], [0], [1], [0, 0, 1, 1], [], []>, transpose_lhs_hint = false} : vector<1024x64xf32>, vector<64x8xf32>, vector<1024x8xf32> -> vector<1024x8xf32>
    %get3A_37 = arith.constant 0 : index
    %get3A_38 = arith.constant 0 : index
    %get3A_39 = vector.load %arg12[%get3A_37, %get3A_38] : memref<1x8xf32, #tpu.memory_space<vmem>>, vector<1x8xf32>
    %add3A_40 = vector.broadcast %get3A_39 : vector<1x8xf32> to vector<1024x8xf32>
    %add3A_41 = arith.addf %dot_general3A_36, %add3A_40 : vector<1024x8xf32>
    %get3A_42 = arith.constant 0 : index
    %get3A_43 = arith.constant 0 : index
    %get3A_44 = vector.load %arg6[%get3A_42, %get3A_43] : memref<1024x1xf32, #tpu.memory_space<vmem>>, vector<1024x1xf32>
    %cos3A = math.cos %get3A_44 : vector<1024x1xf32>
    %get3A_45 = arith.constant 0 : index
    %get3A_46 = arith.constant 0 : index
    %get3A_47 = vector.load %arg6[%get3A_45, %get3A_46] : memref<1024x1xf32, #tpu.memory_space<vmem>>, vector<1024x1xf32>
    %sin3A = math.sin %get3A_47 : vector<1024x1xf32>
    %get3A_48 = arith.constant 0 : index
    %get3A_49 = arith.constant 0 : index
    %get3A_50 = vector.load %arg2[%get3A_48, %get3A_49] : memref<1024x8xf32, #tpu.memory_space<vmem>>, vector<1024x8xf32>
    %get3A_51 = arith.constant 0 : index
    %get3A_52 = arith.constant 0 : index
    %get3A_53 = vector.load %arg3[%get3A_51, %get3A_52] : memref<1024x8xf32, #tpu.memory_space<vmem>>, vector<1024x8xf32>
    %swap3A = arith.constant 0 : index
    %swap3A_54 = arith.constant 0 : index
    %swap3A_55 = vector.load %arg13[%swap3A, %swap3A_54] : memref<1024x80xf32, #tpu.memory_space<vmem>>, vector<1024x32xf32>
    tpu.vector_store %arg13[%swap3A, %swap3A_54], %get3A_1 {strides = array<i32>} : memref<1024x80xf32, #tpu.memory_space<vmem>>, vector<1024x32xf32>,
    %mul3A_56 = vector.broadcast %cos3A : vector<1024x1xf32> to vector<1024x8xf32>
    %mul3A_57 = arith.mulf %mul3A_56, %get3A_50 : vector<1024x8xf32>
    %mul3A_58 = vector.broadcast %sin3A : vector<1024x1xf32> to vector<1024x8xf32>
    %mul3A_59 = arith.mulf %mul3A_58, %get3A_53 : vector<1024x8xf32>
    %sub3A = arith.subf %mul3A_57, %mul3A_59 : vector<1024x8xf32>
    %swap3A_60 = arith.constant 0 : index
    %swap3A_61 = arith.constant 32 : index
    %swap3A_62 = vector.load %arg13[%swap3A_60, %swap3A_61] : memref<1024x80xf32, #tpu.memory_space<vmem>>, vector<1024x8xf32>
    tpu.vector_store %arg13[%swap3A_60, %swap3A_61], %sub3A {strides = array<i32>} : memref<1024x80xf32, #tpu.memory_space<vmem>>, vector<1024x8xf32>,
    %mul3A_63 = vector.broadcast %sin3A : vector<1024x1xf32> to vector<1024x8xf32>
    %mul3A_64 = arith.mulf %mul3A_63, %get3A_50 : vector<1024x8xf32>
    %mul3A_65 = vector.broadcast %cos3A : vector<1024x1xf32> to vector<1024x8xf32>
    %mul3A_66 = arith.mulf %mul3A_65, %get3A_53 : vector<1024x8xf32>
    %add3A_67 = arith.addf %mul3A_64, %mul3A_66 : vector<1024x8xf32>
    %swap3A_68 = arith.constant 0 : index
    %swap3A_69 = arith.constant 40 : index
    %swap3A_70 = vector.load %arg13[%swap3A_68, %swap3A_69] : memref<1024x80xf32, #tpu.memory_space<vmem>>, vector<1024x8xf32>
    tpu.vector_store %arg13[%swap3A_68, %swap3A_69], %add3A_67 {strides = array<i32>} : memref<1024x80xf32, #tpu.memory_space<vmem>>, vector<1024x8xf32>,
    %swap3A_71 = arith.constant 0 : index
    %swap3A_72 = arith.constant 48 : index
    %swap3A_73 = vector.load %arg13[%swap3A_71, %swap3A_72] : memref<1024x80xf32, #tpu.memory_space<vmem>>, vector<1024x8xf32>
    tpu.vector_store %arg13[%swap3A_71, %swap3A_72], %add3A_41 {strides = array<i32>} : memref<1024x80xf32, #tpu.memory_space<vmem>>, vector<1024x8xf32>,
    %mul3A_74 = arith.mulf %get3A_50, %get3A_50 : vector<1024x8xf32>
    %mul3A_75 = arith.mulf %get3A_53, %get3A_53 : vector<1024x8xf32>
    %add3A_76 = arith.addf %mul3A_74, %mul3A_75 : vector<1024x8xf32>
    %sqrt3A = math.sqrt %add3A_76 : vector<1024x8xf32>
    %swap3A_77 = arith.constant 0 : index
    %swap3A_78 = arith.constant 56 : index
    %swap3A_79 = vector.load %arg13[%swap3A_77, %swap3A_78] : memref<1024x80xf32, #tpu.memory_space<vmem>>, vector<1024x8xf32>
    tpu.vector_store %arg13[%swap3A_77, %swap3A_78], %sqrt3A {strides = array<i32>} : memref<1024x80xf32, #tpu.memory_space<vmem>>, vector<1024x8xf32>,
    %get3A_80 = arith.constant 0 : index
    %get3A_81 = arith.constant 0 : index
    %get3A_82 = vector.load %arg4[%get3A_80, %get3A_81] : memref<1024x1xf32, #tpu.memory_space<vmem>>, vector<1024x1xf32>
    %swap3A_83 = arith.constant 0 : index
    %swap3A_84 = arith.constant 64 : index
    %swap3A_85 = vector.load %arg13[%swap3A_83, %swap3A_84] : memref<1024x80xf32, #tpu.memory_space<vmem>>, vector<1024x1xf32>
    tpu.vector_store %arg13[%swap3A_83, %swap3A_84], %get3A_82 {strides = array<i32>} : memref<1024x80xf32, #tpu.memory_space<vmem>>, vector<1024x1xf32>,
    %get3A_86 = arith.constant 0 : index
    %get3A_87 = arith.constant 0 : index
    %get3A_88 = vector.load %arg5[%get3A_86, %get3A_87] : memref<1024x1xf32, #tpu.memory_space<vmem>>, vector<1024x1xf32>
    %swap3A_89 = arith.constant 0 : index
    %swap3A_90 = arith.constant 65 : index
    %swap3A_91 = vector.load %arg13[%swap3A_89, %swap3A_90] : memref<1024x80xf32, #tpu.memory_space<vmem>>, vector<1024x1xf32>
    tpu.vector_store %arg13[%swap3A_89, %swap3A_90], %get3A_88 {strides = array<i32>} : memref<1024x80xf32, #tpu.memory_space<vmem>>, vector<1024x1xf32>,
    %swap3A_92 = arith.constant 0 : index
    %swap3A_93 = arith.constant 66 : index
    %swap3A_94 = vector.load %arg13[%swap3A_92, %swap3A_93] : memref<1024x80xf32, #tpu.memory_space<vmem>>, vector<1024x1xf32>
    tpu.vector_store %arg13[%swap3A_92, %swap3A_93], %cos3A {strides = array<i32>} : memref<1024x80xf32, #tpu.memory_space<vmem>>, vector<1024x1xf32>,
    %swap3A_95 = arith.constant 0 : index
    %swap3A_96 = arith.constant 67 : index
    %swap3A_97 = vector.load %arg13[%swap3A_95, %swap3A_96] : memref<1024x80xf32, #tpu.memory_space<vmem>>, vector<1024x1xf32>
    tpu.vector_store %arg13[%swap3A_95, %swap3A_96], %sin3A {strides = array<i32>} : memref<1024x80xf32, #tpu.memory_space<vmem>>, vector<1024x1xf32>,
    %broadcast_in_dim3A = arith.constant 0.000000e+00 : f32
    %broadcast_in_dim3A_98 = vector.broadcast %broadcast_in_dim3A : f32 to vector<1024x12xf32>
    %swap3A_99 = arith.constant 0 : index
    %swap3A_100 = arith.constant 68 : index
    %swap3A_101 = vector.load %arg13[%swap3A_99, %swap3A_100] : memref<1024x80xf32, #tpu.memory_space<vmem>>, vector<1024x12xf32>
    tpu.vector_store %arg13[%swap3A_99, %swap3A_100], %broadcast_in_dim3A_98 {strides = array<i32>} : memref<1024x80xf32, #tpu.memory_space<vmem>>, vector<1024x12xf32>,
    %swap3A_102 = arith.constant 0 : index
    %swap3A_103 = arith.constant 0 : index
    %swap3A_104 = vector.load %arg14[%swap3A_102, %swap3A_103] : memref<1024x48xf32, #tpu.memory_space<vmem>>, vector<1024x32xf32>
    tpu.vector_store %arg14[%swap3A_102, %swap3A_103], %get3A_1 {strides = array<i32>} : memref<1024x48xf32, #tpu.memory_space<vmem>>, vector<1024x32xf32>,
    %get3A_105 = arith.constant 0 : index
    %get3A_106 = arith.constant 0 : index
    %get3A_107 = vector.load %arg4[%get3A_105, %get3A_106] : memref<1024x1xf32, #tpu.memory_space<vmem>>, vector<1024x1xf32>
    %swap3A_108 = arith.constant 0 : index
    %swap3A_109 = arith.constant 32 : index
    %swap3A_110 = vector.load %arg14[%swap3A_108, %swap3A_109] : memref<1024x48xf32, #tpu.memory_space<vmem>>, vector<1024x1xf32>
    tpu.vector_store %arg14[%swap3A_108, %swap3A_109], %get3A_107 {strides = array<i32>} : memref<1024x48xf32, #tpu.memory_space<vmem>>, vector<1024x1xf32>,
    %get3A_111 = arith.constant 0 : index
    %get3A_112 = arith.constant 0 : index
    %get3A_113 = vector.load %arg5[%get3A_111, %get3A_112] : memref<1024x1xf32, #tpu.memory_space<vmem>>, vector<1024x1xf32>
    %swap3A_114 = arith.constant 0 : index
    %swap3A_115 = arith.constant 33 : index
    %swap3A_116 = vector.load %arg14[%swap3A_114, %swap3A_115] : memref<1024x48xf32, #tpu.memory_space<vmem>>, vector<1024x1xf32>
    tpu.vector_store %arg14[%swap3A_114, %swap3A_115], %get3A_113 {strides = array<i32>} : memref<1024x48xf32, #tpu.memory_space<vmem>>, vector<1024x1xf32>,
    %swap3A_117 = arith.constant 0 : index
    %swap3A_118 = arith.constant 34 : index
    %swap3A_119 = vector.load %arg14[%swap3A_117, %swap3A_118] : memref<1024x48xf32, #tpu.memory_space<vmem>>, vector<1024x1xf32>
    tpu.vector_store %arg14[%swap3A_117, %swap3A_118], %cos3A {strides = array<i32>} : memref<1024x48xf32, #tpu.memory_space<vmem>>, vector<1024x1xf32>,
    %swap3A_120 = arith.constant 0 : index
    %swap3A_121 = arith.constant 35 : index
    %swap3A_122 = vector.load %arg14[%swap3A_120, %swap3A_121] : memref<1024x48xf32, #tpu.memory_space<vmem>>, vector<1024x1xf32>
    tpu.vector_store %arg14[%swap3A_120, %swap3A_121], %sin3A {strides = array<i32>} : memref<1024x48xf32, #tpu.memory_space<vmem>>, vector<1024x1xf32>,
    %broadcast_in_dim3A_123 = arith.constant 0.000000e+00 : f32
    %broadcast_in_dim3A_124 = vector.broadcast %broadcast_in_dim3A_123 : f32 to vector<1024x12xf32>
    %swap3A_125 = arith.constant 0 : index
    %swap3A_126 = arith.constant 36 : index
    %swap3A_127 = vector.load %arg14[%swap3A_125, %swap3A_126] : memref<1024x48xf32, #tpu.memory_space<vmem>>, vector<1024x12xf32>
    tpu.vector_store %arg14[%swap3A_125, %swap3A_126], %broadcast_in_dim3A_124 {strides = array<i32>} : memref<1024x48xf32, #tpu.memory_space<vmem>>, vector<1024x12xf32>,
    return
  }
  func.func @transform_0(%arg0: i32) -> (i32, i32) {
    %c0_i32 = arith.constant 0 : i32
    %c0_i32_0 = arith.constant 0 : i32
    return %arg0, %c0_i32 : i32, i32
  }
  func.func @transform_1(%arg0: i32) -> (i32, i32) {
    %c0_i32 = arith.constant 0 : i32
    %c0_i32_0 = arith.constant 0 : i32
    return %arg0, %c0_i32 : i32, i32
  }
  func.func @transform_2(%arg0: i32) -> (i32, i32) {
    %c0_i32 = arith.constant 0 : i32
    %c0_i32_0 = arith.constant 0 : i32
    return %arg0, %c0_i32 : i32, i32
  }
  func.func @transform_3(%arg0: i32) -> (i32, i32) {
    %c0_i32 = arith.constant 0 : i32
    %c0_i32_0 = arith.constant 0 : i32
    return %arg0, %c0_i32 : i32, i32
  }
  func.func @transform_4(%arg0: i32) -> (i32, i32) {
    %c0_i32 = arith.constant 0 : i32
    %c0_i32_0 = arith.constant 0 : i32
    return %arg0, %c0_i32 : i32, i32
  }
  func.func @transform_5(%arg0: i32) -> (i32, i32) {
    %c0_i32 = arith.constant 0 : i32
    %c0_i32_0 = arith.constant 0 : i32
    return %arg0, %c0_i32 : i32, i32
  }
  func.func @transform_6(%arg0: i32) -> (i32, i32) {
    %c0_i32 = arith.constant 0 : i32
    %c0_i32_0 = arith.constant 0 : i32
    %c0_i32_1 = arith.constant 0 : i32
    return %c0_i32, %c0_i32_0 : i32, i32
  }
  func.func @transform_7(%arg0: i32) -> (i32, i32) {
    %c0_i32 = arith.constant 0 : i32
    %c0_i32_0 = arith.constant 0 : i32
    %c0_i32_1 = arith.constant 0 : i32
    return %c0_i32, %c0_i32_0 : i32, i32
  }
  func.func @transform_8(%arg0: i32) -> (i32, i32) {
    %c0_i32 = arith.constant 0 : i32
    %c0_i32_0 = arith.constant 0 : i32
    %c0_i32_1 = arith.constant 0 : i32
    return %c0_i32, %c0_i32_0 : i32, i32
  }
  func.func @transform_9(%arg0: i32) -> (i32, i32) {
    %c0_i32 = arith.constant 0 : i32
    %c0_i32_0 = arith.constant 0 : i32
    %c0_i32_1 = arith.constant 0 : i32
    return %c0_i32, %c0_i32_0 : i32, i32
  }
  func.func @transform_10(%arg0: i32) -> (i32, i32) {
    %c0_i32 = arith.constant 0 : i32
    %c0_i32_0 = arith.constant 0 : i32
    %c0_i32_1 = arith.constant 0 : i32
    return %c0_i32, %c0_i32_0 : i32, i32
  }
  func.func @transform_11(%arg0: i32) -> (i32, i32) {
    %c0_i32 = arith.constant 0 : i32
    %c0_i32_0 = arith.constant 0 : i32
    %c0_i32_1 = arith.constant 0 : i32
    return %c0_i32, %c0_i32_0 : i32, i32
  }
  func.func @transform_12(%arg0: i32) -> (i32, i32) {
    %c0_i32 = arith.constant 0 : i32
    %c0_i32_0 = arith.constant 0 : i32
    return %arg0, %c0_i32 : i32, i32
  }
  func.func @transform_13(%arg0: i32) -> (i32, i32) {
    %c0_i32 = arith.constant 0 : i32
    %c0_i32_0 = arith.constant 0 : i32
    return %arg0, %c0_i32 : i32, i32
  }
}

module attributes {stable_mosaic.version = 14 : i64} {
  func.func @_stage_c_body(%arg0: i32, %arg1: memref<2048x80xf32, #tpu.memory_space<vmem>>, %arg2: memref<2048x48xf32, #tpu.memory_space<vmem>>, %arg3: memref<32x128xf32, #tpu.memory_space<vmem>>, %arg4: memref<32x128xf32, #tpu.memory_space<vmem>>, %arg5: memref<1x128xf32, #tpu.memory_space<vmem>>, %arg6: memref<1x128xf32, #tpu.memory_space<vmem>>, %arg7: memref<1x128xf32, #tpu.memory_space<vmem>>, %arg8: memref<8x128xf32, #tpu.memory_space<vmem>>, %arg9: memref<8x128xf32, #tpu.memory_space<vmem>>, %arg10: memref<1x128xf32, #tpu.memory_space<vmem>>, %arg11: memref<128x128xf32, #tpu.memory_space<vmem>>, %arg12: memref<1x128xf32, #tpu.memory_space<vmem>>, %arg13: memref<128x56xf32, #tpu.memory_space<vmem>>, %arg14: memref<1x56xf32, #tpu.memory_space<vmem>>, %arg15: memref<2048x16xf32, #tpu.memory_space<vmem>>, %arg16: memref<2048x16xf32, #tpu.memory_space<vmem>>, %arg17: memref<2048x16xf32, #tpu.memory_space<vmem>>) attributes {dimension_semantics = [#tpu.dimension_semantics<arbitrary>], iteration_bounds = array<i64: 784>, scalar_prefetch = 0 : i64, scratch_operands = 0 : i64, tpu.core_type = #tpu.core_type<tc>, window_params = [{transform_indices = @transform_0, window_bounds = array<i64: 2048, 80>}, {transform_indices = @transform_1, window_bounds = array<i64: 2048, 48>}, {pipeline_mode = #tpu.pipeline_mode<synchronous>, transform_indices = @transform_2, window_bounds = array<i64: 32, 128>}, {pipeline_mode = #tpu.pipeline_mode<synchronous>, transform_indices = @transform_3, window_bounds = array<i64: 32, 128>}, {pipeline_mode = #tpu.pipeline_mode<synchronous>, transform_indices = @transform_4, window_bounds = array<i64: 1, 128>}, {pipeline_mode = #tpu.pipeline_mode<synchronous>, transform_indices = @transform_5, window_bounds = array<i64: 1, 128>}, {pipeline_mode = #tpu.pipeline_mode<synchronous>, transform_indices = @transform_6, window_bounds = array<i64: 1, 128>}, {pipeline_mode = #tpu.pipeline_mode<synchronous>, transform_indices = @transform_7, window_bounds = array<i64: 8, 128>}, {pipeline_mode = #tpu.pipeline_mode<synchronous>, transform_indices = @transform_8, window_bounds = array<i64: 8, 128>}, {pipeline_mode = #tpu.pipeline_mode<synchronous>, transform_indices = @transform_9, window_bounds = array<i64: 1, 128>}, {pipeline_mode = #tpu.pipeline_mode<synchronous>, transform_indices = @transform_10, window_bounds = array<i64: 128, 128>}, {pipeline_mode = #tpu.pipeline_mode<synchronous>, transform_indices = @transform_11, window_bounds = array<i64: 1, 128>}, {pipeline_mode = #tpu.pipeline_mode<synchronous>, transform_indices = @transform_12, window_bounds = array<i64: 128, 56>}, {pipeline_mode = #tpu.pipeline_mode<synchronous>, transform_indices = @transform_13, window_bounds = array<i64: 1, 56>}, {transform_indices = @transform_14, window_bounds = array<i64: 2048, 16>}, {transform_indices = @transform_15, window_bounds = array<i64: 2048, 16>}, {transform_indices = @transform_16, window_bounds = array<i64: 2048, 16>}]} {
    %get3A = arith.constant 0 : index
    %get3A_0 = arith.constant 0 : index
    %get3A_1 = vector.load %arg1[%get3A, %get3A_0] : memref<2048x80xf32, #tpu.memory_space<vmem>>, vector<2048x80xf32>
    %get3A_2 = arith.constant 0 : index
    %get3A_3 = arith.constant 0 : index
    %get3A_4 = vector.load %arg2[%get3A_2, %get3A_3] : memref<2048x48xf32, #tpu.memory_space<vmem>>, vector<2048x48xf32>
    %slice3A = vector.extract_strided_slice %get3A_1 {offsets = [0, 0], sizes = [2048, 32], strides = [1, 1]} : vector<2048x80xf32> to vector<2048x32xf32>
    %slice3A_5 = vector.extract_strided_slice %get3A_1 {offsets = [0, 32], sizes = [2048, 8], strides = [1, 1]} : vector<2048x80xf32> to vector<2048x8xf32>
    %slice3A_6 = vector.extract_strided_slice %get3A_1 {offsets = [0, 40], sizes = [2048, 8], strides = [1, 1]} : vector<2048x80xf32> to vector<2048x8xf32>
    %slice3A_7 = vector.extract_strided_slice %get3A_1 {offsets = [0, 48], sizes = [2048, 8], strides = [1, 1]} : vector<2048x80xf32> to vector<2048x8xf32>
    %slice3A_8 = vector.extract_strided_slice %get3A_1 {offsets = [0, 56], sizes = [2048, 8], strides = [1, 1]} : vector<2048x80xf32> to vector<2048x8xf32>
    %slice3A_9 = vector.extract_strided_slice %get3A_4 {offsets = [0, 0], sizes = [2048, 32], strides = [1, 1]} : vector<2048x48xf32> to vector<2048x32xf32>
    %slice3A_10 = vector.extract_strided_slice %get3A_1 {offsets = [0, 64], sizes = [2048, 1], strides = [1, 1]} : vector<2048x80xf32> to vector<2048x1xf32>
    %slice3A_11 = vector.extract_strided_slice %get3A_4 {offsets = [0, 32], sizes = [2048, 1], strides = [1, 1]} : vector<2048x48xf32> to vector<2048x1xf32>
    %sub3A = arith.subf %slice3A_10, %slice3A_11 : vector<2048x1xf32>
    %slice3A_12 = vector.extract_strided_slice %get3A_1 {offsets = [0, 65], sizes = [2048, 1], strides = [1, 1]} : vector<2048x80xf32> to vector<2048x1xf32>
    %slice3A_13 = vector.extract_strided_slice %get3A_4 {offsets = [0, 33], sizes = [2048, 1], strides = [1, 1]} : vector<2048x48xf32> to vector<2048x1xf32>
    %sub3A_14 = arith.subf %slice3A_12, %slice3A_13 : vector<2048x1xf32>
    %mul3A = arith.mulf %sub3A, %sub3A : vector<2048x1xf32>
    %mul3A_15 = arith.mulf %sub3A_14, %sub3A_14 : vector<2048x1xf32>
    %add3A = arith.addf %mul3A, %mul3A_15 : vector<2048x1xf32>
    %sqrt3A = math.sqrt %add3A : vector<2048x1xf32>
    %add3A_16 = arith.constant 9.99999993E-9 : f32
    %add3A_17 = vector.broadcast %add3A_16 : f32 to vector<2048x1xf32>
    %add3A_18 = arith.addf %sqrt3A, %add3A_17 : vector<2048x1xf32>
    %div3A = arith.constant 1.000000e+00 : f32
    %div3A_19 = vector.broadcast %div3A : f32 to vector<2048x1xf32>
    %div3A_20 = arith.divf %div3A_19, %add3A_18 : vector<2048x1xf32>
    %mul3A_21 = arith.mulf %sub3A, %div3A_20 : vector<2048x1xf32>
    %mul3A_22 = arith.mulf %sub3A_14, %div3A_20 : vector<2048x1xf32>
    %slice3A_23 = vector.extract_strided_slice %get3A_1 {offsets = [0, 66], sizes = [2048, 1], strides = [1, 1]} : vector<2048x80xf32> to vector<2048x1xf32>
    %slice3A_24 = vector.extract_strided_slice %get3A_1 {offsets = [0, 67], sizes = [2048, 1], strides = [1, 1]} : vector<2048x80xf32> to vector<2048x1xf32>
    %slice3A_25 = vector.extract_strided_slice %get3A_4 {offsets = [0, 34], sizes = [2048, 1], strides = [1, 1]} : vector<2048x48xf32> to vector<2048x1xf32>
    %slice3A_26 = vector.extract_strided_slice %get3A_4 {offsets = [0, 35], sizes = [2048, 1], strides = [1, 1]} : vector<2048x48xf32> to vector<2048x1xf32>
    %mul3A_27 = arith.mulf %slice3A_23, %slice3A_25 : vector<2048x1xf32>
    %mul3A_28 = arith.mulf %slice3A_24, %slice3A_26 : vector<2048x1xf32>
    %add3A_29 = arith.addf %mul3A_27, %mul3A_28 : vector<2048x1xf32>
    %mul3A_30 = arith.mulf %slice3A_24, %slice3A_25 : vector<2048x1xf32>
    %mul3A_31 = arith.mulf %slice3A_23, %slice3A_26 : vector<2048x1xf32>
    %sub3A_32 = arith.subf %mul3A_30, %mul3A_31 : vector<2048x1xf32>
    %mul3A_33 = vector.broadcast %mul3A_21 : vector<2048x1xf32> to vector<2048x8xf32>
    %mul3A_34 = arith.mulf %slice3A_5, %mul3A_33 : vector<2048x8xf32>
    %mul3A_35 = vector.broadcast %mul3A_22 : vector<2048x1xf32> to vector<2048x8xf32>
    %mul3A_36 = arith.mulf %slice3A_6, %mul3A_35 : vector<2048x8xf32>
    %add3A_37 = arith.addf %mul3A_34, %mul3A_36 : vector<2048x8xf32>
    %get3A_38 = arith.constant 0 : index
    %get3A_39 = arith.constant 0 : index
    %get3A_40 = vector.load %arg3[%get3A_38, %get3A_39] : memref<32x128xf32, #tpu.memory_space<vmem>>, vector<32x128xf32>
    %dot_general3A = arith.constant dense<0.000000e+00> : vector<2048x128xf32>
    %dot_general3A_41 = tpu.matmul %slice3A, %get3A_40, %dot_general3A {dimension_numbers = #tpu.dot_dimension_numbers<[1], [0], [0], [1], [0, 0, 1, 1], [], []>, transpose_lhs_hint = false} : vector<2048x32xf32>, vector<32x128xf32>, vector<2048x128xf32> -> vector<2048x128xf32>
    %get3A_42 = arith.constant 0 : index
    %get3A_43 = arith.constant 0 : index
    %get3A_44 = vector.load %arg4[%get3A_42, %get3A_43] : memref<32x128xf32, #tpu.memory_space<vmem>>, vector<32x128xf32>
    %dot_general3A_45 = arith.constant dense<0.000000e+00> : vector<2048x128xf32>
    %dot_general3A_46 = tpu.matmul %slice3A_9, %get3A_44, %dot_general3A_45 {dimension_numbers = #tpu.dot_dimension_numbers<[1], [0], [0], [1], [0, 0, 1, 1], [], []>, transpose_lhs_hint = false} : vector<2048x32xf32>, vector<32x128xf32>, vector<2048x128xf32> -> vector<2048x128xf32>
    %add3A_47 = arith.addf %dot_general3A_41, %dot_general3A_46 : vector<2048x128xf32>
    %get3A_48 = arith.constant 0 : index
    %get3A_49 = arith.constant 0 : index
    %get3A_50 = vector.load %arg5[%get3A_48, %get3A_49] : memref<1x128xf32, #tpu.memory_space<vmem>>, vector<1x128xf32>
    %mul3A_51 = vector.broadcast %sqrt3A : vector<2048x1xf32> to vector<2048x128xf32>
    %mul3A_52 = vector.broadcast %get3A_50 : vector<1x128xf32> to vector<2048x128xf32>
    %mul3A_53 = arith.mulf %mul3A_51, %mul3A_52 : vector<2048x128xf32>
    %add3A_54 = arith.addf %add3A_47, %mul3A_53 : vector<2048x128xf32>
    %get3A_55 = arith.constant 0 : index
    %get3A_56 = arith.constant 0 : index
    %get3A_57 = vector.load %arg6[%get3A_55, %get3A_56] : memref<1x128xf32, #tpu.memory_space<vmem>>, vector<1x128xf32>
    %mul3A_58 = vector.broadcast %add3A_29 : vector<2048x1xf32> to vector<2048x128xf32>
    %mul3A_59 = vector.broadcast %get3A_57 : vector<1x128xf32> to vector<2048x128xf32>
    %mul3A_60 = arith.mulf %mul3A_58, %mul3A_59 : vector<2048x128xf32>
    %add3A_61 = arith.addf %add3A_54, %mul3A_60 : vector<2048x128xf32>
    %get3A_62 = arith.constant 0 : index
    %get3A_63 = arith.constant 0 : index
    %get3A_64 = vector.load %arg7[%get3A_62, %get3A_63] : memref<1x128xf32, #tpu.memory_space<vmem>>, vector<1x128xf32>
    %mul3A_65 = vector.broadcast %sub3A_32 : vector<2048x1xf32> to vector<2048x128xf32>
    %mul3A_66 = vector.broadcast %get3A_64 : vector<1x128xf32> to vector<2048x128xf32>
    %mul3A_67 = arith.mulf %mul3A_65, %mul3A_66 : vector<2048x128xf32>
    %add3A_68 = arith.addf %add3A_61, %mul3A_67 : vector<2048x128xf32>
    %get3A_69 = arith.constant 0 : index
    %get3A_70 = arith.constant 0 : index
    %get3A_71 = vector.load %arg8[%get3A_69, %get3A_70] : memref<8x128xf32, #tpu.memory_space<vmem>>, vector<8x128xf32>
    %dot_general3A_72 = arith.constant dense<0.000000e+00> : vector<2048x128xf32>
    %dot_general3A_73 = tpu.matmul %slice3A_8, %get3A_71, %dot_general3A_72 {dimension_numbers = #tpu.dot_dimension_numbers<[1], [0], [0], [1], [0, 0, 1, 1], [], []>, transpose_lhs_hint = false} : vector<2048x8xf32>, vector<8x128xf32>, vector<2048x128xf32> -> vector<2048x128xf32>
    %add3A_74 = arith.addf %add3A_68, %dot_general3A_73 : vector<2048x128xf32>
    %get3A_75 = arith.constant 0 : index
    %get3A_76 = arith.constant 0 : index
    %get3A_77 = vector.load %arg9[%get3A_75, %get3A_76] : memref<8x128xf32, #tpu.memory_space<vmem>>, vector<8x128xf32>
    %dot_general3A_78 = arith.constant dense<0.000000e+00> : vector<2048x128xf32>
    %dot_general3A_79 = tpu.matmul %add3A_37, %get3A_77, %dot_general3A_78 {dimension_numbers = #tpu.dot_dimension_numbers<[1], [0], [0], [1], [0, 0, 1, 1], [], []>, transpose_lhs_hint = false} : vector<2048x8xf32>, vector<8x128xf32>, vector<2048x128xf32> -> vector<2048x128xf32>
    %add3A_80 = arith.addf %add3A_74, %dot_general3A_79 : vector<2048x128xf32>
    %get3A_81 = arith.constant 0 : index
    %get3A_82 = arith.constant 0 : index
    %get3A_83 = vector.load %arg10[%get3A_81, %get3A_82] : memref<1x128xf32, #tpu.memory_space<vmem>>, vector<1x128xf32>
    %add3A_84 = vector.broadcast %get3A_83 : vector<1x128xf32> to vector<2048x128xf32>
    %add3A_85 = arith.addf %add3A_80, %add3A_84 : vector<2048x128xf32>
    %logistic3A = arith.negf %add3A_85 : vector<2048x128xf32>
    %logistic3A_86 = math.exp %logistic3A : vector<2048x128xf32>
    %logistic3A_87 = arith.constant 1.000000e+00 : f32
    %logistic3A_88 = vector.broadcast %logistic3A_87 : f32 to vector<2048x128xf32>
    %logistic3A_89 = arith.addf %logistic3A_88, %logistic3A_86 : vector<2048x128xf32>
    %logistic3A_90 = arith.divf %logistic3A_88, %logistic3A_89 : vector<2048x128xf32>
    %mul3A_91 = arith.mulf %add3A_85, %logistic3A_90 : vector<2048x128xf32>
    %get3A_92 = arith.constant 0 : index
    %get3A_93 = arith.constant 0 : index
    %get3A_94 = vector.load %arg11[%get3A_92, %get3A_93] : memref<128x128xf32, #tpu.memory_space<vmem>>, vector<128x128xf32>
    %dot_general3A_95 = arith.constant dense<0.000000e+00> : vector<2048x128xf32>
    %dot_general3A_96 = tpu.matmul %mul3A_91, %get3A_94, %dot_general3A_95 {dimension_numbers = #tpu.dot_dimension_numbers<[1], [0], [0], [1], [0, 0, 1, 1], [], []>, transpose_lhs_hint = false} : vector<2048x128xf32>, vector<128x128xf32>, vector<2048x128xf32> -> vector<2048x128xf32>
    %get3A_97 = arith.constant 0 : index
    %get3A_98 = arith.constant 0 : index
    %get3A_99 = vector.load %arg12[%get3A_97, %get3A_98] : memref<1x128xf32, #tpu.memory_space<vmem>>, vector<1x128xf32>
    %add3A_100 = vector.broadcast %get3A_99 : vector<1x128xf32> to vector<2048x128xf32>
    %add3A_101 = arith.addf %dot_general3A_96, %add3A_100 : vector<2048x128xf32>
    %logistic3A_102 = arith.negf %add3A_101 : vector<2048x128xf32>
    %logistic3A_103 = math.exp %logistic3A_102 : vector<2048x128xf32>
    %logistic3A_104 = arith.constant 1.000000e+00 : f32
    %logistic3A_105 = vector.broadcast %logistic3A_104 : f32 to vector<2048x128xf32>
    %logistic3A_106 = arith.addf %logistic3A_105, %logistic3A_103 : vector<2048x128xf32>
    %logistic3A_107 = arith.divf %logistic3A_105, %logistic3A_106 : vector<2048x128xf32>
    %mul3A_108 = arith.mulf %add3A_101, %logistic3A_107 : vector<2048x128xf32>
    %get3A_109 = arith.constant 0 : index
    %get3A_110 = arith.constant 0 : index
    %get3A_111 = vector.load %arg13[%get3A_109, %get3A_110] : memref<128x56xf32, #tpu.memory_space<vmem>>, vector<128x56xf32>
    %dot_general3A_112 = arith.constant dense<0.000000e+00> : vector<2048x56xf32>
    %dot_general3A_113 = tpu.matmul %mul3A_108, %get3A_111, %dot_general3A_112 {dimension_numbers = #tpu.dot_dimension_numbers<[1], [0], [0], [1], [0, 0, 1, 1], [], []>, transpose_lhs_hint = false} : vector<2048x128xf32>, vector<128x56xf32>, vector<2048x56xf32> -> vector<2048x56xf32>
    %get3A_114 = arith.constant 0 : index
    %get3A_115 = arith.constant 0 : index
    %get3A_116 = vector.load %arg14[%get3A_114, %get3A_115] : memref<1x56xf32, #tpu.memory_space<vmem>>, vector<1x56xf32>
    %add3A_117 = vector.broadcast %get3A_116 : vector<1x56xf32> to vector<2048x56xf32>
    %add3A_118 = arith.addf %dot_general3A_113, %add3A_117 : vector<2048x56xf32>
    %slice3A_119 = vector.extract_strided_slice %add3A_118 {offsets = [0, 0], sizes = [2048, 8], strides = [1, 1]} : vector<2048x56xf32> to vector<2048x8xf32>
    %slice3A_120 = vector.extract_strided_slice %add3A_118 {offsets = [0, 8], sizes = [2048, 8], strides = [1, 1]} : vector<2048x56xf32> to vector<2048x8xf32>
    %slice3A_121 = vector.extract_strided_slice %add3A_118 {offsets = [0, 16], sizes = [2048, 8], strides = [1, 1]} : vector<2048x56xf32> to vector<2048x8xf32>
    %mul3A_122 = arith.mulf %slice3A_121, %slice3A_7 : vector<2048x8xf32>
    %add3A_123 = arith.addf %slice3A_120, %mul3A_122 : vector<2048x8xf32>
    %slice3A_124 = vector.extract_strided_slice %add3A_118 {offsets = [0, 24], sizes = [2048, 16], strides = [1, 1]} : vector<2048x56xf32> to vector<2048x16xf32>
    %swap3A = arith.constant 0 : index
    %swap3A_125 = arith.constant 0 : index
    %swap3A_126 = vector.load %arg15[%swap3A, %swap3A_125] : memref<2048x16xf32, #tpu.memory_space<vmem>>, vector<2048x16xf32>
    tpu.vector_store %arg15[%swap3A, %swap3A_125], %slice3A_124 {strides = array<i32>} : memref<2048x16xf32, #tpu.memory_space<vmem>>, vector<2048x16xf32>,
    %slice3A_127 = vector.extract_strided_slice %add3A_118 {offsets = [0, 40], sizes = [2048, 16], strides = [1, 1]} : vector<2048x56xf32> to vector<2048x16xf32>
    %swap3A_128 = arith.constant 0 : index
    %swap3A_129 = arith.constant 0 : index
    %swap3A_130 = vector.load %arg16[%swap3A_128, %swap3A_129] : memref<2048x16xf32, #tpu.memory_space<vmem>>, vector<2048x16xf32>
    tpu.vector_store %arg16[%swap3A_128, %swap3A_129], %slice3A_127 {strides = array<i32>} : memref<2048x16xf32, #tpu.memory_space<vmem>>, vector<2048x16xf32>,
    %mul3A_131 = arith.mulf %slice3A_119, %slice3A_5 : vector<2048x8xf32>
    %mul3A_132 = vector.broadcast %mul3A_21 : vector<2048x1xf32> to vector<2048x8xf32>
    %mul3A_133 = arith.mulf %add3A_123, %mul3A_132 : vector<2048x8xf32>
    %add3A_134 = arith.addf %mul3A_131, %mul3A_133 : vector<2048x8xf32>
    %swap3A_135 = arith.constant 0 : index
    %swap3A_136 = arith.constant 0 : index
    %swap3A_137 = vector.load %arg17[%swap3A_135, %swap3A_136] : memref<2048x16xf32, #tpu.memory_space<vmem>>, vector<2048x8xf32>
    tpu.vector_store %arg17[%swap3A_135, %swap3A_136], %add3A_134 {strides = array<i32>} : memref<2048x16xf32, #tpu.memory_space<vmem>>, vector<2048x8xf32>,
    %mul3A_138 = arith.mulf %slice3A_119, %slice3A_6 : vector<2048x8xf32>
    %mul3A_139 = vector.broadcast %mul3A_22 : vector<2048x1xf32> to vector<2048x8xf32>
    %mul3A_140 = arith.mulf %add3A_123, %mul3A_139 : vector<2048x8xf32>
    %add3A_141 = arith.addf %mul3A_138, %mul3A_140 : vector<2048x8xf32>
    %swap3A_142 = arith.constant 0 : index
    %swap3A_143 = arith.constant 8 : index
    %swap3A_144 = vector.load %arg17[%swap3A_142, %swap3A_143] : memref<2048x16xf32, #tpu.memory_space<vmem>>, vector<2048x8xf32>
    tpu.vector_store %arg17[%swap3A_142, %swap3A_143], %add3A_141 {strides = array<i32>} : memref<2048x16xf32, #tpu.memory_space<vmem>>, vector<2048x8xf32>,
    return
  }
  func.func @transform_0(%arg0: i32) -> (i32, i32) {
    %c0_i32 = arith.constant 0 : i32
    %c0_i32_0 = arith.constant 0 : i32
    return %arg0, %c0_i32 : i32, i32
  }
  func.func @transform_1(%arg0: i32) -> (i32, i32) {
    %c0_i32 = arith.constant 0 : i32
    %c0_i32_0 = arith.constant 0 : i32
    return %arg0, %c0_i32 : i32, i32
  }
  func.func @transform_2(%arg0: i32) -> (i32, i32) {
    %c0_i32 = arith.constant 0 : i32
    %c0_i32_0 = arith.constant 0 : i32
    %c0_i32_1 = arith.constant 0 : i32
    return %c0_i32, %c0_i32_0 : i32, i32
  }
  func.func @transform_3(%arg0: i32) -> (i32, i32) {
    %c0_i32 = arith.constant 0 : i32
    %c0_i32_0 = arith.constant 0 : i32
    %c0_i32_1 = arith.constant 0 : i32
    return %c0_i32, %c0_i32_0 : i32, i32
  }
  func.func @transform_4(%arg0: i32) -> (i32, i32) {
    %c0_i32 = arith.constant 0 : i32
    %c0_i32_0 = arith.constant 0 : i32
    %c0_i32_1 = arith.constant 0 : i32
    return %c0_i32, %c0_i32_0 : i32, i32
  }
  func.func @transform_5(%arg0: i32) -> (i32, i32) {
    %c0_i32 = arith.constant 0 : i32
    %c0_i32_0 = arith.constant 0 : i32
    %c0_i32_1 = arith.constant 0 : i32
    return %c0_i32, %c0_i32_0 : i32, i32
  }
  func.func @transform_6(%arg0: i32) -> (i32, i32) {
    %c0_i32 = arith.constant 0 : i32
    %c0_i32_0 = arith.constant 0 : i32
    %c0_i32_1 = arith.constant 0 : i32
    return %c0_i32, %c0_i32_0 : i32, i32
  }
  func.func @transform_7(%arg0: i32) -> (i32, i32) {
    %c0_i32 = arith.constant 0 : i32
    %c0_i32_0 = arith.constant 0 : i32
    %c0_i32_1 = arith.constant 0 : i32
    return %c0_i32, %c0_i32_0 : i32, i32
  }
  func.func @transform_8(%arg0: i32) -> (i32, i32) {
    %c0_i32 = arith.constant 0 : i32
    %c0_i32_0 = arith.constant 0 : i32
    %c0_i32_1 = arith.constant 0 : i32
    return %c0_i32, %c0_i32_0 : i32, i32
  }
  func.func @transform_9(%arg0: i32) -> (i32, i32) {
    %c0_i32 = arith.constant 0 : i32
    %c0_i32_0 = arith.constant 0 : i32
    %c0_i32_1 = arith.constant 0 : i32
    return %c0_i32, %c0_i32_0 : i32, i32
  }
  func.func @transform_10(%arg0: i32) -> (i32, i32) {
    %c0_i32 = arith.constant 0 : i32
    %c0_i32_0 = arith.constant 0 : i32
    %c0_i32_1 = arith.constant 0 : i32
    return %c0_i32, %c0_i32_0 : i32, i32
  }
  func.func @transform_11(%arg0: i32) -> (i32, i32) {
    %c0_i32 = arith.constant 0 : i32
    %c0_i32_0 = arith.constant 0 : i32
    %c0_i32_1 = arith.constant 0 : i32
    return %c0_i32, %c0_i32_0 : i32, i32
  }
  func.func @transform_12(%arg0: i32) -> (i32, i32) {
    %c0_i32 = arith.constant 0 : i32
    %c0_i32_0 = arith.constant 0 : i32
    %c0_i32_1 = arith.constant 0 : i32
    return %c0_i32, %c0_i32_0 : i32, i32
  }
  func.func @transform_13(%arg0: i32) -> (i32, i32) {
    %c0_i32 = arith.constant 0 : i32
    %c0_i32_0 = arith.constant 0 : i32
    %c0_i32_1 = arith.constant 0 : i32
    return %c0_i32, %c0_i32_0 : i32, i32
  }
  func.func @transform_14(%arg0: i32) -> (i32, i32) {
    %c0_i32 = arith.constant 0 : i32
    %c0_i32_0 = arith.constant 0 : i32
    return %arg0, %c0_i32 : i32, i32
  }
  func.func @transform_15(%arg0: i32) -> (i32, i32) {
    %c0_i32 = arith.constant 0 : i32
    %c0_i32_0 = arith.constant 0 : i32
    return %arg0, %c0_i32 : i32, i32
  }
  func.func @transform_16(%arg0: i32) -> (i32, i32) {
    %c0_i32 = arith.constant 0 : i32
    %c0_i32_0 = arith.constant 0 : i32
    return %arg0, %c0_i32 : i32, i32
  }
}

module attributes {stable_mosaic.version = 14 : i64} {
  func.func @_stage_e_body(%arg0: i32, %arg1: memref<1024x32xf32, #tpu.memory_space<vmem>>, %arg2: memref<1024x8xf32, #tpu.memory_space<vmem>>, %arg3: memref<1024x8xf32, #tpu.memory_space<vmem>>, %arg4: memref<1024x1xf32, #tpu.memory_space<vmem>>, %arg5: memref<1024x16xf32, #tpu.memory_space<vmem>>, %arg6: memref<1024x16xf32, #tpu.memory_space<vmem>>, %arg7: memref<1024x16xf32, #tpu.memory_space<vmem>>, %arg8: memref<1024x16xf32, #tpu.memory_space<vmem>>, %arg9: memref<1024x32xf32, #tpu.memory_space<vmem>>, %arg10: memref<1024x8xf32, #tpu.memory_space<vmem>>, %arg11: memref<1024x8xf32, #tpu.memory_space<vmem>>) attributes {dimension_semantics = [#tpu.dimension_semantics<arbitrary>], iteration_bounds = array<i64: 98>, scalar_prefetch = 0 : i64, scratch_operands = 0 : i64, tpu.core_type = #tpu.core_type<tc>, window_params = [{transform_indices = @transform_0, window_bounds = array<i64: 1024, 32>}, {transform_indices = @transform_1, window_bounds = array<i64: 1024, 8>}, {transform_indices = @transform_2, window_bounds = array<i64: 1024, 8>}, {transform_indices = @transform_3, window_bounds = array<i64: 1024, 1>}, {transform_indices = @transform_4, window_bounds = array<i64: 1024, 16>}, {transform_indices = @transform_5, window_bounds = array<i64: 1024, 16>}, {transform_indices = @transform_6, window_bounds = array<i64: 1024, 16>}, {transform_indices = @transform_7, window_bounds = array<i64: 1024, 16>}, {transform_indices = @transform_8, window_bounds = array<i64: 1024, 32>}, {transform_indices = @transform_9, window_bounds = array<i64: 1024, 8>}, {transform_indices = @transform_10, window_bounds = array<i64: 1024, 8>}]} {
    %get3A = arith.constant 0 : index
    %get3A_0 = arith.constant 0 : index
    %get3A_1 = vector.load %arg1[%get3A, %get3A_0] : memref<1024x32xf32, #tpu.memory_space<vmem>>, vector<1024x16xf32>
    %get3A_2 = arith.constant 0 : index
    %get3A_3 = arith.constant 0 : index
    %get3A_4 = vector.load %arg5[%get3A_2, %get3A_3] : memref<1024x16xf32, #tpu.memory_space<vmem>>, vector<1024x16xf32>
    %add3A = arith.addf %get3A_1, %get3A_4 : vector<1024x16xf32>
    %swap3A = arith.constant 0 : index
    %swap3A_5 = arith.constant 0 : index
    %swap3A_6 = vector.load %arg9[%swap3A, %swap3A_5] : memref<1024x32xf32, #tpu.memory_space<vmem>>, vector<1024x16xf32>
    tpu.vector_store %arg9[%swap3A, %swap3A_5], %add3A {strides = array<i32>} : memref<1024x32xf32, #tpu.memory_space<vmem>>, vector<1024x16xf32>,
    %get3A_7 = arith.constant 0 : index
    %get3A_8 = arith.constant 16 : index
    %get3A_9 = vector.load %arg1[%get3A_7, %get3A_8] : memref<1024x32xf32, #tpu.memory_space<vmem>>, vector<1024x16xf32>
    %get3A_10 = arith.constant 0 : index
    %get3A_11 = arith.constant 0 : index
    %get3A_12 = vector.load %arg6[%get3A_10, %get3A_11] : memref<1024x16xf32, #tpu.memory_space<vmem>>, vector<1024x16xf32>
    %add3A_13 = arith.addf %get3A_9, %get3A_12 : vector<1024x16xf32>
    %swap3A_14 = arith.constant 0 : index
    %swap3A_15 = arith.constant 16 : index
    %swap3A_16 = vector.load %arg9[%swap3A_14, %swap3A_15] : memref<1024x32xf32, #tpu.memory_space<vmem>>, vector<1024x16xf32>
    tpu.vector_store %arg9[%swap3A_14, %swap3A_15], %add3A_13 {strides = array<i32>} : memref<1024x32xf32, #tpu.memory_space<vmem>>, vector<1024x16xf32>,
    %get3A_17 = arith.constant 0 : index
    %get3A_18 = arith.constant 0 : index
    %get3A_19 = vector.load %arg7[%get3A_17, %get3A_18] : memref<1024x16xf32, #tpu.memory_space<vmem>>, vector<1024x16xf32>
    %get3A_20 = arith.constant 0 : index
    %get3A_21 = arith.constant 0 : index
    %get3A_22 = vector.load %arg8[%get3A_20, %get3A_21] : memref<1024x16xf32, #tpu.memory_space<vmem>>, vector<1024x16xf32>
    %add3A_23 = arith.addf %get3A_19, %get3A_22 : vector<1024x16xf32>
    %slice3A = vector.extract_strided_slice %add3A_23 {offsets = [0, 0], sizes = [1024, 8], strides = [1, 1]} : vector<1024x16xf32> to vector<1024x8xf32>
    %slice3A_24 = vector.extract_strided_slice %add3A_23 {offsets = [0, 8], sizes = [1024, 8], strides = [1, 1]} : vector<1024x16xf32> to vector<1024x8xf32>
    %get3A_25 = arith.constant 0 : index
    %get3A_26 = arith.constant 0 : index
    %get3A_27 = vector.load %arg4[%get3A_25, %get3A_26] : memref<1024x1xf32, #tpu.memory_space<vmem>>, vector<1024x1xf32>
    %cos3A = math.cos %get3A_27 : vector<1024x1xf32>
    %get3A_28 = arith.constant 0 : index
    %get3A_29 = arith.constant 0 : index
    %get3A_30 = vector.load %arg4[%get3A_28, %get3A_29] : memref<1024x1xf32, #tpu.memory_space<vmem>>, vector<1024x1xf32>
    %sin3A = math.sin %get3A_30 : vector<1024x1xf32>
    %get3A_31 = arith.constant 0 : index
    %get3A_32 = arith.constant 0 : index
    %get3A_33 = vector.load %arg2[%get3A_31, %get3A_32] : memref<1024x8xf32, #tpu.memory_space<vmem>>, vector<1024x8xf32>
    %mul3A = vector.broadcast %cos3A : vector<1024x1xf32> to vector<1024x8xf32>
    %mul3A_34 = arith.mulf %mul3A, %slice3A : vector<1024x8xf32>
    %add3A_35 = arith.addf %get3A_33, %mul3A_34 : vector<1024x8xf32>
    %mul3A_36 = vector.broadcast %sin3A : vector<1024x1xf32> to vector<1024x8xf32>
    %mul3A_37 = arith.mulf %mul3A_36, %slice3A_24 : vector<1024x8xf32>
    %add3A_38 = arith.addf %add3A_35, %mul3A_37 : vector<1024x8xf32>
    %swap3A_39 = arith.constant 0 : index
    %swap3A_40 = arith.constant 0 : index
    %swap3A_41 = vector.load %arg10[%swap3A_39, %swap3A_40] : memref<1024x8xf32, #tpu.memory_space<vmem>>, vector<1024x8xf32>
    tpu.vector_store %arg10[%swap3A_39, %swap3A_40], %add3A_38 {strides = array<i32>} : memref<1024x8xf32, #tpu.memory_space<vmem>>, vector<1024x8xf32>,
    %get3A_42 = arith.constant 0 : index
    %get3A_43 = arith.constant 0 : index
    %get3A_44 = vector.load %arg3[%get3A_42, %get3A_43] : memref<1024x8xf32, #tpu.memory_space<vmem>>, vector<1024x8xf32>
    %mul3A_45 = vector.broadcast %sin3A : vector<1024x1xf32> to vector<1024x8xf32>
    %mul3A_46 = arith.mulf %mul3A_45, %slice3A : vector<1024x8xf32>
    %sub3A = arith.subf %get3A_44, %mul3A_46 : vector<1024x8xf32>
    %mul3A_47 = vector.broadcast %cos3A : vector<1024x1xf32> to vector<1024x8xf32>
    %mul3A_48 = arith.mulf %mul3A_47, %slice3A_24 : vector<1024x8xf32>
    %add3A_49 = arith.addf %sub3A, %mul3A_48 : vector<1024x8xf32>
    %swap3A_50 = arith.constant 0 : index
    %swap3A_51 = arith.constant 0 : index
    %swap3A_52 = vector.load %arg11[%swap3A_50, %swap3A_51] : memref<1024x8xf32, #tpu.memory_space<vmem>>, vector<1024x8xf32>
    tpu.vector_store %arg11[%swap3A_50, %swap3A_51], %add3A_49 {strides = array<i32>} : memref<1024x8xf32, #tpu.memory_space<vmem>>, vector<1024x8xf32>,
    return
  }
  func.func @transform_0(%arg0: i32) -> (i32, i32) {
    %c0_i32 = arith.constant 0 : i32
    %c0_i32_0 = arith.constant 0 : i32
    return %arg0, %c0_i32 : i32, i32
  }
  func.func @transform_1(%arg0: i32) -> (i32, i32) {
    %c0_i32 = arith.constant 0 : i32
    %c0_i32_0 = arith.constant 0 : i32
    return %arg0, %c0_i32 : i32, i32
  }
  func.func @transform_2(%arg0: i32) -> (i32, i32) {
    %c0_i32 = arith.constant 0 : i32
    %c0_i32_0 = arith.constant 0 : i32
    return %arg0, %c0_i32 : i32, i32
  }
  func.func @transform_3(%arg0: i32) -> (i32, i32) {
    %c0_i32 = arith.constant 0 : i32
    %c0_i32_0 = arith.constant 0 : i32
    return %arg0, %c0_i32 : i32, i32
  }
  func.func @transform_4(%arg0: i32) -> (i32, i32) {
    %c0_i32 = arith.constant 0 : i32
    %c0_i32_0 = arith.constant 0 : i32
    return %arg0, %c0_i32 : i32, i32
  }
  func.func @transform_5(%arg0: i32) -> (i32, i32) {
    %c0_i32 = arith.constant 0 : i32
    %c0_i32_0 = arith.constant 0 : i32
    return %arg0, %c0_i32 : i32, i32
  }
  func.func @transform_6(%arg0: i32) -> (i32, i32) {
    %c0_i32 = arith.constant 0 : i32
    %c0_i32_0 = arith.constant 0 : i32
    return %arg0, %c0_i32 : i32, i32
  }
  func.func @transform_7(%arg0: i32) -> (i32, i32) {
    %c0_i32 = arith.constant 0 : i32
    %c0_i32_0 = arith.constant 0 : i32
    return %arg0, %c0_i32 : i32, i32
  }
  func.func @transform_8(%arg0: i32) -> (i32, i32) {
    %c0_i32 = arith.constant 0 : i32
    %c0_i32_0 = arith.constant 0 : i32
    return %arg0, %c0_i32 : i32, i32
  }
  func.func @transform_9(%arg0: i32) -> (i32, i32) {
    %c0_i32 = arith.constant 0 : i32
    %c0_i32_0 = arith.constant 0 : i32
    return %arg0, %c0_i32 : i32, i32
  }
  func.func @transform_10(%arg0: i32) -> (i32, i32) {
    %c0_i32 = arith.constant 0 : i32
    %c0_i32_0 = arith.constant 0 : i32
    return %arg0, %c0_i32 : i32, i32
  }
}

</mosaic_0001>

<sc_bundles>
// kernel: kernel.10.cloned.1.call-start
scs
__scs_entry_jumppad:
0x0: {  	(pc) =	sbr.rel $0x88, $3  }
0x1: {  	(tag) =	ssettag $0x0;
	lr =	simm.s32 $0x1  }
0x2: {  	[smem:$0x3F89] =	sst lr;
	_ =	strace $0xD0000000  }
0x3: {  	_ = 	snop  }
0x4: {  	_ = 	snop  }
0x5: {  	_ = 	snop  }
0x6: {  	_ = 	snop  }
0x7: {  	_ = 	snop  }
__scs_overlays_trampoline_lowered:
0x8: {  	[smem:$0x3F98] =	sst s0  }
0x9: {  	[smem:$0x3F99] =	sst s1  }
0xa: {  	[smem:$0x3F9A] =	sst s2  }
0xb: {  	[smem:$0x3F9B] =	sst s3  }
0xc: {  	[smem:$0x3F9C] =	sst s4  }
0xd: {  	[smem:$0x3F9D] =	sst s5  }
0xe: {  	[smem:$0x3F9E] =	sst s6  }
0xf: {  	[smem:$0x3F9F] =	sst s7  }
0x10: {  	[smem:$0x3FA0] =	sst s8  }
0x11: {  	[smem:$0x3FA1] =	sst s9;
	s0 =	simm.s32 @!p0 $0x0  }
0x12: {  	s1 =	sld [smem:$0x3F87];
	s0 =	simm.s32 @p0 $0x1  }
0x13: {  	[smem:$0x3FA2] =	sst s0;
	s0 =	simm.s32 @!p1 $0x0  }
0x14: {  	s2 =	sld [smem:$0x3F86];
	s0 =	simm.s32 @p1 $0x1  }
0x15: {  	[smem:$0x3FA3] =	sst s0;
	s0 =	simm.s32 @!p2 $0x0  }
0x16: {  	s3 =	sld [smem:$0x3FDB];
	s0 =	simm.s32 @p2 $0x1  }
0x17: {  	s4 =	simm.s32 $0x1BF5;
	[smem:$0x3FA5] =	sst s0  }
0x18: {  	s0 =	sld [smem:$0x3F88];
	_ =	swait.ge [sflag:s4], $0x0  }
0x19: {  	s7 =	sld [smem:$0x3F89]  }
0x1a: {  	s8 =	sadd.s32 $0xFFFFE003, lr  }
0x1b: {  	s9 =	sadd.s32 $0xFFFFFEF7, lr;
	s5 =	simm.s32 $0xFFFFFFFF;
	p2 =	slt.u32 s8, $0xFFFFF086  }
0x1c: {  	p1 =	slt.u32 s9, $0xF7A;
	s5 =	simm.s32 @!p2 $0x0  }
0x1d: {  	s5 =	simm.s32 @p1 $0x1;
	p0 =	seq.s32 s7, s2  }
0x1e: {  	s7 =	smul.u32 @!p0 $0xF7A, s2;
	p2 =	seq.s32 @!p0 s5, $0x0  }
0x1f: {  	s9 =	smul.u32 $0xF7A, s1;
	s8 =	simm.s32 @!p0 $0x1BF5;
	p2 =	por !p2, p0  }
0x20: {  	[sflag:s8] =	ssyncset.s32 @!p0 $0xFFFFF086;
	s6 =	sadd.s32 @!p0 s3, s7;
	s7 =	simm.s32 @!p0 $0x108  }
0x21: {  	s3 =	sadd.s32 s3, s9;
	s6 =	sadd.s32 @!p0 $0x88, s6;
	s7 =	simm.s32 @p2 $0x1082  }
0x22: {  	[simem:s7], [sflag:s8] =	dma.local @!p0 [hbm:s6], $0xF7A  }
0x23: {  	s9 =	sor.u32 $0xD0000000, s2;
	s6 =	simm.s32 $0x108;
	_ =	swait.ge @!p0 [sflag:s8], $0x0  }
0x24: {  	s3 =	sadd.s32 $0x88, s3;
	s6 =	simm.s32 @!p1 $0x1082;
	[sflag:s4] =	ssyncset.s32 $0xFFFFF086  }
0x25: {  	[simem:s6], [sflag:s4] =	dma.local [hbm:s3], $0xF7A  }
0x26: {  	[smem:$0x3F89] =	sst s1;
	(tag) =	ssettag s2;
	_ =	strace s9  }
0x27: {  	s1 =	sld [smem:$0x3F99]  }
0x28: {  	s2 =	sld [smem:$0x3F9A]  }
0x29: {  	s4 =	sld [smem:$0x3F9C]  }
0x2a: {  	p0 =	seq.s32 s5, $0x0;
	s5 =	sld [smem:$0x3F9D]  }
0x2b: {  	s6 =	sld [smem:$0x3F9E]  }
0x2c: {  	s7 =	sld [smem:$0x3F9F]  }
0x2d: {  	s3 =	simm.s32 $0x108;
	s8 =	sld [smem:$0x3FA0]  }
0x2e: {  	s3 =	simm.s32 @!p0 $0x1082;
	s9 =	sld [smem:$0x3FA1]  }
0x2f: {  	lr =	sadd.s32 s0, s3;
	s0 =	sld [smem:$0x3F98]  }
0x30: {  	s3 =	sld [smem:$0x3F9B]  }
0x31: {  	[smem:$0x3FA4] =	sst s10  }
0x32: {  	s10 =	sld [smem:$0x3FA2];
	_ =	sdelay $0x3  }
0x33: {  	p0 =	seq.s32 s10, $0x1;
	s10 =	sld [smem:$0x3FA4];
	_ =	sdelay $0x3  }
0x34: {  	[smem:$0x3FA4] =	sst s10  }
0x35: {  	s10 =	sld [smem:$0x3FA3];
	_ =	sdelay $0x3  }
0x36: {  	p1 =	seq.s32 s10, $0x1;
	s10 =	sld [smem:$0x3FA4];
	_ =	sdelay $0x3  }
0x37: {  	[smem:$0x3FA4] =	sst s10  }
0x38: {  	s10 =	sld [smem:$0x3FA5]  }
0x39: {  	_ = 	snop;
	(pc) =	sbr.ind lr, $3  }
0x3a: {  	_ = 	snop  }
0x3b: {  	_ = 	snop  }
0x3c: {  	p2 =	seq.s32 s10, $0x1;
	s10 =	sld [smem:$0x3FA4]  }
0x3d: {  	_ =	shalt  }
0x3e: {  	_ =	shalt  }
0x3f: {  	_ =	shalt  }
0x40: {  	_ =	shalt  }
0x41: {  	_ =	shalt  }
0x42: {  	_ =	shalt  }
0x43: {  	_ =	shalt  }
0x44: {  	_ =	shalt  }
0x45: {  	_ =	shalt  }
0x46: {  	_ =	shalt  }
0x47: {  	_ =	shalt  }
0x48: {  	_ =	shalt  }
0x49: {  	_ =	shalt  }
0x4a: {  	_ =	shalt  }
0x4b: {  	_ =	shalt  }
0x4c: {  	_ =	shalt  }
0x4d: {  	_ =	shalt  }
0x4e: {  	_ =	shalt  }
0x4f: {  	_ =	shalt  }
0x50: {  	_ =	shalt  }
0x51: {  	_ =	shalt  }
0x52: {  	_ =	shalt  }
0x53: {  	_ =	shalt  }
0x54: {  	_ =	shalt  }
0x55: {  	_ =	shalt  }
0x56: {  	_ =	shalt  }
0x57: {  	_ =	shalt  }
0x58: {  	_ =	shalt  }
0x59: {  	_ =	shalt  }
0x5a: {  	_ =	shalt  }
0x5b: {  	_ =	shalt  }
0x5c: {  	_ =	shalt  }
0x5d: {  	_ =	shalt  }
0x5e: {  	_ =	shalt  }
0x5f: {  	_ =	shalt  }
0x60: {  	_ =	shalt  }
0x61: {  	_ =	shalt  }
0x62: {  	_ =	shalt  }
0x63: {  	_ =	shalt  }
0x64: {  	_ =	shalt  }
0x65: {  	_ =	shalt  }
0x66: {  	_ =	shalt  }
0x67: {  	_ =	shalt  }
0x68: {  	_ =	shalt  }
0x69: {  	_ =	shalt  }
0x6a: {  	_ =	shalt  }
0x6b: {  	_ =	shalt  }
0x6c: {  	_ =	shalt  }
0x6d: {  	_ =	shalt  }
0x6e: {  	_ =	shalt  }
0x6f: {  	_ =	shalt  }
0x70: {  	_ =	shalt  }
0x71: {  	_ =	shalt  }
0x72: {  	_ =	shalt  }
0x73: {  	_ =	shalt  }
0x74: {  	_ =	shalt  }
0x75: {  	_ =	shalt  }
0x76: {  	_ =	shalt  }
0x77: {  	_ =	shalt  }
0x78: {  	_ =	shalt  }
0x79: {  	_ =	shalt  }
0x7a: {  	_ =	shalt  }
0x7b: {  	_ =	shalt  }
0x7c: {  	_ =	shalt  }
0x7d: {  	_ =	shalt  }
0x7e: {  	_ =	shalt  }
0x7f: {  	_ =	shalt  }
0x80: {  	_ =	shalt  }
0x81: {  	_ =	shalt  }
0x82: {  	_ =	shalt  }
0x83: {  	_ =	shalt  }
0x84: {  	_ =	shalt  }
0x85: {  	_ =	shalt  }
0x86: {  	_ =	shalt  }
0x87: {  	_ =	shalt  }
.Lfunc_end0:
.L_simem_size_0:
called_computation.1_lowered:
.L_overlay_start_0:
0x88: {  	s2 =	sld [smem:$0x3FD9]  }
0x89: {  	s3 =	sld [smem:$0x3FFE];
	_ =	sdelay $0x1  }
0x8a: {  	s1 =	srdreg.scid  }
0x8b: {  	s0 =	sand.u32 $0x1, s1  }
0x8c: {  	s14 =	sshll.u32 s0, $0xA;
	s2 =	sadd.s32 s3, s2  }
0x8d: {  	s2 =	sadd.s32 s2, s14  }
0x8e: {  	[smem:$0x3FB0] =	sst s2  }
0x8f: {  	_ = 	snop  }
0x90: {  	s2 =	sld [smem:$0x3FD0];
	_ =	sdelay $0x2  }
0x91: {  	s15 =	simm.s32 $0xA;
	s4 =	simm.s32 $0x10  }
0x92: {  	[smem:s4], [sflag:s15] =	dma.local [hbm:s2], $0x1  }
0x93: {  	_ =	swait.eq [sflag:s15], $0x1  }
0x94: {  	[sflag:s15] =	ssyncset.done $0x0  }
0x95: {  	[sflag:s15] =	ssyncadd.s32 $0xFFFFFFFF  }
0x96: {  	s16 =	sld [smem:$0x10];
	(tm) =	ssettm $0x1  }
0x97: {  	s17 =	sld [smem:$0x3FFB];
	_ =	sdelay $0x3  }
0x98: {  	_ =	strace s17  }
0x99: {  	s3 =	sld [smem:$0x3FFC];
	_ =	sdelay $0x3  }
0x9a: {  	_ =	strace s3  }
0x9b: {  	s3 =	sld [smem:$0x3FFD];
	_ =	sdelay $0x3  }
0x9c: {  	_ =	strace s3  }
0x9d: {  	_ =	strace $0x8FFFFFFF  }
0x9e: {  	s18 =	sld [smem:$0x3FDB];
	_ =	sdelay $0x1  }
0x9f: {  	s19 =	simm.s32 $_scs_section_size  }
0xa0: {  	s5 =	simm.s32 $_size__tile_overlayer_lowered;
	s6 =	simm.s32 $_tile_overlayer_lowered  }
0xa1: {  	s22 =	simm.s32 $0x1BFF;
	s21 =	sshll.u32 s6, $0x1;
	s3 =	sadd.s32 s19, s18  }
0xa2: {  	s7 =	simm.s32 $0x0;
	s20 =	sshll.u32 s5, $0x1;
	s5 =	sadd.s32 s21, s3  }
0xa3: {  	[timem:s7], [sflag:s22] =	dma.local [hbm:s5], s20  }
0xa4: {  	_ =	swait.ge [sflag:s22], s20  }
0xa5: {  	s4 =	ssub.s32 $0x0, s20;
	[sflag:s22] =	ssyncset.done $0x0  }
0xa6: {  	[sflag:s22] =	ssyncadd.s32 s4;
	_ =	sdelay $0x1  }
0xa7: {  	s23 =	simm.s32 $0x1B8B  }
0xa8: {  	_ =	swait.ge [sflag:s23], $0x1  }
0xa9: {  	[sflag:s23] =	ssyncset.done $0x0  }
0xaa: {  	s25 =	simm.s32 $0x1B8E;
	s24 =	sld [smem:$0x3FFE];
	[sflag:s23] =	ssyncadd.s32 $0xFFFFFFFF  }
0xab: {  	s26 =	simm.s32 $execute0_lowered;
	[smem:$0x3FD2] =	sst s25  }
0xac: {  	s5 =	sshll.u32 s26, $0x1;
	_ =	strace $0x80000049;
	[dreg:$0x1] =	wrdreg $0xFFFFFFFF  }
0xad: {  	s28 =	simm.s32 $_size_execute0_lowered;
	s3 =	sadd.s32 s3, s5;
	[dreg:$0x0] =	wrdreg $0x0  }
0xae: {  	s5 =	sshll.u32 s28, $0x1;
	[dreg:$0x2] =	wrdreg s3  }
0xaf: {  	[dreg:$0x3] =	wrdreg s5  }
0xb0: {  	[dreg:$0x4] =	wrdreg $0xC0  }
0xb1: {  	_ =	task [dreg:s7], $0x5FFFF  }
0xb2: {  	[dreg:$0x1] =	wrdreg $0xFFFFFFFF  }
0xb3: {  	[dreg:$0x0] =	wrdreg $0x60  }
0xb4: {  	[dreg:$0x2] =	wrdreg s24  }
0xb5: {  	[dreg:$0x3] =	wrdreg s16  }
0xb6: {  	[dreg:$0x4] =	wrdreg $0x0  }
0xb7: {  	[dreg:$0x5] =	wrdreg $0x9  }
0xb8: {  	_ =	task.clear_ibuf [dreg:s7], $0x6FFFF;
	_ =	strace $0x90000049  }
0xb9: {  	s29 =	simm.s32 $0x9;
	_ =	strace $0x8000004B  }
0xba: {  	_ =	swait.ge [sflag:s29], $0x1  }
0xbb: {  	[sflag:s29] =	ssyncadd.s32 $0xFFFFFFFF  }
0xbc: {  	_ =	strace $0x9000004B  }
0xbd: {  	_ =	sfence  }
0xbe: {  	s30 =	sld [smem:$0x0];
	_ =	sdelay $0x2  }
0xbf: {  	s31 =	sshll.u32 s1, $0xD;
	s1 =	sshrl.u32 s1, $0x2  }
0xc0: {  	s3 =	sand.u32 $0x4000, s31;
	s1 =	sadd.s32 s1, s30  }
0xc1: {  	s0 =	sor.u32 s3, s0;
	s1 =	sshll.u32 s1, $0x11  }
0xc2: {  	s0 =	sor.u32 s1, s0  }
0xc3: {  	s0 =	sadd.s32 $0x8F2B, s0  }
0xc4: {  	[sflag:s0] =	ssyncadd.remote.s32 $0x1  }
0xc5: {  	_ =	sfence.sel $0xFFFF  }
0xc6: {  	[dreg:$0x0] =	wrdreg $0xFFFFFFFF;
	(pc) =	sbr.abs _section_cstart, $3  }
0xc7: {  	[dreg:$0x1] =	wrdreg $0xFFFFFFFF  }
0xc8: {  	_ =	task.clear_ibuf [dreg:s7], $0x2FFFF;
	_ =	strace $0x9FFFFFFF  }
0xc9: {  	(tm) =	ssettm $0x7FFFFFFF  }
tec
execute0_lowered:
.L_overlay_start_1:
0x0: {  	(tag) =	ssettag $0x1  }
0x1: {  	s0 =	rddreg [dreg:$0x0]  }
0x2: {  	s1 =	rddreg [dreg:$0x1]  }
0x3: {  	s2 =	rddreg [dreg:$0x2]  }
0x4: {  	s13 =	stileid.u32;
	s3 =	simm.s32 $0x0;
	s6 =	srdreg.scid  }
0x5: {  	s20 =	simm.s32 $0x1;
	s28 =	simm.s32 $0x19A00;
	s29 =	simm.s32 $0x18980  }
0x6: {  	s30 =	simm.s32 $0x1A200;
	s31 =	simm.s32 $0x0;
	s4 =	smul.u32 $0x31000, s13  }
0x7: {  	[smem:$0x7FF] =	sst s3;
	s5 =	smul.u32 $0x18800, s13;
	s7 =	sand.u32 $0x1, s6  }
0x8: {  	s16 =	sadd.s32 $0x286400, s0;
	s21 =	sadd.s32 $0x9400, s0;
	s25 =	smul.u32 $0x1880, s13  }
0x9: {  	s24 =	sshll.u32 s13, $0x6;
	s26 =	smul.u32 $0x3100, s13;
	_ =	strace $0x8000004A  }
0xa: {  	s8 =	ssub.s32 $0x2, s7;
	[dreg:$0x4] =	wrdreg s21;
	p0 =	seq.s32 s7, $0x1  }
0xb: {  	s11 =	sor.u32 $0x1C01, s24;
	s21 =	simm.s32 $0x18800;
	s24 =	simm.s32 $0x18880  }
0xc: {  	s15 =	sadd.s32 s4, s0;
	s17 =	sadd.s32 s5, s0;
	s4 =	sshrl.u32 s5, $0x3  }
0xd: {  	s22 =	sshrl.u32 s8, $0x1;
	s5 =	sadd.s32 s5, s2;
	s14 =	sadd.s32 s25, s16  }
0xe: {  	s25 =	simm.s32 $0x19200;
	s9 =	sadd.s32 s4, s0;
	s0 =	sadd.s32 $0x2B7400, s0  }
0xf: {  	s16 =	sadd.s32 s26, s16;
	s12 =	sadd.s32 $0xF56800, s15;
	s13 =	sadd.s32 $0x626800, s17  }
.Ltmp0:
0x10: {  	s26 =	simm.s32 $0x18900;
	s15 =	sadd.s32 $0xC46800, s15;
	(pc) =	sbr.rel .LBB2_1-.Ltmp0, $4  }
0x11: {  	s7 =	sadd.s32 s1, s4;
	s17 =	sadd.s32 $0x7AE800, s17;
	s18 =	sadd.s32 $0x18800, s14  }
0x12: {  	s19 =	sshrl.u32 s5, $0x3;
	[dreg:$0x5] =	wrdreg s0;
	s0 =	ssub.s32 s8, s22  }
0x13: {  	s23 =	sadd.s32 $0x6B400, s9;
	s9 =	sadd.s32 $0x3A400, s9;
	s22 =	simm.s32 $0x18A00  }
0x14: {  	[dreg:$0x6] =	wrdreg s23;
	s10 =	smax.u32 s0, $0x1;
	s23 =	simm.s32 $0x80  }
.LBB2_11:
0x15: {  	s1 =	sadd.s32 s1, s18;
	[sflag:s20] =	ssyncadd.s32 $0xFFFFF800  }
0x16: {  	[tilespmem:s21], [sflag:$0x1] =	stream.linear.gather [hbm4b:s1+s3], $0x200, $0x38;
	[tilespmem:$0x1AA00] =	vst v63  }
0x17: {  	_ =	swait.ge [sflag:s20], $0x200  }
0x18: {  	[sflag:s20] =	ssyncset.done $0x0  }
0x19: {  	[sflag:s20] =	ssyncadd.s32 $0xFFFFFE00  }
0x1a: {  	[tilespmem:s22], [sflag:$0x1] =	stream.linear.gather [hbm4b:s0+s3], $0x2000, $0x38;
	[tilespmem:$0x1AA00] =	vst v63  }
0x1b: {  	_ =	swait.ge [sflag:s20], $0x2000  }
0x1c: {  	[sflag:s20] =	ssyncset.done $0x0  }
0x1d: {  	[sflag:s20] =	ssyncadd.s32 $0xFFFFE000  }
0x1e: {  	[spmem:s2] =	stream.indirect.scatter.add.f32 [tilespmem:s22], [sflag:$0x1], $0x10, s21, s23, $0xb8;
	[tilespmem:$0x1AA00] =	vst v63  }
0x1f: {  	_ =	swait.ge [sflag:s20], $0x800  }
0x20: {  	[sflag:s20] =	ssyncset.done $0x0  }
0x21: {  	[sflag:s20] =	ssyncadd.s32 $0xFFFFF800  }
0x22: {  	[spmem:s2] =	stream.indirect.scatter.add.f32 [tilespmem:s25], [sflag:$0x1], $0x10, s24, s23, $0xb8;
	[tilespmem:$0x1AA00] =	vst v63  }
0x23: {  	_ =	swait.ge [sflag:s20], $0x800  }
0x24: {  	[sflag:s20] =	ssyncset.done $0x0  }
0x25: {  	[sflag:s20] =	ssyncadd.s32 $0xFFFFF800  }
0x26: {  	[spmem:s2] =	stream.indirect.scatter.add.f32 [tilespmem:s28], [sflag:$0x1], $0x10, s26, s23, $0xb8;
	[tilespmem:$0x1AA00] =	vst v63  }
0x27: {  	_ =	swait.ge [sflag:s20], $0x800  }
0x28: {  	[sflag:s20] =	ssyncset.done $0x0  }
0x29: {  	[sflag:s20] =	ssyncadd.s32 $0xFFFFF800  }
0x2a: {  	[spmem:s2] =	stream.indirect.scatter.add.f32 [tilespmem:s30], [sflag:$0x1], $0x10, s29, s23, $0xb8;
	[tilespmem:$0x1AA00] =	vst v63  }
0x2b: {  	_ =	swait.ge [sflag:s20], $0x800  }
0x2c: {  	[sflag:s20] =	ssyncset.done $0x0  }
0x2d: {  	s0 =	rddreg [dreg:$0x5];
	[sflag:s20] =	ssyncadd.s32 $0xFFFFF800  }
.LBB2_12:
0x2e: {  	s0 =	sadd.s32 s0, s4;
	[bflag:$0x0] =	sbarrier.arrive $0xFFFF;
	s31 =	sadd.s32 $0x1, s31  }
0x2f: {  	[hbm:s0], [sflag:s11] =	dma.local [spmem:s19], $0x3100  }
0x30: {  	p1 =	sne.s32 s31, s10  }
.Ltmp1:
0x31: {  	_ =	swait.ge [sflag:s20], $0x3100;
	(pc) =	sbr.rel @!p1 .LBB2_13-.Ltmp1, $3  }
0x32: {  	[sflag:s20] =	ssyncset.done $0x0  }
0x33: {  	[sflag:s20] =	ssyncadd.s32 $0xFFFFCF00  }
0x34: {  	[bflag:$0x0] =	sbarrier.arrive $0xFFFF;
	_ =	sdelay $0x1  }
.LBB2_1:
0x35: {  	[spmem:s19], [sflag:s11] =	dma.local [hbm:s7], $0x3100  }
.Ltmp2:
0x36: {  	_ =	swait.ge [sflag:s20], $0x3100;
	(pc) =	sbr.rel @!p0 .LBB2_2-.Ltmp2, $4  }
0x37: {  	[sflag:s20] =	ssyncset.done $0x0  }
0x38: {  	[sflag:s20] =	ssyncadd.s32 $0xFFFFCF00  }
0x39: {  	[bflag:$0x0] =	sbarrier.arrive $0xFFFF  }
0x3a: {  	s0 =	sadd.s32 $0x0, s16  }
0x3b: {  	[tilespmem:s21], [sflag:$0x1] =	stream.linear.gather [hbm4b:s0+s3], $0x200, $0x38;
	[tilespmem:$0x1AA00] =	vst v63  }
0x3c: {  	_ =	swait.ge [sflag:s20], $0x200  }
0x3d: {  	[sflag:s20] =	ssyncset.done $0x0  }
0x3e: {  	[sflag:s20] =	ssyncadd.s32 $0xFFFFFE00  }
0x3f: {  	[tilespmem:s22], [sflag:$0x1] =	stream.linear.gather [hbm4b:s15+s3], $0x2000, $0x38;
	[tilespmem:$0x1AA00] =	vst v63  }
0x40: {  	_ =	swait.ge [sflag:s20], $0x2000  }
0x41: {  	[sflag:s20] =	ssyncset.done $0x0  }
0x42: {  	[sflag:s20] =	ssyncadd.s32 $0xFFFFE000  }
0x43: {  	[spmem:s2] =	stream.indirect.scatter.add.f32 [tilespmem:s22], [sflag:$0x1], $0x10, s21, s23, $0xb8;
	[tilespmem:$0x1AA00] =	vst v63  }
0x44: {  	_ =	swait.ge [sflag:s20], $0x800  }
0x45: {  	[sflag:s20] =	ssyncset.done $0x0  }
0x46: {  	[sflag:s20] =	ssyncadd.s32 $0xFFFFF800  }
0x47: {  	[spmem:s2] =	stream.indirect.scatter.add.f32 [tilespmem:s25], [sflag:$0x1], $0x10, s24, s23, $0xb8;
	[tilespmem:$0x1AA00] =	vst v63  }
0x48: {  	_ =	swait.ge [sflag:s20], $0x800  }
0x49: {  	[sflag:s20] =	ssyncset.done $0x0  }
0x4a: {  	[sflag:s20] =	ssyncadd.s32 $0xFFFFF800  }
0x4b: {  	[spmem:s2] =	stream.indirect.scatter.add.f32 [tilespmem:s28], [sflag:$0x1], $0x10, s26, s23, $0xb8;
	[tilespmem:$0x1AA00] =	vst v63  }
0x4c: {  	_ =	swait.ge [sflag:s20], $0x800  }
0x4d: {  	[sflag:s20] =	ssyncset.done $0x0  }
0x4e: {  	[sflag:s20] =	ssyncadd.s32 $0xFFFFF800  }
0x4f: {  	[spmem:s2] =	stream.indirect.scatter.add.f32 [tilespmem:s30], [sflag:$0x1], $0x10, s29, s23, $0xb8;
	[tilespmem:$0x1AA00] =	vst v63  }
0x50: {  	s1 =	simm.s32 $0x40;
	_ =	swait.ge [sflag:s20], $0x800  }
0x51: {  	s5 =	simm.s32 $0x80;
	s0 =	sadd.s32 $0x400, s15;
	[sflag:s20] =	ssyncset.done $0x0  }
.LBB2_8:
0x52: {  	s6 =	sadd.s32 s1, s16  }
0x53: {  	[sflag:s20] =	ssyncadd.s32 $0xFFFFF800;
	s1 =	smov.u32 s5;
	s8 =	sadd.s32 $0x40, s5  }
0x54: {  	[tilespmem:s21], [sflag:$0x1] =	stream.linear.gather [hbm4b:s6+s3], $0x200, $0x38;
	[tilespmem:$0x1AA00] =	vst v63  }
0x55: {  	p1 =	sne.s32 s5, $0x30C0;
	_ =	swait.ge [sflag:s20], $0x200  }
0x56: {  	[sflag:s20] =	ssyncset.done $0x0  }
0x57: {  	[sflag:s20] =	ssyncadd.s32 $0xFFFFFE00  }
0x58: {  	[tilespmem:s22], [sflag:$0x1] =	stream.linear.gather [hbm4b:s0+s3], $0x2000, $0x38;
	[tilespmem:$0x1AA00] =	vst v63  }
0x59: {  	_ =	swait.ge [sflag:s20], $0x2000  }
0x5a: {  	[sflag:s20] =	ssyncset.done $0x0  }
0x5b: {  	[sflag:s20] =	ssyncadd.s32 $0xFFFFE000  }
0x5c: {  	[spmem:s2] =	stream.indirect.scatter.add.f32 [tilespmem:s22], [sflag:$0x1], $0x10, s21, s23, $0xb8;
	[tilespmem:$0x1AA00] =	vst v63  }
0x5d: {  	_ =	swait.ge [sflag:s20], $0x800  }
0x5e: {  	[sflag:s20] =	ssyncset.done $0x0  }
0x5f: {  	[sflag:s20] =	ssyncadd.s32 $0xFFFFF800  }
0x60: {  	[spmem:s2] =	stream.indirect.scatter.add.f32 [tilespmem:s25], [sflag:$0x1], $0x10, s24, s23, $0xb8;
	[tilespmem:$0x1AA00] =	vst v63  }
0x61: {  	_ =	swait.ge [sflag:s20], $0x800  }
0x62: {  	[sflag:s20] =	ssyncset.done $0x0  }
0x63: {  	[sflag:s20] =	ssyncadd.s32 $0xFFFFF800  }
0x64: {  	[spmem:s2] =	stream.indirect.scatter.add.f32 [tilespmem:s28], [sflag:$0x1], $0x10, s26, s23, $0xb8;
	[tilespmem:$0x1AA00] =	vst v63  }
0x65: {  	_ =	swait.ge [sflag:s20], $0x800  }
.Ltmp3:
0x66: {  	[sflag:s20] =	ssyncset.done $0x0;
	(pc) =	sbr.rel @p1 .LBB2_8-.Ltmp3, $4  }
0x67: {  	[sflag:s20] =	ssyncadd.s32 $0xFFFFF800  }
0x68: {  	[spmem:s2] =	stream.indirect.scatter.add.f32 [tilespmem:s30], [sflag:$0x1], $0x10, s29, s23, $0xb8;
	[tilespmem:$0x1AA00] =	vst v63  }
0x69: {  	_ =	swait.ge [sflag:s20], $0x800  }
0x6a: {  	s5 =	smov.u32 s8;
	s0 =	sadd.s32 $0x400, s0;
	[sflag:s20] =	ssyncset.done $0x0  }
0x6b: {  	s1 =	sadd.s32 s1, s16;
	[sflag:s20] =	ssyncadd.s32 $0xFFFFF800  }
0x6c: {  	[tilespmem:s21], [sflag:$0x1] =	stream.linear.gather [hbm4b:s1+s3], $0x200, $0x38;
	[tilespmem:$0x1AA00] =	vst v63  }
0x6d: {  	_ =	swait.ge [sflag:s20], $0x200  }
0x6e: {  	[sflag:s20] =	ssyncset.done $0x0  }
0x6f: {  	[sflag:s20] =	ssyncadd.s32 $0xFFFFFE00  }
0x70: {  	[tilespmem:s22], [sflag:$0x1] =	stream.linear.gather [hbm4b:s0+s3], $0x2000, $0x38;
	[tilespmem:$0x1AA00] =	vst v63  }
0x71: {  	_ =	swait.ge [sflag:s20], $0x2000  }
0x72: {  	[sflag:s20] =	ssyncset.done $0x0  }
0x73: {  	[sflag:s20] =	ssyncadd.s32 $0xFFFFE000  }
0x74: {  	[spmem:s2] =	stream.indirect.scatter.add.f32 [tilespmem:s22], [sflag:$0x1], $0x10, s21, s23, $0xb8;
	[tilespmem:$0x1AA00] =	vst v63  }
0x75: {  	_ =	swait.ge [sflag:s20], $0x800  }
0x76: {  	[sflag:s20] =	ssyncset.done $0x0  }
0x77: {  	[sflag:s20] =	ssyncadd.s32 $0xFFFFF800  }
0x78: {  	[spmem:s2] =	stream.indirect.scatter.add.f32 [tilespmem:s25], [sflag:$0x1], $0x10, s24, s23, $0xb8;
	[tilespmem:$0x1AA00] =	vst v63  }
0x79: {  	_ =	swait.ge [sflag:s20], $0x800  }
0x7a: {  	[sflag:s20] =	ssyncset.done $0x0  }
0x7b: {  	[sflag:s20] =	ssyncadd.s32 $0xFFFFF800  }
0x7c: {  	[spmem:s2] =	stream.indirect.scatter.add.f32 [tilespmem:s28], [sflag:$0x1], $0x10, s26, s23, $0xb8;
	[tilespmem:$0x1AA00] =	vst v63  }
0x7d: {  	_ =	swait.ge [sflag:s20], $0x800  }
0x7e: {  	[sflag:s20] =	ssyncset.done $0x0  }
0x7f: {  	[sflag:s20] =	ssyncadd.s32 $0xFFFFF800  }
0x80: {  	[spmem:s2] =	stream.indirect.scatter.add.f32 [tilespmem:s30], [sflag:$0x1], $0x10, s29, s23, $0xb8;
	[tilespmem:$0x1AA00] =	vst v63  }
0x81: {  	_ =	swait.ge [sflag:s20], $0x800  }
0x82: {  	[sflag:s20] =	ssyncset.done $0x0  }
0x83: {  	[sflag:s20] =	ssyncadd.s32 $0xFFFFF800  }
0x84: {  	[bflag:$0x0] =	sbarrier.arrive $0xFFFF  }
0x85: {  	[hbm:s9], [sflag:s11] =	dma.local [spmem:s19], $0x3100  }
0x86: {  	_ =	swait.ge [sflag:s20], $0x3100  }
0x87: {  	[sflag:s20] =	ssyncset.done $0x0  }
0x88: {  	[sflag:s20] =	ssyncadd.s32 $0xFFFFCF00  }
0x89: {  	[bflag:$0x0] =	sbarrier.arrive $0xFFFF  }
0x8a: {  	[spmem:s19], [sflag:s11] =	dma.local [hbm:s7], $0x3100  }
0x8b: {  	_ =	swait.ge [sflag:s20], $0x3100  }
0x8c: {  	[sflag:s20] =	ssyncset.done $0x0  }
0x8d: {  	[sflag:s20] =	ssyncadd.s32 $0xFFFFCF00  }
0x8e: {  	s8 =	sadd.s32 $0x0, s18;
	[bflag:$0x0] =	sbarrier.arrive $0xFFFF  }
0x8f: {  	[tilespmem:s21], [sflag:$0x1] =	stream.linear.gather [hbm4b:s8+s3], $0x200, $0x38;
	[tilespmem:$0x1AA00] =	vst v63  }
0x90: {  	_ =	swait.ge [sflag:s20], $0x200  }
0x91: {  	[sflag:s20] =	ssyncset.done $0x0  }
0x92: {  	[sflag:s20] =	ssyncadd.s32 $0xFFFFFE00  }
0x93: {  	[tilespmem:s22], [sflag:$0x1] =	stream.linear.gather [hbm4b:s17+s3], $0x2000, $0x38;
	[tilespmem:$0x1AA00] =	vst v63  }
0x94: {  	_ =	swait.ge [sflag:s20], $0x2000  }
0x95: {  	[sflag:s20] =	ssyncset.done $0x0  }
0x96: {  	[sflag:s20] =	ssyncadd.s32 $0xFFFFE000  }
0x97: {  	[spmem:s2] =	stream.indirect.scatter.add.f32 [tilespmem:s22], [sflag:$0x1], $0x10, s21, s23, $0xb8;
	[tilespmem:$0x1AA00] =	vst v63  }
0x98: {  	_ =	swait.ge [sflag:s20], $0x800  }
0x99: {  	[sflag:s20] =	ssyncset.done $0x0  }
0x9a: {  	[sflag:s20] =	ssyncadd.s32 $0xFFFFF800  }
0x9b: {  	[spmem:s2] =	stream.indirect.scatter.add.f32 [tilespmem:s25], [sflag:$0x1], $0x10, s24, s23, $0xb8;
	[tilespmem:$0x1AA00] =	vst v63  }
0x9c: {  	_ =	swait.ge [sflag:s20], $0x800  }
0x9d: {  	[sflag:s20] =	ssyncset.done $0x0  }
0x9e: {  	[sflag:s20] =	ssyncadd.s32 $0xFFFFF800  }
0x9f: {  	[spmem:s2] =	stream.indirect.scatter.add.f32 [tilespmem:s28], [sflag:$0x1], $0x10, s26, s23, $0xb8;
	[tilespmem:$0x1AA00] =	vst v63  }
0xa0: {  	_ =	swait.ge [sflag:s20], $0x800  }
0xa1: {  	[sflag:s20] =	ssyncset.done $0x0  }
0xa2: {  	[sflag:s20] =	ssyncadd.s32 $0xFFFFF800  }
0xa3: {  	[spmem:s2] =	stream.indirect.scatter.add.f32 [tilespmem:s30], [sflag:$0x1], $0x10, s29, s23, $0xb8;
	[tilespmem:$0x1AA00] =	vst v63  }
0xa4: {  	s5 =	simm.s32 $0x80;
	_ =	swait.ge [sflag:s20], $0x800  }
0xa5: {  	s1 =	simm.s32 $0x40;
	s0 =	sadd.s32 $0x400, s17;
	[sflag:s20] =	ssyncset.done $0x0  }
.LBB2_10:
0xa6: {  	s6 =	sadd.s32 s1, s18  }
0xa7: {  	[sflag:s20] =	ssyncadd.s32 $0xFFFFF800;
	s1 =	smov.u32 s5;
	s8 =	sadd.s32 $0x40, s5  }
0xa8: {  	[tilespmem:s21], [sflag:$0x1] =	stream.linear.gather [hbm4b:s6+s3], $0x200, $0x38;
	[tilespmem:$0x1AA00] =	vst v63  }
0xa9: {  	p1 =	sne.s32 s5, $0x1840;
	_ =	swait.ge [sflag:s20], $0x200  }
0xaa: {  	[sflag:s20] =	ssyncset.done $0x0  }
0xab: {  	[sflag:s20] =	ssyncadd.s32 $0xFFFFFE00  }
0xac: {  	[tilespmem:s22], [sflag:$0x1] =	stream.linear.gather [hbm4b:s0+s3], $0x2000, $0x38;
	[tilespmem:$0x1AA00] =	vst v63  }
0xad: {  	_ =	swait.ge [sflag:s20], $0x2000  }
0xae: {  	[sflag:s20] =	ssyncset.done $0x0  }
0xaf: {  	[sflag:s20] =	ssyncadd.s32 $0xFFFFE000  }
0xb0: {  	[spmem:s2] =	stream.indirect.scatter.add.f32 [tilespmem:s22], [sflag:$0x1], $0x10, s21, s23, $0xb8;
	[tilespmem:$0x1AA00] =	vst v63  }
0xb1: {  	_ =	swait.ge [sflag:s20], $0x800  }
0xb2: {  	[sflag:s20] =	ssyncset.done $0x0  }
0xb3: {  	[sflag:s20] =	ssyncadd.s32 $0xFFFFF800  }
0xb4: {  	[spmem:s2] =	stream.indirect.scatter.add.f32 [tilespmem:s25], [sflag:$0x1], $0x10, s24, s23, $0xb8;
	[tilespmem:$0x1AA00] =	vst v63  }
0xb5: {  	_ =	swait.ge [sflag:s20], $0x800  }
0xb6: {  	[sflag:s20] =	ssyncset.done $0x0  }
0xb7: {  	[sflag:s20] =	ssyncadd.s32 $0xFFFFF800  }
0xb8: {  	[spmem:s2] =	stream.indirect.scatter.add.f32 [tilespmem:s28], [sflag:$0x1], $0x10, s26, s23, $0xb8;
	[tilespmem:$0x1AA00] =	vst v63  }
0xb9: {  	_ =	swait.ge [sflag:s20], $0x800  }
.Ltmp4:
0xba: {  	[sflag:s20] =	ssyncset.done $0x0;
	(pc) =	sbr.rel @p1 .LBB2_10-.Ltmp4, $4  }
0xbb: {  	[sflag:s20] =	ssyncadd.s32 $0xFFFFF800  }
0xbc: {  	[spmem:s2] =	stream.indirect.scatter.add.f32 [tilespmem:s30], [sflag:$0x1], $0x10, s29, s23, $0xb8;
	[tilespmem:$0x1AA00] =	vst v63  }
0xbd: {  	_ =	swait.ge [sflag:s20], $0x800  }
0xbe: {  	s5 =	smov.u32 s8;
	s0 =	sadd.s32 $0x400, s0;
	[sflag:s20] =	ssyncset.done $0x0  }
.Ltmp5:
0xbf: {  	_ = 	snop;
	(pc) =	sbr.rel .LBB2_11-.Ltmp5, $1  }
0xc0: {  	_ =	sdelay $0x3  }
.LBB2_2:
0xc1: {  	[tilespmem:s21], [sflag:$0x1] =	stream.linear.gather [hbm4b:s0+s3], $0x200, $0x38;
	[tilespmem:$0x1AA00] =	vst v63  }
0xc2: {  	_ =	swait.ge [sflag:s20], $0x200  }
0xc3: {  	[sflag:s20] =	ssyncset.done $0x0  }
0xc4: {  	[sflag:s20] =	ssyncadd.s32 $0xFFFFFE00  }
0xc5: {  	[tilespmem:s22], [sflag:$0x1] =	stream.linear.gather [hbm4b:s12+s3], $0x2000, $0x38;
	[tilespmem:$0x1AA00] =	vst v63  }
0xc6: {  	_ =	swait.ge [sflag:s20], $0x2000  }
0xc7: {  	[sflag:s20] =	ssyncset.done $0x0  }
0xc8: {  	[sflag:s20] =	ssyncadd.s32 $0xFFFFE000  }
0xc9: {  	[spmem:s2] =	stream.indirect.scatter.add.f32 [tilespmem:s22], [sflag:$0x1], $0x10, s21, s23, $0xb8;
	[tilespmem:$0x1AA00] =	vst v63  }
0xca: {  	_ =	swait.ge [sflag:s20], $0x800  }
0xcb: {  	[sflag:s20] =	ssyncset.done $0x0  }
0xcc: {  	[sflag:s20] =	ssyncadd.s32 $0xFFFFF800  }
0xcd: {  	[spmem:s2] =	stream.indirect.scatter.add.f32 [tilespmem:s25], [sflag:$0x1], $0x10, s24, s23, $0xb8;
	[tilespmem:$0x1AA00] =	vst v63  }
0xce: {  	_ =	swait.ge [sflag:s20], $0x800  }
0xcf: {  	[sflag:s20] =	ssyncset.done $0x0  }
0xd0: {  	[sflag:s20] =	ssyncadd.s32 $0xFFFFF800  }
0xd1: {  	[spmem:s2] =	stream.indirect.scatter.add.f32 [tilespmem:s28], [sflag:$0x1], $0x10, s26, s23, $0xb8;
	[tilespmem:$0x1AA00] =	vst v63  }
0xd2: {  	_ =	swait.ge [sflag:s20], $0x800  }
0xd3: {  	[sflag:s20] =	ssyncset.done $0x0  }
0xd4: {  	[sflag:s20] =	ssyncadd.s32 $0xFFFFF800  }
0xd5: {  	[spmem:s2] =	stream.indirect.scatter.add.f32 [tilespmem:s30], [sflag:$0x1], $0x10, s29, s23, $0xb8;
	[tilespmem:$0x1AA00] =	vst v63  }
0xd6: {  	s1 =	simm.s32 $0x40;
	_ =	swait.ge [sflag:s20], $0x800  }
0xd7: {  	s5 =	simm.s32 $0x80;
	s0 =	sadd.s32 $0x400, s12;
	[sflag:s20] =	ssyncset.done $0x0  }
.LBB2_3:
0xd8: {  	s6 =	sadd.s32 s1, s16  }
0xd9: {  	[sflag:s20] =	ssyncadd.s32 $0xFFFFF800;
	s1 =	smov.u32 s5;
	s8 =	sadd.s32 $0x40, s5  }
0xda: {  	[tilespmem:s21], [sflag:$0x1] =	stream.linear.gather [hbm4b:s6+s3], $0x200, $0x38;
	[tilespmem:$0x1AA00] =	vst v63  }
0xdb: {  	p1 =	sne.s32 s5, $0x30C0;
	_ =	swait.ge [sflag:s20], $0x200  }
0xdc: {  	[sflag:s20] =	ssyncset.done $0x0  }
0xdd: {  	[sflag:s20] =	ssyncadd.s32 $0xFFFFFE00  }
0xde: {  	[tilespmem:s22], [sflag:$0x1] =	stream.linear.gather [hbm4b:s0+s3], $0x2000, $0x38;
	[tilespmem:$0x1AA00] =	vst v63  }
0xdf: {  	_ =	swait.ge [sflag:s20], $0x2000  }
0xe0: {  	[sflag:s20] =	ssyncset.done $0x0  }
0xe1: {  	[sflag:s20] =	ssyncadd.s32 $0xFFFFE000  }
0xe2: {  	[spmem:s2] =	stream.indirect.scatter.add.f32 [tilespmem:s22], [sflag:$0x1], $0x10, s21, s23, $0xb8;
	[tilespmem:$0x1AA00] =	vst v63  }
0xe3: {  	_ =	swait.ge [sflag:s20], $0x800  }
0xe4: {  	[sflag:s20] =	ssyncset.done $0x0  }
0xe5: {  	[sflag:s20] =	ssyncadd.s32 $0xFFFFF800  }
0xe6: {  	[spmem:s2] =	stream.indirect.scatter.add.f32 [tilespmem:s25], [sflag:$0x1], $0x10, s24, s23, $0xb8;
	[tilespmem:$0x1AA00] =	vst v63  }
0xe7: {  	_ =	swait.ge [sflag:s20], $0x800  }
0xe8: {  	[sflag:s20] =	ssyncset.done $0x0  }
0xe9: {  	[sflag:s20] =	ssyncadd.s32 $0xFFFFF800  }
0xea: {  	[spmem:s2] =	stream.indirect.scatter.add.f32 [tilespmem:s28], [sflag:$0x1], $0x10, s26, s23, $0xb8;
	[tilespmem:$0x1AA00] =	vst v63  }
0xeb: {  	_ =	swait.ge [sflag:s20], $0x800  }
.Ltmp6:
0xec: {  	[sflag:s20] =	ssyncset.done $0x0;
	(pc) =	sbr.rel @p1 .LBB2_3-.Ltmp6, $4  }
0xed: {  	[sflag:s20] =	ssyncadd.s32 $0xFFFFF800  }
0xee: {  	[spmem:s2] =	stream.indirect.scatter.add.f32 [tilespmem:s30], [sflag:$0x1], $0x10, s29, s23, $0xb8;
	[tilespmem:$0x1AA00] =	vst v63  }
0xef: {  	_ =	swait.ge [sflag:s20], $0x800  }
0xf0: {  	s5 =	smov.u32 s8;
	s0 =	sadd.s32 $0x400, s0;
	[sflag:s20] =	ssyncset.done $0x0  }
0xf1: {  	s1 =	sadd.s32 s1, s16;
	[sflag:s20] =	ssyncadd.s32 $0xFFFFF800  }
0xf2: {  	[tilespmem:s21], [sflag:$0x1] =	stream.linear.gather [hbm4b:s1+s3], $0x200, $0x38;
	[tilespmem:$0x1AA00] =	vst v63  }
0xf3: {  	_ =	swait.ge [sflag:s20], $0x200  }
0xf4: {  	[sflag:s20] =	ssyncset.done $0x0  }
0xf5: {  	[sflag:s20] =	ssyncadd.s32 $0xFFFFFE00  }
0xf6: {  	[tilespmem:s22], [sflag:$0x1] =	stream.linear.gather [hbm4b:s0+s3], $0x2000, $0x38;
	[tilespmem:$0x1AA00] =	vst v63  }
0xf7: {  	_ =	swait.ge [sflag:s20], $0x2000  }
0xf8: {  	[sflag:s20] =	ssyncset.done $0x0  }
0xf9: {  	[sflag:s20] =	ssyncadd.s32 $0xFFFFE000  }
0xfa: {  	[spmem:s2] =	stream.indirect.scatter.add.f32 [tilespmem:s22], [sflag:$0x1], $0x10, s21, s23, $0xb8;
	[tilespmem:$0x1AA00] =	vst v63  }
0xfb: {  	_ =	swait.ge [sflag:s20], $0x800  }
0xfc: {  	[sflag:s20] =	ssyncset.done $0x0  }
0xfd: {  	[sflag:s20] =	ssyncadd.s32 $0xFFFFF800  }
0xfe: {  	[spmem:s2] =	stream.indirect.scatter.add.f32 [tilespmem:s25], [sflag:$0x1], $0x10, s24, s23, $0xb8;
	[tilespmem:$0x1AA00] =	vst v63  }
0xff: {  	_ =	swait.ge [sflag:s20], $0x800  }
0x100: {  	[sflag:s20] =	ssyncset.done $0x0  }
0x101: {  	[sflag:s20] =	ssyncadd.s32 $0xFFFFF800  }
0x102: {  	[spmem:s2] =	stream.indirect.scatter.add.f32 [tilespmem:s28], [sflag:$0x1], $0x10, s26, s23, $0xb8;
	[tilespmem:$0x1AA00] =	vst v63  }
0x103: {  	_ =	swait.ge [sflag:s20], $0x800  }
0x104: {  	[sflag:s20] =	ssyncset.done $0x0  }
0x105: {  	[sflag:s20] =	ssyncadd.s32 $0xFFFFF800  }
0x106: {  	[spmem:s2] =	stream.indirect.scatter.add.f32 [tilespmem:s30], [sflag:$0x1], $0x10, s29, s23, $0xb8;
	[tilespmem:$0x1AA00] =	vst v63  }
0x107: {  	_ =	swait.ge [sflag:s20], $0x800  }
0x108: {  	[sflag:s20] =	ssyncset.done $0x0  }
0x109: {  	[sflag:s20] =	ssyncadd.s32 $0xFFFFF800  }
0x10a: {  	[bflag:$0x0] =	sbarrier.arrive $0xFFFF  }
0x10b: {  	s6 =	rddreg [dreg:$0x6]  }
0x10c: {  	[hbm:s6], [sflag:s11] =	dma.local [spmem:s19], $0x3100  }
0x10d: {  	_ =	swait.ge [sflag:s20], $0x3100  }
0x10e: {  	[sflag:s20] =	ssyncset.done $0x0  }
0x10f: {  	[sflag:s20] =	ssyncadd.s32 $0xFFFFCF00  }
0x110: {  	[bflag:$0x0] =	sbarrier.arrive $0xFFFF  }
0x111: {  	[spmem:s19], [sflag:s11] =	dma.local [hbm:s7], $0x3100  }
0x112: {  	_ =	swait.ge [sflag:s20], $0x3100  }
0x113: {  	[sflag:s20] =	ssyncset.done $0x0  }
0x114: {  	[sflag:s20] =	ssyncadd.s32 $0xFFFFCF00  }
0x115: {  	s8 =	sadd.s32 $0x0, s14;
	[bflag:$0x0] =	sbarrier.arrive $0xFFFF  }
0x116: {  	[tilespmem:s21], [sflag:$0x1] =	stream.linear.gather [hbm4b:s8+s3], $0x200, $0x38;
	[tilespmem:$0x1AA00] =	vst v63  }
0x117: {  	_ =	swait.ge [sflag:s20], $0x200  }
0x118: {  	[sflag:s20] =	ssyncset.done $0x0  }
0x119: {  	[sflag:s20] =	ssyncadd.s32 $0xFFFFFE00  }
0x11a: {  	[tilespmem:s22], [sflag:$0x1] =	stream.linear.gather [hbm4b:s13+s3], $0x2000, $0x38;
	[tilespmem:$0x1AA00] =	vst v63  }
0x11b: {  	_ =	swait.ge [sflag:s20], $0x2000  }
0x11c: {  	[sflag:s20] =	ssyncset.done $0x0  }
0x11d: {  	[sflag:s20] =	ssyncadd.s32 $0xFFFFE000  }
0x11e: {  	[spmem:s2] =	stream.indirect.scatter.add.f32 [tilespmem:s22], [sflag:$0x1], $0x10, s21, s23, $0xb8;
	[tilespmem:$0x1AA00] =	vst v63  }
0x11f: {  	_ =	swait.ge [sflag:s20], $0x800  }
0x120: {  	[sflag:s20] =	ssyncset.done $0x0  }
0x121: {  	[sflag:s20] =	ssyncadd.s32 $0xFFFFF800  }
0x122: {  	[spmem:s2] =	stream.indirect.scatter.add.f32 [tilespmem:s25], [sflag:$0x1], $0x10, s24, s23, $0xb8;
	[tilespmem:$0x1AA00] =	vst v63  }
0x123: {  	_ =	swait.ge [sflag:s20], $0x800  }
0x124: {  	[sflag:s20] =	ssyncset.done $0x0  }
0x125: {  	[sflag:s20] =	ssyncadd.s32 $0xFFFFF800  }
0x126: {  	[spmem:s2] =	stream.indirect.scatter.add.f32 [tilespmem:s28], [sflag:$0x1], $0x10, s26, s23, $0xb8;
	[tilespmem:$0x1AA00] =	vst v63  }
0x127: {  	_ =	swait.ge [sflag:s20], $0x800  }
0x128: {  	[sflag:s20] =	ssyncset.done $0x0  }
0x129: {  	[sflag:s20] =	ssyncadd.s32 $0xFFFFF800  }
0x12a: {  	[spmem:s2] =	stream.indirect.scatter.add.f32 [tilespmem:s30], [sflag:$0x1], $0x10, s29, s23, $0xb8;
	[tilespmem:$0x1AA00] =	vst v63  }
0x12b: {  	s5 =	simm.s32 $0x80;
	_ =	swait.ge [sflag:s20], $0x800  }
0x12c: {  	s1 =	simm.s32 $0x40;
	s0 =	sadd.s32 $0x400, s13;
	[sflag:s20] =	ssyncset.done $0x0  }
.LBB2_5:
0x12d: {  	s6 =	sadd.s32 s1, s14  }
0x12e: {  	[sflag:s20] =	ssyncadd.s32 $0xFFFFF800;
	s1 =	smov.u32 s5;
	s8 =	sadd.s32 $0x40, s5  }
0x12f: {  	[tilespmem:s21], [sflag:$0x1] =	stream.linear.gather [hbm4b:s6+s3], $0x200, $0x38;
	[tilespmem:$0x1AA00] =	vst v63  }
0x130: {  	p1 =	seq.s32 s5, $0x1840;
	_ =	swait.ge [sflag:s20], $0x200  }
0x131: {  	[sflag:s20] =	ssyncset.done $0x0  }
0x132: {  	[sflag:s20] =	ssyncadd.s32 $0xFFFFFE00  }
0x133: {  	[tilespmem:s22], [sflag:$0x1] =	stream.linear.gather [hbm4b:s0+s3], $0x2000, $0x38;
	[tilespmem:$0x1AA00] =	vst v63  }
0x134: {  	_ =	swait.ge [sflag:s20], $0x2000  }
0x135: {  	[sflag:s20] =	ssyncset.done $0x0  }
0x136: {  	[sflag:s20] =	ssyncadd.s32 $0xFFFFE000  }
0x137: {  	[spmem:s2] =	stream.indirect.scatter.add.f32 [tilespmem:s22], [sflag:$0x1], $0x10, s21, s23, $0xb8;
	[tilespmem:$0x1AA00] =	vst v63  }
0x138: {  	_ =	swait.ge [sflag:s20], $0x800  }
0x139: {  	[sflag:s20] =	ssyncset.done $0x0  }
0x13a: {  	[sflag:s20] =	ssyncadd.s32 $0xFFFFF800  }
0x13b: {  	[spmem:s2] =	stream.indirect.scatter.add.f32 [tilespmem:s25], [sflag:$0x1], $0x10, s24, s23, $0xb8;
	[tilespmem:$0x1AA00] =	vst v63  }
0x13c: {  	_ =	swait.ge [sflag:s20], $0x800  }
0x13d: {  	[sflag:s20] =	ssyncset.done $0x0  }
0x13e: {  	[sflag:s20] =	ssyncadd.s32 $0xFFFFF800  }
0x13f: {  	[spmem:s2] =	stream.indirect.scatter.add.f32 [tilespmem:s28], [sflag:$0x1], $0x10, s26, s23, $0xb8;
	[tilespmem:$0x1AA00] =	vst v63  }
0x140: {  	_ =	swait.ge [sflag:s20], $0x800  }
.Ltmp7:
0x141: {  	[sflag:s20] =	ssyncset.done $0x0;
	(pc) =	sbr.rel @!p1 .LBB2_5-.Ltmp7, $4  }
0x142: {  	[sflag:s20] =	ssyncadd.s32 $0xFFFFF800  }
0x143: {  	[spmem:s2] =	stream.indirect.scatter.add.f32 [tilespmem:s30], [sflag:$0x1], $0x10, s29, s23, $0xb8;
	[tilespmem:$0x1AA00] =	vst v63  }
0x144: {  	_ =	swait.ge [sflag:s20], $0x800  }
0x145: {  	s5 =	smov.u32 s8;
	s0 =	sadd.s32 $0x400, s0;
	[sflag:s20] =	ssyncset.done $0x0  }
0x146: {  	s1 =	sadd.s32 s1, s14;
	[sflag:s20] =	ssyncadd.s32 $0xFFFFF800  }
0x147: {  	[tilespmem:s21], [sflag:$0x1] =	stream.linear.gather [hbm4b:s1+s3], $0x200, $0x38;
	[tilespmem:$0x1AA00] =	vst v63  }
0x148: {  	_ =	swait.ge [sflag:s20], $0x200  }
0x149: {  	[sflag:s20] =	ssyncset.done $0x0  }
0x14a: {  	[sflag:s20] =	ssyncadd.s32 $0xFFFFFE00  }
0x14b: {  	[tilespmem:s22], [sflag:$0x1] =	stream.linear.gather [hbm4b:s0+s3], $0x2000, $0x38;
	[tilespmem:$0x1AA00] =	vst v63  }
0x14c: {  	_ =	swait.ge [sflag:s20], $0x2000  }
0x14d: {  	[sflag:s20] =	ssyncset.done $0x0  }
0x14e: {  	[sflag:s20] =	ssyncadd.s32 $0xFFFFE000  }
0x14f: {  	[spmem:s2] =	stream.indirect.scatter.add.f32 [tilespmem:s22], [sflag:$0x1], $0x10, s21, s23, $0xb8;
	[tilespmem:$0x1AA00] =	vst v63  }
0x150: {  	_ =	swait.ge [sflag:s20], $0x800  }
0x151: {  	[sflag:s20] =	ssyncset.done $0x0  }
0x152: {  	[sflag:s20] =	ssyncadd.s32 $0xFFFFF800  }
0x153: {  	[spmem:s2] =	stream.indirect.scatter.add.f32 [tilespmem:s25], [sflag:$0x1], $0x10, s24, s23, $0xb8;
	[tilespmem:$0x1AA00] =	vst v63  }
0x154: {  	_ =	swait.ge [sflag:s20], $0x800  }
0x155: {  	[sflag:s20] =	ssyncset.done $0x0  }
0x156: {  	[sflag:s20] =	ssyncadd.s32 $0xFFFFF800  }
0x157: {  	[spmem:s2] =	stream.indirect.scatter.add.f32 [tilespmem:s28], [sflag:$0x1], $0x10, s26, s23, $0xb8;
	[tilespmem:$0x1AA00] =	vst v63  }
0x158: {  	_ =	swait.ge [sflag:s20], $0x800  }
0x159: {  	[sflag:s20] =	ssyncset.done $0x0  }
.Ltmp8:
0x15a: {  	[sflag:s20] =	ssyncadd.s32 $0xFFFFF800;
	(pc) =	sbr.rel .LBB2_12-.Ltmp8, $4  }
0x15b: {  	[spmem:s2] =	stream.indirect.scatter.add.f32 [tilespmem:s30], [sflag:$0x1], $0x10, s29, s23, $0xb8;
	[tilespmem:$0x1AA00] =	vst v63  }
0x15c: {  	_ =	swait.ge [sflag:s20], $0x800  }
0x15d: {  	[sflag:s20] =	ssyncset.done $0x0  }
0x15e: {  	s0 =	rddreg [dreg:$0x4];
	[sflag:s20] =	ssyncadd.s32 $0xFFFFF800  }
.LBB2_13:
0x15f: {  	_ =	sfence.sel $0x180000  }
0x160: {  	[bflag:$0x0] =	sbarrier.arrive $0xFFFF  }
0x161: {  	_ =	strace $0x9000004A  }
0x162: {  	s0 =	stileid.u32;
	[bflag:$0x2] =	sbarrier.arrive $0xFFFF  }
0x163: {  	p0 =	sne.s32 s0, $0x0;
	s0 =	rddreg [dreg:$0x3]  }
0x164: {  	s0 =	sadd.s32 @!p0 $0x100000, s0  }
0x165: {  	[sflag:s0] =	ssyncadd.tile.s32 @!p0 $0x1;
	_ =	shalt  }
.Lfunc_end2:
_tile_overlayer_lowered:
.L_overlay_start_2:
0x166: {  	(tag) =	ssettag $0x2  }
0x167: {  	s0 =	rddreg [dreg:$0x0];
	s2 =	stileid.u32  }
0x168: {  	s1 =	rddreg [dreg:$0x1];
	p0 =	sne.s32 s2, $0x0  }
0x169: {  	s3 =	rddreg [dreg:$0x2];
	[bflag:$0x3] =	sbarrier.arrive $0xFFFF;
	s2 =	simm.s32 @!p0 $0x1C01  }
0x16a: {  	[timem:s3], [sflag:s2] =	dma.local @!p0 [hbm:s0], s1  }
0x16b: {  	s0 =	simm.s32 @!p0 $0x1  }
0x16c: {  	_ =	swait.ge @!p0 [sflag:s0], s1  }
0x16d: {  	s1 =	ssub.s32 @!p0 $0x0, s1;
	[sflag:s0] =	ssyncset.done @!p0 $0x0  }
0x16e: {  	[sflag:s0] =	ssyncadd.s32 @!p0 s1  }
0x16f: {  	[bflag:$0x3] =	sbarrier.arrive $0xFFFF  }
0x170: {  	_ =	shalt  }

// kernel: kernel.7.cloned.1.call-start
scs
__scs_entry_jumppad:
0x0: {  	(pc) =	sbr.rel $0x88, $3  }
0x1: {  	(tag) =	ssettag $0x0;
	lr =	simm.s32 $0x1  }
0x2: {  	[smem:$0x3F89] =	sst lr;
	_ =	strace $0xD0000000  }
0x3: {  	_ = 	snop  }
0x4: {  	_ = 	snop  }
0x5: {  	_ = 	snop  }
0x6: {  	_ = 	snop  }
0x7: {  	_ = 	snop  }
__scs_overlays_trampoline_lowered:
0x8: {  	[smem:$0x3F98] =	sst s0  }
0x9: {  	[smem:$0x3F99] =	sst s1  }
0xa: {  	[smem:$0x3F9A] =	sst s2  }
0xb: {  	[smem:$0x3F9B] =	sst s3  }
0xc: {  	[smem:$0x3F9C] =	sst s4  }
0xd: {  	[smem:$0x3F9D] =	sst s5  }
0xe: {  	[smem:$0x3F9E] =	sst s6  }
0xf: {  	[smem:$0x3F9F] =	sst s7  }
0x10: {  	[smem:$0x3FA0] =	sst s8  }
0x11: {  	[smem:$0x3FA1] =	sst s9;
	s0 =	simm.s32 @!p0 $0x0  }
0x12: {  	s1 =	sld [smem:$0x3F87];
	s0 =	simm.s32 @p0 $0x1  }
0x13: {  	[smem:$0x3FA2] =	sst s0;
	s0 =	simm.s32 @!p1 $0x0  }
0x14: {  	s2 =	sld [smem:$0x3F86];
	s0 =	simm.s32 @p1 $0x1  }
0x15: {  	[smem:$0x3FA3] =	sst s0;
	s0 =	simm.s32 @!p2 $0x0  }
0x16: {  	s3 =	sld [smem:$0x3FDB];
	s0 =	simm.s32 @p2 $0x1  }
0x17: {  	s4 =	simm.s32 $0x1BF5;
	[smem:$0x3FA5] =	sst s0  }
0x18: {  	s0 =	sld [smem:$0x3F88];
	_ =	swait.ge [sflag:s4], $0x0  }
0x19: {  	s7 =	sld [smem:$0x3F89]  }
0x1a: {  	s8 =	sadd.s32 $0xFFFFE003, lr  }
0x1b: {  	s9 =	sadd.s32 $0xFFFFFEF7, lr;
	s5 =	simm.s32 $0xFFFFFFFF;
	p2 =	slt.u32 s8, $0xFFFFF086  }
0x1c: {  	p1 =	slt.u32 s9, $0xF7A;
	s5 =	simm.s32 @!p2 $0x0  }
0x1d: {  	s5 =	simm.s32 @p1 $0x1;
	p0 =	seq.s32 s7, s2  }
0x1e: {  	s7 =	smul.u32 @!p0 $0xF7A, s2;
	p2 =	seq.s32 @!p0 s5, $0x0  }
0x1f: {  	s9 =	smul.u32 $0xF7A, s1;
	s8 =	simm.s32 @!p0 $0x1BF5;
	p2 =	por !p2, p0  }
0x20: {  	[sflag:s8] =	ssyncset.s32 @!p0 $0xFFFFF086;
	s6 =	sadd.s32 @!p0 s3, s7;
	s7 =	simm.s32 @!p0 $0x108  }
0x21: {  	s3 =	sadd.s32 s3, s9;
	s6 =	sadd.s32 @!p0 $0x88, s6;
	s7 =	simm.s32 @p2 $0x1082  }
0x22: {  	[simem:s7], [sflag:s8] =	dma.local @!p0 [hbm:s6], $0xF7A  }
0x23: {  	s9 =	sor.u32 $0xD0000000, s2;
	s6 =	simm.s32 $0x108;
	_ =	swait.ge @!p0 [sflag:s8], $0x0  }
0x24: {  	s3 =	sadd.s32 $0x88, s3;
	s6 =	simm.s32 @!p1 $0x1082;
	[sflag:s4] =	ssyncset.s32 $0xFFFFF086  }
0x25: {  	[simem:s6], [sflag:s4] =	dma.local [hbm:s3], $0xF7A  }
0x26: {  	[smem:$0x3F89] =	sst s1;
	(tag) =	ssettag s2;
	_ =	strace s9  }
0x27: {  	s1 =	sld [smem:$0x3F99]  }
0x28: {  	s2 =	sld [smem:$0x3F9A]  }
0x29: {  	s4 =	sld [smem:$0x3F9C]  }
0x2a: {  	p0 =	seq.s32 s5, $0x0;
	s5 =	sld [smem:$0x3F9D]  }
0x2b: {  	s6 =	sld [smem:$0x3F9E]  }
0x2c: {  	s7 =	sld [smem:$0x3F9F]  }
0x2d: {  	s3 =	simm.s32 $0x108;
	s8 =	sld [smem:$0x3FA0]  }
0x2e: {  	s3 =	simm.s32 @!p0 $0x1082;
	s9 =	sld [smem:$0x3FA1]  }
0x2f: {  	lr =	sadd.s32 s0, s3;
	s0 =	sld [smem:$0x3F98]  }
0x30: {  	s3 =	sld [smem:$0x3F9B]  }
0x31: {  	[smem:$0x3FA4] =	sst s10  }
0x32: {  	s10 =	sld [smem:$0x3FA2];
	_ =	sdelay $0x3  }
0x33: {  	p0 =	seq.s32 s10, $0x1;
	s10 =	sld [smem:$0x3FA4];
	_ =	sdelay $0x3  }
0x34: {  	[smem:$0x3FA4] =	sst s10  }
0x35: {  	s10 =	sld [smem:$0x3FA3];
	_ =	sdelay $0x3  }
0x36: {  	p1 =	seq.s32 s10, $0x1;
	s10 =	sld [smem:$0x3FA4];
	_ =	sdelay $0x3  }
0x37: {  	[smem:$0x3FA4] =	sst s10  }
0x38: {  	s10 =	sld [smem:$0x3FA5]  }
0x39: {  	_ = 	snop;
	(pc) =	sbr.ind lr, $3  }
0x3a: {  	_ = 	snop  }
0x3b: {  	_ = 	snop  }
0x3c: {  	p2 =	seq.s32 s10, $0x1;
	s10 =	sld [smem:$0x3FA4]  }
0x3d: {  	_ =	shalt  }
0x3e: {  	_ =	shalt  }
0x3f: {  	_ =	shalt  }
0x40: {  	_ =	shalt  }
0x41: {  	_ =	shalt  }
0x42: {  	_ =	shalt  }
0x43: {  	_ =	shalt  }
0x44: {  	_ =	shalt  }
0x45: {  	_ =	shalt  }
0x46: {  	_ =	shalt  }
0x47: {  	_ =	shalt  }
0x48: {  	_ =	shalt  }
0x49: {  	_ =	shalt  }
0x4a: {  	_ =	shalt  }
0x4b: {  	_ =	shalt  }
0x4c: {  	_ =	shalt  }
0x4d: {  	_ =	shalt  }
0x4e: {  	_ =	shalt  }
0x4f: {  	_ =	shalt  }
0x50: {  	_ =	shalt  }
0x51: {  	_ =	shalt  }
0x52: {  	_ =	shalt  }
0x53: {  	_ =	shalt  }
0x54: {  	_ =	shalt  }
0x55: {  	_ =	shalt  }
0x56: {  	_ =	shalt  }
0x57: {  	_ =	shalt  }
0x58: {  	_ =	shalt  }
0x59: {  	_ =	shalt  }
0x5a: {  	_ =	shalt  }
0x5b: {  	_ =	shalt  }
0x5c: {  	_ =	shalt  }
0x5d: {  	_ =	shalt  }
0x5e: {  	_ =	shalt  }
0x5f: {  	_ =	shalt  }
0x60: {  	_ =	shalt  }
0x61: {  	_ =	shalt  }
0x62: {  	_ =	shalt  }
0x63: {  	_ =	shalt  }
0x64: {  	_ =	shalt  }
0x65: {  	_ =	shalt  }
0x66: {  	_ =	shalt  }
0x67: {  	_ =	shalt  }
0x68: {  	_ =	shalt  }
0x69: {  	_ =	shalt  }
0x6a: {  	_ =	shalt  }
0x6b: {  	_ =	shalt  }
0x6c: {  	_ =	shalt  }
0x6d: {  	_ =	shalt  }
0x6e: {  	_ =	shalt  }
0x6f: {  	_ =	shalt  }
0x70: {  	_ =	shalt  }
0x71: {  	_ =	shalt  }
0x72: {  	_ =	shalt  }
0x73: {  	_ =	shalt  }
0x74: {  	_ =	shalt  }
0x75: {  	_ =	shalt  }
0x76: {  	_ =	shalt  }
0x77: {  	_ =	shalt  }
0x78: {  	_ =	shalt  }
0x79: {  	_ =	shalt  }
0x7a: {  	_ =	shalt  }
0x7b: {  	_ =	shalt  }
0x7c: {  	_ =	shalt  }
0x7d: {  	_ =	shalt  }
0x7e: {  	_ =	shalt  }
0x7f: {  	_ =	shalt  }
0x80: {  	_ =	shalt  }
0x81: {  	_ =	shalt  }
0x82: {  	_ =	shalt  }
0x83: {  	_ =	shalt  }
0x84: {  	_ =	shalt  }
0x85: {  	_ =	shalt  }
0x86: {  	_ =	shalt  }
0x87: {  	_ =	shalt  }
.Lfunc_end0:
.L_simem_size_0:
called_computation_lowered:
.L_overlay_start_0:
0x88: {  	s2 =	sld [smem:$0x3FD9]  }
0x89: {  	s3 =	sld [smem:$0x3FFE];
	_ =	sdelay $0x1  }
0x8a: {  	s1 =	srdreg.scid  }
0x8b: {  	s0 =	sand.u32 $0x1, s1  }
0x8c: {  	s14 =	sshll.u32 s0, $0xA;
	s2 =	sadd.s32 s3, s2  }
0x8d: {  	s2 =	sadd.s32 s2, s14  }
0x8e: {  	[smem:$0x3FB0] =	sst s2  }
0x8f: {  	_ = 	snop  }
0x90: {  	s2 =	sld [smem:$0x3FD0];
	_ =	sdelay $0x2  }
0x91: {  	s15 =	simm.s32 $0xA;
	s4 =	simm.s32 $0x10  }
0x92: {  	[smem:s4], [sflag:s15] =	dma.local [hbm:s2], $0x1  }
0x93: {  	_ =	swait.eq [sflag:s15], $0x1  }
0x94: {  	[sflag:s15] =	ssyncset.done $0x0  }
0x95: {  	[sflag:s15] =	ssyncadd.s32 $0xFFFFFFFF  }
0x96: {  	s16 =	sld [smem:$0x10];
	(tm) =	ssettm $0x1  }
0x97: {  	s17 =	sld [smem:$0x3FFB];
	_ =	sdelay $0x3  }
0x98: {  	_ =	strace s17  }
0x99: {  	s3 =	sld [smem:$0x3FFC];
	_ =	sdelay $0x3  }
0x9a: {  	_ =	strace s3  }
0x9b: {  	s3 =	sld [smem:$0x3FFD];
	_ =	sdelay $0x3  }
0x9c: {  	_ =	strace s3  }
0x9d: {  	_ =	strace $0x8FFFFFFF  }
0x9e: {  	s18 =	sld [smem:$0x3FDB];
	_ =	sdelay $0x1  }
0x9f: {  	s19 =	simm.s32 $_scs_section_size  }
0xa0: {  	s5 =	simm.s32 $_size__tile_overlayer_lowered;
	s6 =	simm.s32 $_tile_overlayer_lowered  }
0xa1: {  	s22 =	simm.s32 $0x1BFF;
	s21 =	sshll.u32 s6, $0x1;
	s3 =	sadd.s32 s19, s18  }
0xa2: {  	s7 =	simm.s32 $0x0;
	s20 =	sshll.u32 s5, $0x1;
	s5 =	sadd.s32 s21, s3  }
0xa3: {  	[timem:s7], [sflag:s22] =	dma.local [hbm:s5], s20  }
0xa4: {  	_ =	swait.ge [sflag:s22], s20  }
0xa5: {  	s4 =	ssub.s32 $0x0, s20;
	[sflag:s22] =	ssyncset.done $0x0  }
0xa6: {  	[sflag:s22] =	ssyncadd.s32 s4;
	_ =	sdelay $0x1  }
0xa7: {  	s23 =	simm.s32 $0x1B8B  }
0xa8: {  	_ =	swait.ge [sflag:s23], $0x1  }
0xa9: {  	[sflag:s23] =	ssyncset.done $0x0  }
0xaa: {  	s25 =	simm.s32 $0x1B8E;
	s24 =	sld [smem:$0x3FFE];
	[sflag:s23] =	ssyncadd.s32 $0xFFFFFFFF  }
0xab: {  	s26 =	simm.s32 $execute0_lowered;
	[smem:$0x3FD2] =	sst s25  }
0xac: {  	s5 =	sshll.u32 s26, $0x1;
	_ =	strace $0x80000046;
	[dreg:$0x1] =	wrdreg $0xFFFFFFFF  }
0xad: {  	s28 =	simm.s32 $_size_execute0_lowered;
	s3 =	sadd.s32 s3, s5;
	[dreg:$0x0] =	wrdreg $0x0  }
0xae: {  	s5 =	sshll.u32 s28, $0x1;
	[dreg:$0x2] =	wrdreg s3  }
0xaf: {  	[dreg:$0x3] =	wrdreg s5  }
0xb0: {  	[dreg:$0x4] =	wrdreg $0xC0  }
0xb1: {  	_ =	task [dreg:s7], $0x5FFFF  }
0xb2: {  	[dreg:$0x1] =	wrdreg $0xFFFFFFFF  }
0xb3: {  	[dreg:$0x0] =	wrdreg $0x60  }
0xb4: {  	[dreg:$0x2] =	wrdreg s24  }
0xb5: {  	[dreg:$0x3] =	wrdreg s16  }
0xb6: {  	[dreg:$0x4] =	wrdreg $0x9  }
0xb7: {  	_ =	task.clear_ibuf [dreg:s7], $0x5FFFF;
	_ =	strace $0x90000046  }
0xb8: {  	s29 =	simm.s32 $0x9;
	_ =	strace $0x80000048  }
0xb9: {  	_ =	swait.ge [sflag:s29], $0x1  }
0xba: {  	[sflag:s29] =	ssyncadd.s32 $0xFFFFFFFF  }
0xbb: {  	_ =	strace $0x90000048  }
0xbc: {  	_ =	sfence  }
0xbd: {  	s30 =	sld [smem:$0x0];
	_ =	sdelay $0x2  }
0xbe: {  	s31 =	sshll.u32 s1, $0xD;
	s1 =	sshrl.u32 s1, $0x2  }
0xbf: {  	s3 =	sand.u32 $0x4000, s31;
	s1 =	sadd.s32 s1, s30  }
0xc0: {  	s0 =	sor.u32 s3, s0;
	s1 =	sshll.u32 s1, $0x11  }
0xc1: {  	s0 =	sor.u32 s1, s0  }
0xc2: {  	s0 =	sadd.s32 $0x8F2B, s0  }
0xc3: {  	[sflag:s0] =	ssyncadd.remote.s32 $0x1  }
0xc4: {  	_ =	sfence.sel $0xFFFF  }
0xc5: {  	[dreg:$0x0] =	wrdreg $0xFFFFFFFF;
	(pc) =	sbr.abs _section_cstart, $3  }
0xc6: {  	[dreg:$0x1] =	wrdreg $0xFFFFFFFF  }
0xc7: {  	_ =	task.clear_ibuf [dreg:s7], $0x2FFFF;
	_ =	strace $0x9FFFFFFF  }
0xc8: {  	(tm) =	ssettm $0x7FFFFFFF  }
0xc9: {  	_ =	shalt  }
tec
execute0_lowered:
.L_overlay_start_1:
0x0: {  	(tag) =	ssettag $0x1  }
0x1: {  	s0 =	rddreg [dreg:$0x0]  }
0x2: {  	s9 =	rddreg [dreg:$0x1];
	s2 =	srdreg.scid;
	s1 =	simm.s32 $0x0  }
0x3: {  	s25 =	stileid.u32;
	s14 =	simm.s32 $0xA400;
	s15 =	simm.s32 $0x2C00  }
0x4: {  	s16 =	simm.s32 $0x280;
	s17 =	simm.s32 $0xBC00;
	s18 =	simm.s32 $0x100  }
0x5: {  	s19 =	simm.s32 $0x5400;
	s20 =	simm.s32 $0x300;
	s8 =	smul.u32 $0x49800, s25  }
0x6: {  	s21 =	simm.s32 $0xD400;
	s22 =	simm.s32 $0x180;
	s13 =	smul.u32 $0x7A800, s25  }
0x7: {  	s23 =	simm.s32 $0x7C00;
	s5 =	sand.u32 $0x1, s2;
	s26 =	smul.u32 $0x1880, s25  }
0x8: {  	s24 =	simm.s32 $0x380;
	[smem:$0x7FF] =	sst s1;
	s10 =	smul.u32 $0x18800, s5  }
0x9: {  	s3 =	sadd.s32 $0x191400, s0;
	s4 =	sadd.s32 $0x9400, s0;
	s6 =	smul.u32 $0x7A8000, s5  }
0xa: {  	s25 =	simm.s32 $0xEC00;
	s7 =	smul.u32 $0x498000, s5;
	s5 =	ssub.s32 $0x2, s5  }
0xb: {  	_ =	strace $0x80000047;
	s12 =	sshrl.u32 s5, $0x1;
	s11 =	sadd.s32 s10, s0  }
0xc: {  	s7 =	sadd.s32 s7, s0;
	s5 =	ssub.s32 s5, s12;
	s0 =	sadd.s32 s6, s0  }
0xd: {  	s31 =	sadd.s32 s10, s9;
	s10 =	simm.s32 $0x1;
	s12 =	simm.s32 $0x80  }
0xe: {  	s28 =	smax.u32 s5, $0x1;
	s29 =	sadd.s32 s8, s7;
	s0 =	sadd.s32 s13, s0  }
0xf: {  	s30 =	sadd.s32 s26, s11;
	s9 =	sadd.s32 s26, s31;
	s11 =	simm.s32 $0x200  }
0x10: {  	s13 =	simm.s32 $0x400;
	s26 =	simm.s32 $0x0;
	s6 =	sadd.s32 $0xC46800, s29  }
0x11: {  	[dreg:$0x3] =	wrdreg s28;
	s7 =	sadd.s32 $0x1576800, s0;
	s8 =	sadd.s32 $0x286400, s30  }
.LBB2_1:
0x12: {  	s0 =	sadd.s32 $0x0, s9  }
0x13: {  	[tilespmem:s1], [sflag:$0x1] =	stream.linear.gather [hbm4b:s0+s1], $0x200, $0x38;
	[tilespmem:$0x10400] =	vst v63  }
0x14: {  	_ =	swait.ge [sflag:s10], $0x200  }
0x15: {  	[sflag:s10] =	ssyncset.done $0x0  }
0x16: {  	s5 =	sadd.s32 $0x0, s8;
	[sflag:s10] =	ssyncadd.s32 $0xFFFFFE00  }
0x17: {  	[tilespmem:s11], [sflag:$0x1] =	stream.linear.gather [hbm4b:s5+s1], $0x200, $0x38;
	[tilespmem:$0x10400] =	vst v63  }
0x18: {  	_ =	swait.ge [sflag:s10], $0x200  }
0x19: {  	[sflag:s10] =	ssyncset.done $0x0  }
0x1a: {  	[sflag:s10] =	ssyncadd.s32 $0xFFFFFE00  }
0x1b: {  	[tilespmem:s13], [sflag:$0x1] =	stream.indirect.gather [hbm4b:s3+s12], $0x50, s1, s12, $0xb8;
	[tilespmem:$0x10400] =	vst v63  }
0x1c: {  	_ =	swait.ge [sflag:s10], $0x2800  }
0x1d: {  	[sflag:s10] =	ssyncset.done $0x0  }
0x1e: {  	[sflag:s10] =	ssyncadd.s32 $0xFFFFD800  }
0x1f: {  	[tilespmem:s14], [sflag:$0x1] =	stream.indirect.gather [hbm4b:s4+s12], $0x30, s11, s12, $0xb8;
	[tilespmem:$0x10400] =	vst v63  }
0x20: {  	_ =	swait.ge [sflag:s10], $0x1800  }
0x21: {  	[sflag:s10] =	ssyncset.done $0x0  }
0x22: {  	[sflag:s10] =	ssyncadd.s32 $0xFFFFE800  }
0x23: {  	[tilespmem:s15], [sflag:$0x1] =	stream.indirect.gather [hbm4b:s3+s12], $0x50, s12, s12, $0xb8;
	[tilespmem:$0x10400] =	vst v63  }
0x24: {  	_ =	swait.ge [sflag:s10], $0x2800  }
0x25: {  	[sflag:s10] =	ssyncset.done $0x0  }
0x26: {  	[sflag:s10] =	ssyncadd.s32 $0xFFFFD800  }
0x27: {  	[tilespmem:s17], [sflag:$0x1] =	stream.indirect.gather [hbm4b:s4+s12], $0x30, s16, s12, $0xb8;
	[tilespmem:$0x10400] =	vst v63  }
0x28: {  	_ =	swait.ge [sflag:s10], $0x1800  }
0x29: {  	[sflag:s10] =	ssyncset.done $0x0  }
0x2a: {  	[sflag:s10] =	ssyncadd.s32 $0xFFFFE800  }
0x2b: {  	[tilespmem:s19], [sflag:$0x1] =	stream.indirect.gather [hbm4b:s3+s12], $0x50, s18, s12, $0xb8;
	[tilespmem:$0x10400] =	vst v63  }
0x2c: {  	_ =	swait.ge [sflag:s10], $0x2800  }
0x2d: {  	[sflag:s10] =	ssyncset.done $0x0  }
0x2e: {  	[sflag:s10] =	ssyncadd.s32 $0xFFFFD800  }
0x2f: {  	[tilespmem:s21], [sflag:$0x1] =	stream.indirect.gather [hbm4b:s4+s12], $0x30, s20, s12, $0xb8;
	[tilespmem:$0x10400] =	vst v63  }
0x30: {  	_ =	swait.ge [sflag:s10], $0x1800  }
0x31: {  	[sflag:s10] =	ssyncset.done $0x0  }
0x32: {  	[sflag:s10] =	ssyncadd.s32 $0xFFFFE800  }
0x33: {  	[tilespmem:s23], [sflag:$0x1] =	stream.indirect.gather [hbm4b:s3+s12], $0x50, s22, s12, $0xb8;
	[tilespmem:$0x10400] =	vst v63  }
0x34: {  	_ =	swait.ge [sflag:s10], $0x2800  }
0x35: {  	[sflag:s10] =	ssyncset.done $0x0  }
0x36: {  	[sflag:s10] =	ssyncadd.s32 $0xFFFFD800  }
0x37: {  	[tilespmem:s25], [sflag:$0x1] =	stream.indirect.gather [hbm4b:s4+s12], $0x30, s24, s12, $0xb8;
	[tilespmem:$0x10400] =	vst v63  }
0x38: {  	_ =	swait.ge [sflag:s10], $0x1800  }
0x39: {  	[sflag:s10] =	ssyncset.done $0x0  }
0x3a: {  	[sflag:s10] =	ssyncadd.s32 $0xFFFFE800  }
0x3b: {  	[hbm4b:s7+s1] =	stream.linear.scatter [tilespmem:s13], [sflag:$0x1], $0xA000, $0x38;
	[tilespmem:$0x10400] =	vst v63  }
0x3c: {  	_ =	swait.ge [sflag:s10], $0xA000  }
0x3d: {  	[sflag:s10] =	ssyncset.done $0x0  }
0x3e: {  	[sflag:s10] =	ssyncadd.s32 $0xFFFF6000  }
0x3f: {  	[hbm4b:s6+s1] =	stream.linear.scatter [tilespmem:s14], [sflag:$0x1], $0x6000, $0x38;
	[tilespmem:$0x10400] =	vst v63  }
0x40: {  	s30 =	simm.s32 $0x40;
	s31 =	simm.s32 $0x80;
	_ =	swait.ge [sflag:s10], $0x6000  }
0x41: {  	s28 =	sadd.s32 $0xC00, s6;
	s29 =	sadd.s32 $0x1400, s7;
	[sflag:s10] =	ssyncset.done $0x0  }
.LBB2_2:
0x42: {  	s2 =	sadd.s32 s30, s9  }
0x43: {  	[sflag:s10] =	ssyncadd.s32 $0xFFFFA000;
	s5 =	smov.u32 s31;
	s0 =	sadd.s32 $0x40, s31  }
0x44: {  	[tilespmem:s1], [sflag:$0x1] =	stream.linear.gather [hbm4b:s2+s1], $0x200, $0x38;
	[tilespmem:$0x10400] =	vst v63  }
0x45: {  	p0 =	sne.s32 s31, $0x1840;
	_ =	swait.ge [sflag:s10], $0x200  }
0x46: {  	[sflag:s10] =	ssyncset.done $0x0  }
0x47: {  	s2 =	sadd.s32 s30, s8;
	s30 =	smov.u32 s5;
	[sflag:s10] =	ssyncadd.s32 $0xFFFFFE00  }
0x48: {  	[tilespmem:s11], [sflag:$0x1] =	stream.linear.gather [hbm4b:s2+s1], $0x200, $0x38;
	[tilespmem:$0x10400] =	vst v63  }
0x49: {  	_ =	swait.ge [sflag:s10], $0x200  }
0x4a: {  	[sflag:s10] =	ssyncset.done $0x0  }
0x4b: {  	[sflag:s10] =	ssyncadd.s32 $0xFFFFFE00  }
0x4c: {  	[tilespmem:s13], [sflag:$0x1] =	stream.indirect.gather [hbm4b:s3+s12], $0x50, s1, s12, $0xb8;
	[tilespmem:$0x10400] =	vst v63  }
0x4d: {  	_ =	swait.ge [sflag:s10], $0x2800  }
0x4e: {  	[sflag:s10] =	ssyncset.done $0x0  }
0x4f: {  	[sflag:s10] =	ssyncadd.s32 $0xFFFFD800  }
0x50: {  	[tilespmem:s14], [sflag:$0x1] =	stream.indirect.gather [hbm4b:s4+s12], $0x30, s11, s12, $0xb8;
	[tilespmem:$0x10400] =	vst v63  }
0x51: {  	_ =	swait.ge [sflag:s10], $0x1800  }
0x52: {  	[sflag:s10] =	ssyncset.done $0x0  }
0x53: {  	[sflag:s10] =	ssyncadd.s32 $0xFFFFE800  }
0x54: {  	[tilespmem:s15], [sflag:$0x1] =	stream.indirect.gather [hbm4b:s3+s12], $0x50, s12, s12, $0xb8;
	[tilespmem:$0x10400] =	vst v63  }
0x55: {  	_ =	swait.ge [sflag:s10], $0x2800  }
0x56: {  	[sflag:s10] =	ssyncset.done $0x0  }
0x57: {  	[sflag:s10] =	ssyncadd.s32 $0xFFFFD800  }
0x58: {  	[tilespmem:s17], [sflag:$0x1] =	stream.indirect.gather [hbm4b:s4+s12], $0x30, s16, s12, $0xb8;
	[tilespmem:$0x10400] =	vst v63  }
0x59: {  	_ =	swait.ge [sflag:s10], $0x1800  }
0x5a: {  	[sflag:s10] =	ssyncset.done $0x0  }
0x5b: {  	[sflag:s10] =	ssyncadd.s32 $0xFFFFE800  }
0x5c: {  	[tilespmem:s19], [sflag:$0x1] =	stream.indirect.gather [hbm4b:s3+s12], $0x50, s18, s12, $0xb8;
	[tilespmem:$0x10400] =	vst v63  }
0x5d: {  	_ =	swait.ge [sflag:s10], $0x2800  }
0x5e: {  	[sflag:s10] =	ssyncset.done $0x0  }
0x5f: {  	[sflag:s10] =	ssyncadd.s32 $0xFFFFD800  }
0x60: {  	[tilespmem:s21], [sflag:$0x1] =	stream.indirect.gather [hbm4b:s4+s12], $0x30, s20, s12, $0xb8;
	[tilespmem:$0x10400] =	vst v63  }
0x61: {  	_ =	swait.ge [sflag:s10], $0x1800  }
0x62: {  	[sflag:s10] =	ssyncset.done $0x0  }
0x63: {  	[sflag:s10] =	ssyncadd.s32 $0xFFFFE800  }
0x64: {  	[tilespmem:s23], [sflag:$0x1] =	stream.indirect.gather [hbm4b:s3+s12], $0x50, s22, s12, $0xb8;
	[tilespmem:$0x10400] =	vst v63  }
0x65: {  	_ =	swait.ge [sflag:s10], $0x2800  }
0x66: {  	[sflag:s10] =	ssyncset.done $0x0  }
0x67: {  	[sflag:s10] =	ssyncadd.s32 $0xFFFFD800  }
0x68: {  	[tilespmem:s25], [sflag:$0x1] =	stream.indirect.gather [hbm4b:s4+s12], $0x30, s24, s12, $0xb8;
	[tilespmem:$0x10400] =	vst v63  }
0x69: {  	_ =	swait.ge [sflag:s10], $0x1800  }
0x6a: {  	[sflag:s10] =	ssyncset.done $0x0  }
0x6b: {  	[sflag:s10] =	ssyncadd.s32 $0xFFFFE800  }
0x6c: {  	[hbm4b:s29+s1] =	stream.linear.scatter [tilespmem:s13], [sflag:$0x1], $0xA000, $0x38;
	[tilespmem:$0x10400] =	vst v63  }
0x6d: {  	_ =	swait.ge [sflag:s10], $0xA000  }
.Ltmp0:
0x6e: {  	[sflag:s10] =	ssyncset.done $0x0;
	(pc) =	sbr.rel @p0 .LBB2_2-.Ltmp0, $4  }
0x6f: {  	[sflag:s10] =	ssyncadd.s32 $0xFFFF6000  }
0x70: {  	[hbm4b:s28+s1] =	stream.linear.scatter [tilespmem:s14], [sflag:$0x1], $0x6000, $0x38;
	[tilespmem:$0x10400] =	vst v63  }
0x71: {  	s31 =	smov.u32 s0;
	_ =	swait.ge [sflag:s10], $0x6000  }
0x72: {  	s29 =	sadd.s32 $0x1400, s29;
	s28 =	sadd.s32 $0xC00, s28;
	[sflag:s10] =	ssyncset.done $0x0  }
0x73: {  	s0 =	sadd.s32 s30, s9;
	[sflag:s10] =	ssyncadd.s32 $0xFFFFA000  }
0x74: {  	[tilespmem:s1], [sflag:$0x1] =	stream.linear.gather [hbm4b:s0+s1], $0x200, $0x38;
	[tilespmem:$0x10400] =	vst v63  }
0x75: {  	_ =	swait.ge [sflag:s10], $0x200  }
0x76: {  	[sflag:s10] =	ssyncset.done $0x0  }
0x77: {  	s30 =	sadd.s32 s30, s8;
	[sflag:s10] =	ssyncadd.s32 $0xFFFFFE00  }
0x78: {  	[tilespmem:s11], [sflag:$0x1] =	stream.linear.gather [hbm4b:s30+s1], $0x200, $0x38;
	[tilespmem:$0x10400] =	vst v63  }
0x79: {  	_ =	swait.ge [sflag:s10], $0x200  }
0x7a: {  	[sflag:s10] =	ssyncset.done $0x0  }
0x7b: {  	[sflag:s10] =	ssyncadd.s32 $0xFFFFFE00  }
0x7c: {  	[tilespmem:s13], [sflag:$0x1] =	stream.indirect.gather [hbm4b:s3+s12], $0x50, s1, s12, $0xb8;
	[tilespmem:$0x10400] =	vst v63  }
0x7d: {  	_ =	swait.ge [sflag:s10], $0x2800  }
0x7e: {  	[sflag:s10] =	ssyncset.done $0x0  }
0x7f: {  	[sflag:s10] =	ssyncadd.s32 $0xFFFFD800  }
0x80: {  	[tilespmem:s14], [sflag:$0x1] =	stream.indirect.gather [hbm4b:s4+s12], $0x30, s11, s12, $0xb8;
	[tilespmem:$0x10400] =	vst v63  }
0x81: {  	_ =	swait.ge [sflag:s10], $0x1800  }
0x82: {  	[sflag:s10] =	ssyncset.done $0x0  }
0x83: {  	[sflag:s10] =	ssyncadd.s32 $0xFFFFE800  }
0x84: {  	[tilespmem:s15], [sflag:$0x1] =	stream.indirect.gather [hbm4b:s3+s12], $0x50, s12, s12, $0xb8;
	[tilespmem:$0x10400] =	vst v63  }
0x85: {  	_ =	swait.ge [sflag:s10], $0x2800  }
0x86: {  	[sflag:s10] =	ssyncset.done $0x0  }
0x87: {  	[sflag:s10] =	ssyncadd.s32 $0xFFFFD800  }
0x88: {  	[tilespmem:s17], [sflag:$0x1] =	stream.indirect.gather [hbm4b:s4+s12], $0x30, s16, s12, $0xb8;
	[tilespmem:$0x10400] =	vst v63  }
0x89: {  	_ =	swait.ge [sflag:s10], $0x1800  }
0x8a: {  	[sflag:s10] =	ssyncset.done $0x0  }
0x8b: {  	[sflag:s10] =	ssyncadd.s32 $0xFFFFE800  }
0x8c: {  	[tilespmem:s19], [sflag:$0x1] =	stream.indirect.gather [hbm4b:s3+s12], $0x50, s18, s12, $0xb8;
	[tilespmem:$0x10400] =	vst v63  }
0x8d: {  	_ =	swait.ge [sflag:s10], $0x2800  }
0x8e: {  	[sflag:s10] =	ssyncset.done $0x0  }
0x8f: {  	[sflag:s10] =	ssyncadd.s32 $0xFFFFD800  }
0x90: {  	[tilespmem:s21], [sflag:$0x1] =	stream.indirect.gather [hbm4b:s4+s12], $0x30, s20, s12, $0xb8;
	[tilespmem:$0x10400] =	vst v63  }
0x91: {  	_ =	swait.ge [sflag:s10], $0x1800  }
0x92: {  	[sflag:s10] =	ssyncset.done $0x0  }
0x93: {  	[sflag:s10] =	ssyncadd.s32 $0xFFFFE800  }
0x94: {  	[tilespmem:s23], [sflag:$0x1] =	stream.indirect.gather [hbm4b:s3+s12], $0x50, s22, s12, $0xb8;
	[tilespmem:$0x10400] =	vst v63  }
0x95: {  	_ =	swait.ge [sflag:s10], $0x2800  }
0x96: {  	[sflag:s10] =	ssyncset.done $0x0  }
0x97: {  	[sflag:s10] =	ssyncadd.s32 $0xFFFFD800  }
0x98: {  	[tilespmem:s25], [sflag:$0x1] =	stream.indirect.gather [hbm4b:s4+s12], $0x30, s24, s12, $0xb8;
	[tilespmem:$0x10400] =	vst v63  }
0x99: {  	_ =	swait.ge [sflag:s10], $0x1800  }
0x9a: {  	[sflag:s10] =	ssyncset.done $0x0  }
0x9b: {  	[sflag:s10] =	ssyncadd.s32 $0xFFFFE800  }
0x9c: {  	[hbm4b:s29+s1] =	stream.linear.scatter [tilespmem:s13], [sflag:$0x1], $0xA000, $0x38;
	[tilespmem:$0x10400] =	vst v63  }
0x9d: {  	_ =	swait.ge [sflag:s10], $0xA000  }
0x9e: {  	[sflag:s10] =	ssyncset.done $0x0  }
0x9f: {  	[sflag:s10] =	ssyncadd.s32 $0xFFFF6000  }
0xa0: {  	[hbm4b:s28+s1] =	stream.linear.scatter [tilespmem:s14], [sflag:$0x1], $0x6000, $0x38;
	[tilespmem:$0x10400] =	vst v63  }
0xa1: {  	_ =	swait.ge [sflag:s10], $0x6000  }
0xa2: {  	s26 =	sadd.s32 $0x1, s26;
	s31 =	rddreg [dreg:$0x3]  }
0xa3: {  	p0 =	sne.s32 s26, s31  }
.Ltmp1:
0xa4: {  	_ = 	snop;
	(pc) =	sbr.rel @p0 .LBB2_1-.Ltmp1, $3  }
0xa5: {  	_ =	sdelay $0x1  }
0xa6: {  	[sflag:s10] =	ssyncset.done $0x0  }
0xa7: {  	[sflag:s10] =	ssyncadd.s32 $0xFFFFA000  }
0xa8: {  	_ =	sfence.sel $0x180000  }
0xa9: {  	[bflag:$0x0] =	sbarrier.arrive $0xFFFF  }
0xaa: {  	_ =	strace $0x90000047  }
0xab: {  	s0 =	stileid.u32;
	[bflag:$0x2] =	sbarrier.arrive $0xFFFF  }
0xac: {  	p0 =	sne.s32 s0, $0x0;
	s0 =	rddreg [dreg:$0x2]  }
0xad: {  	s0 =	sadd.s32 @!p0 $0x100000, s0  }
0xae: {  	[sflag:s0] =	ssyncadd.tile.s32 @!p0 $0x1;
	_ =	shalt  }
.Lfunc_end2:
_tile_overlayer_lowered:
.L_overlay_start_2:
0xaf: {  	(tag) =	ssettag $0x2  }
0xb0: {  	s0 =	rddreg [dreg:$0x0];
	s2 =	stileid.u32  }
0xb1: {  	s1 =	rddreg [dreg:$0x1];
	p0 =	sne.s32 s2, $0x0  }
0xb2: {  	s3 =	rddreg [dreg:$0x2];
	[bflag:$0x3] =	sbarrier.arrive $0xFFFF;
	s2 =	simm.s32 @!p0 $0x1C01  }
0xb3: {  	[timem:s3], [sflag:s2] =	dma.local @!p0 [hbm:s0], s1  }
0xb4: {  	s0 =	simm.s32 @!p0 $0x1  }
0xb5: {  	_ =	swait.ge @!p0 [sflag:s0], s1  }
0xb6: {  	s1 =	ssub.s32 @!p0 $0x0, s1;
	[sflag:s0] =	ssyncset.done @!p0 $0x0  }
0xb7: {  	[sflag:s0] =	ssyncadd.s32 @!p0 s1  }
0xb8: {  	[bflag:$0x3] =	sbarrier.arrive $0xFFFF  }
0xb9: {  	_ =	shalt  }

</sc_bundles>
